<compile_context>
chip_gen: v7x
topology: tpu7x:2x2x1
jax: 0.10.2.dev20260603
libtpu: 0.0.44.dev20260713+nightly
codegen_flags: <defaults>
</compile_context>

<pallas_src>
import functools

import jax
import jax.numpy as jnp
from jax import lax
from jax.experimental import pallas as pl
from jax.experimental.pallas import tpu as pltpu
from jax.experimental.pallas import tpu_sc as plsc

NUM_CLASSES = 80
CONF = 0.1
IOU_T = 0.5
MAX_DET = 100
N_RAW = 5000
N_PAD = 5120
K_PAD = 128
KSEL = 256
PRIV = 48
W = 256
BIG = 1 << 30
CONF_BITS = 0x3DCCCCCD
ONE_BITS = 0x3F800000


def _box_rows(geom_ref):
    g = geom_ref[:]
    cx = g[0:1, :]
    cy = g[1:2, :]
    w = g[2:3, :]
    h = g[3:4, :]
    obj = g[4:5, :]
    x1 = jnp.clip(cx - w * 0.5, 0.0, 1.0)
    y1 = jnp.clip(cy - h * 0.5, 0.0, 1.0)
    x2 = jnp.clip(cx + w * 0.5, 0.0, 1.0)
    y2 = jnp.clip(cy + h * 0.5, 0.0, 1.0)
    a2 = jnp.maximum(x2 - x1, 0.0) * jnp.maximum(y2 - y1, 0.0)
    return x1, y1, x2, y2, a2, obj


def _nms_steps(s_ref, ids, x1, y1, x2, y2, a2, lmask,
               ks_ref, kx1_ref, ky1_ref, kx2_ref, ky2_ref):
    neg_inf = jnp.float32(-jnp.inf)

    def step(t, _):
        s = s_ref[:]
        m = jnp.max(s, axis=1, keepdims=True)
        idx = jnp.min(jnp.where(s == m, ids, BIG), axis=1,
                      keepdims=True)
        sel = ids == idx
        bx1 = jnp.max(jnp.where(sel, x1, -1.0), axis=1, keepdims=True)
        by1 = jnp.max(jnp.where(sel, y1, -1.0), axis=1, keepdims=True)
        bx2 = jnp.max(jnp.where(sel, x2, -1.0), axis=1, keepdims=True)
        by2 = jnp.max(jnp.where(sel, y2, -1.0), axis=1, keepdims=True)
        a1 = jnp.maximum(bx2 - bx1, 0.0) * jnp.maximum(by2 - by1, 0.0)
        ix1 = jnp.maximum(bx1, x1)
        iy1 = jnp.maximum(by1, y1)
        ix2 = jnp.minimum(bx2, x2)
        iy2 = jnp.minimum(by2, y2)
        inter = jnp.maximum(ix2 - ix1, 0.0) * jnp.maximum(iy2 - iy1, 0.0)
        iou = inter / (a1 + a2 - inter + 1e-9)
        s_ref[:] = jnp.where(iou > IOU_T, neg_inf, s)
        wr = lmask == t
        ks_ref[:] = jnp.where(wr, m, ks_ref[:])
        kx1_ref[:] = jnp.where(wr, bx1, kx1_ref[:])
        ky1_ref[:] = jnp.where(wr, by1, ky1_ref[:])
        kx2_ref[:] = jnp.where(wr, bx2, kx2_ref[:])
        ky2_ref[:] = jnp.where(wr, by2, ky2_ref[:])
        return 0

    lax.fori_loop(0, MAX_DET, step, 0)


def _nms_steps_fast(s_ref, x1, y1, x2, y2, a2, lmask,
                    ks_ref, kx1_ref, ky1_ref, kx2_ref, ky2_ref):
    neg_inf = jnp.float32(-jnp.inf)

    def step(t, tflag):
        s = s_ref[:]
        m = jnp.max(s, axis=1, keepdims=True)
        sel = s == m
        nmax = jnp.sum(sel.astype(jnp.int32), axis=1, keepdims=True)
        tflag = jnp.maximum(
            tflag,
            jnp.where(jnp.logical_and(nmax > 1, m > neg_inf), 1, 0))
        bx1 = jnp.max(jnp.where(sel, x1, -1.0), axis=1, keepdims=True)
        by1 = jnp.max(jnp.where(sel, y1, -1.0), axis=1, keepdims=True)
        bx2 = jnp.max(jnp.where(sel, x2, -1.0), axis=1, keepdims=True)
        by2 = jnp.max(jnp.where(sel, y2, -1.0), axis=1, keepdims=True)
        a1 = jnp.maximum(bx2 - bx1, 0.0) * jnp.maximum(by2 - by1, 0.0)
        ix1 = jnp.maximum(bx1, x1)
        iy1 = jnp.maximum(by1, y1)
        ix2 = jnp.minimum(bx2, x2)
        iy2 = jnp.minimum(by2, y2)
        inter = jnp.maximum(ix2 - ix1, 0.0) * jnp.maximum(iy2 - iy1, 0.0)
        iou = inter / (a1 + a2 - inter + 1e-9)
        s_ref[:] = jnp.where(iou > IOU_T, neg_inf, s)
        wr = lmask == t
        ks_ref[:] = jnp.where(wr, m, ks_ref[:])
        kx1_ref[:] = jnp.where(wr, bx1, kx1_ref[:])
        ky1_ref[:] = jnp.where(wr, by1, ky1_ref[:])
        kx2_ref[:] = jnp.where(wr, bx2, kx2_ref[:])
        ky2_ref[:] = jnp.where(wr, by2, ky2_ref[:])
        return tflag

    return lax.fori_loop(0, MAX_DET, step,
                         jnp.zeros((NUM_CLASSES, 1), jnp.int32))


def _full_nms_kernel(geom_ref, cls_ref, ks_ref, kx1_ref, ky1_ref, kx2_ref,
                     ky2_ref, s_ref):
    neg_inf = jnp.float32(-jnp.inf)
    x1, y1, x2, y2, a2, obj = _box_rows(geom_ref)
    sc = cls_ref[:] * obj
    s_ref[:] = jnp.where(sc > CONF, sc, neg_inf)
    ids = lax.broadcasted_iota(jnp.int32, (NUM_CLASSES, N_PAD), 1)
    lmask = lax.broadcasted_iota(jnp.int32, (NUM_CLASSES, K_PAD), 1)
    _nms_steps(s_ref, ids, x1, y1, x2, y2, a2, lmask,
               ks_ref, kx1_ref, ky1_ref, kx2_ref, ky2_ref)


def _prep_kernel(geom_ref, cls_ref, s_ref, coords_ref, thr_ref,
                 csel_ref, call_ref):
    neg_inf = jnp.float32(-jnp.inf)
    x1, y1, x2, y2, a2, obj = _box_rows(geom_ref)
    coords_ref[0:1, :] = x1
    coords_ref[1:2, :] = y1
    coords_ref[2:3, :] = x2
    coords_ref[3:4, :] = y2
    coords_ref[4:5, :] = a2
    sc = cls_ref[:] * obj
    s = jnp.where(sc > CONF, sc, neg_inf)
    s_ref[:] = s
    sbits = lax.bitcast_convert_type(s, jnp.int32)

    lo0 = jnp.full((NUM_CLASSES, 1), CONF_BITS, jnp.int32)
    hi0 = jnp.full((NUM_CLASSES, 1), ONE_BITS, jnp.int32)

    def bis(i, lohi):
        lo, hi = lohi
        mid = lax.shift_right_arithmetic(lo + hi, 1)
        cnt = jnp.sum((sbits > mid).astype(jnp.int32), axis=1, keepdims=True)
        ge = cnt >= KSEL
        return (jnp.where(ge, mid, lo), jnp.where(ge, hi, mid))

    lo, _ = lax.fori_loop(0, 25, bis, (lo0, hi0))
    thr = lax.bitcast_convert_type(lo, jnp.float32)
    thr_ref[:] = jnp.broadcast_to(thr, (NUM_CLASSES, K_PAD))
    csel = jnp.sum((sbits > lo).astype(jnp.int32), axis=1, keepdims=True)
    call = jnp.sum((sbits > CONF_BITS).astype(jnp.int32), axis=1,
                   keepdims=True)
    csel_ref[:] = jnp.broadcast_to(csel, (NUM_CLASSES, K_PAD))
    call_ref[:] = jnp.broadcast_to(call, (NUM_CLASSES, K_PAD))


def _narrow_nms_kernel(cs_ref, cx1_ref, cy1_ref, cx2_ref, cy2_ref,
                       cnt_ref, csel_ref, call_ref,
                       ks_ref, kx1_ref, ky1_ref, kx2_ref, ky2_ref, fb_ref,
                       s_ref):
    x1 = cx1_ref[:]
    y1 = cy1_ref[:]
    x2 = cx2_ref[:]
    y2 = cy2_ref[:]
    a2 = jnp.maximum(x2 - x1, 0.0) * jnp.maximum(y2 - y1, 0.0)
    s_ref[:] = cs_ref[:]
    lmask = lax.broadcasted_iota(jnp.int32, (NUM_CLASSES, K_PAD), 1)
    tie = _nms_steps_fast(s_ref, x1, y1, x2, y2, a2, lmask,
                          ks_ref, kx1_ref, ky1_ref, kx2_ref, ky2_ref)
    ksv = ks_ref[:]
    finite = jnp.logical_and(ksv > jnp.float32(-jnp.inf), lmask < MAX_DET)
    picks = jnp.sum(finite.astype(jnp.int32), axis=1, keepdims=True)
    over = jnp.max(cnt_ref[:], axis=1, keepdims=True) > PRIV
    csel = csel_ref[:, 0:1]
    call = call_ref[:, 0:1]
    fbc = jnp.logical_or(
        jnp.logical_or(tie > 0, jnp.logical_or(over, csel > W)),
        jnp.logical_and(picks < MAX_DET, call > csel))
    fb = jnp.max(fbc.astype(jnp.int32), axis=0, keepdims=True)
    fb_ref[:] = jnp.broadcast_to(fb, (8, K_PAD))


def _make_sc_compact():
    info = plsc.get_sparse_core_info()
    nc, ns = info.num_cores, info.num_subcores
    nw = nc * ns
    n_iter = N_PAD // 16
    mesh = plsc.VectorSubcoreMesh(core_axis_name="c", subcore_axis_name="s")
    f32 = jnp.float32
    i32 = jnp.int32

    @functools.partial(
        pl.kernel, mesh=mesh,
        compiler_params=pltpu.CompilerParams(needs_layout_passes=False),
        out_type=[
            jax.ShapeDtypeStruct((NUM_CLASSES, W), f32),
            jax.ShapeDtypeStruct((NUM_CLASSES, W), i32),
            jax.ShapeDtypeStruct((NUM_CLASSES, W), f32),
            jax.ShapeDtypeStruct((NUM_CLASSES, W), f32),
            jax.ShapeDtypeStruct((NUM_CLASSES, W), f32),
            jax.ShapeDtypeStruct((NUM_CLASSES, W), f32),
            jax.ShapeDtypeStruct((NUM_CLASSES, 16), i32),
        ],
        scratch_types=[
            pltpu.VMEM((N_PAD,), f32),
            pltpu.VMEM((N_PAD,), f32),
            pltpu.VMEM((N_PAD,), f32),
            pltpu.VMEM((N_PAD,), f32),
            pltpu.VMEM((N_PAD,), f32),
            pltpu.VMEM((16,), f32),
            pltpu.VMEM((16,), i32),
            pltpu.VMEM((16,), i32),
            pltpu.VMEM((16 * PRIV,), f32),
            pltpu.VMEM((16 * PRIV,), i32),
            pltpu.VMEM((W,), f32),
            pltpu.VMEM((W,), i32),
            pltpu.VMEM((W,), f32),
            pltpu.VMEM((W,), f32),
            pltpu.VMEM((W,), f32),
            pltpu.VMEM((W,), f32),
        ],
    )
    def compact(s_hbm, thr_hbm, x1_hbm, y1_hbm, x2_hbm, y2_hbm,
                cs_hbm, ci_hbm, cx1_hbm, cy1_hbm, cx2_hbm, cy2_hbm, cnt_hbm,
                s_row, x1v, y1v, x2v, y2v, thrb, cntb, pbuf,
                ps, pi, ccs, cci, cb0, cb1, cb2, cb3):
        wid = lax.axis_index("s") * nc + lax.axis_index("c")
        pltpu.sync_copy(x1_hbm, x1v)
        pltpu.sync_copy(y1_hbm, y1v)
        pltpu.sync_copy(x2_hbm, x2v)
        pltpu.sync_copy(y2_hbm, y2v)
        iota16 = lax.broadcasted_iota(jnp.int32, (16,), 0)
        zero16 = jnp.zeros((16,), i32)
        one16 = jnp.ones((16,), i32)
        ninf16 = jnp.full((16,), -jnp.inf, f32)
        priv16 = jnp.full((16,), PRIV, i32)
        w16 = jnp.full((16,), W, i32)
        base16 = iota16 * priv16
        UNROLL = 4

        for k in range(3):
            c = wid + nw * k

            @pl.when(c < NUM_CLASSES)
            def _():
                pltpu.sync_copy(s_hbm.at[c], s_row)
                pltpu.sync_copy(thr_hbm.at[c], thrb)

                def clear(j, _):
                    cci[pl.ds(j * 16, 16)] = zero16
                    ccs[pl.ds(j * 16, 16)] = ninf16
                    return 0

                lax.fori_loop(0, W // 16, clear, 0)

                def it(i, cur):
                    t = thrb[...]
                    for u in range(UNROLL):
                        v = s_row[pl.ds(i * (16 * UNROLL) + u * 16, 16)]
                        m = v > t
                        pos = base16 + cur
                        m2 = jnp.logical_and(m, cur < priv16)
                        bi = lax.broadcast_in_dim(
                            i * (16 * UNROLL) + u * 16, (16,), ())
                        idxv = iota16 + bi
                        plsc.store_scatter(pi, [pos], idxv, mask=m2)
                        plsc.store_scatter(ps, [pos], v, mask=m2)
                        cur = cur + jnp.where(m, one16, zero16)
                    return cur

                cur = lax.fori_loop(0, n_iter // UNROLL, it, zero16)
                cntb[pl.ds(0, 16)] = cur

                capped = jnp.minimum(cur, priv16)
                incl = capped
                for sh in (1, 2, 4, 8):
                    pbuf[pl.ds(0, 16)] = incl
                    gidx = jnp.maximum(iota16 - jnp.full((16,), sh, i32),
                                       zero16)
                    g = plsc.load_gather(pbuf, [gidx])
                    g = jnp.where(iota16 >= jnp.full((16,), sh, i32),
                                  g, zero16)
                    incl = incl + g
                excl = incl - capped

                def mrg(j, _):
                    jb = lax.broadcast_in_dim(j, (16,), ())
                    src = base16 + jb
                    vs = plsc.load_gather(ps, [src])
                    vi = plsc.load_gather(pi, [src])
                    pos = excl + jb
                    m = jnp.logical_and(jb < capped, pos < w16)
                    plsc.store_scatter(ccs, [pos], vs, mask=m)
                    plsc.store_scatter(cci, [pos], vi, mask=m)
                    return 0

                lax.fori_loop(0, PRIV, mrg, 0)

                def gat(j, _):
                    sl = pl.ds(j * 16, 16)
                    iv = cci[sl]
                    cb0[sl] = plsc.load_gather(x1v, [iv])
                    cb1[sl] = plsc.load_gather(y1v, [iv])
                    cb2[sl] = plsc.load_gather(x2v, [iv])
                    cb3[sl] = plsc.load_gather(y2v, [iv])
                    return 0

                lax.fori_loop(0, W // 16, gat, 0)

                pltpu.sync_copy(ccs, cs_hbm.at[c])
                pltpu.sync_copy(cci, ci_hbm.at[c])
                pltpu.sync_copy(cb0, cx1_hbm.at[c])
                pltpu.sync_copy(cb1, cy1_hbm.at[c])
                pltpu.sync_copy(cb2, cx2_hbm.at[c])
                pltpu.sync_copy(cb3, cy2_hbm.at[c])
                pltpu.sync_copy(cntb, cnt_hbm.at[c])

    return compact


_sc_compact = None


def _get_sc_compact():
    global _sc_compact
    if _sc_compact is None:
        _sc_compact = _make_sc_compact()
    return _sc_compact


def kernel(pred, device=0):
    pred = pred.astype(jnp.float32)
    geom = jnp.zeros((8, N_PAD), jnp.float32)
    geom = geom.at[:5, :N_RAW].set(pred[:, :5].T)
    cls_t = jnp.zeros((NUM_CLASSES, N_PAD), jnp.float32)
    cls_t = cls_t.at[:, :N_RAW].set(pred[:, 5:].T)

    f32 = jnp.float32
    s, coords, thr, csel, call_ = pl.pallas_call(
        _prep_kernel,
        out_shape=[
            jax.ShapeDtypeStruct((NUM_CLASSES, N_PAD), f32),
            jax.ShapeDtypeStruct((8, N_PAD), f32),
            jax.ShapeDtypeStruct((NUM_CLASSES, K_PAD), f32),
            jax.ShapeDtypeStruct((NUM_CLASSES, K_PAD), jnp.int32),
            jax.ShapeDtypeStruct((NUM_CLASSES, K_PAD), jnp.int32),
        ],
    )(geom, cls_t)

    cs, ci, cx1, cy1, cx2, cy2, cnt = _get_sc_compact()(
        s, thr[:, :16], coords[0], coords[1], coords[2], coords[3])

    out_sh = jax.ShapeDtypeStruct((NUM_CLASSES, K_PAD), f32)
    ks, kx1, ky1, kx2, ky2, fb = pl.pallas_call(
        _narrow_nms_kernel,
        out_shape=[out_sh] * 5 + [jax.ShapeDtypeStruct((8, K_PAD), jnp.int32)],
        scratch_shapes=[pltpu.VMEM((NUM_CLASSES, W), f32)],
    )(cs, cx1, cy1, cx2, cy2, cnt, csel, call_)

    def fallback(_):
        return tuple(pl.pallas_call(
            _full_nms_kernel,
            out_shape=[out_sh] * 5,
            scratch_shapes=[pltpu.VMEM((NUM_CLASSES, N_PAD), f32)],
        )(geom, cls_t))

    def fast(_):
        return ks, kx1, ky1, kx2, ky2

    ks, kx1, ky1, kx2, ky2 = lax.cond(fb[0, 0] > 0, fallback, fast, None)

    ks = ks[:, :MAX_DET]
    kb = jnp.stack([kx1[:, :MAX_DET], ky1[:, :MAX_DET],
                    kx2[:, :MAX_DET], ky2[:, :MAX_DET]], axis=-1)
    valid = jnp.isfinite(ks)
    labels = jnp.broadcast_to(
        jnp.arange(NUM_CLASSES, dtype=jnp.int32)[:, None],
        (NUM_CLASSES, MAX_DET))
    p_scores = jnp.where(valid, ks, 0.0)
    p_boxes = jnp.where(valid[..., None], kb, 0.0)
    return p_boxes, labels, p_scores, valid

# --- scband reference (transcript-rebuilt; emitter-appended) ---
"""Pipeline reference for scband-yolopredict-16003048145237 (READ-ONLY COPY).

The authoritative reference and input builder live on the scoring server;
editing this copy changes nothing except your own understanding.
"""

import jax, jax.numpy as jnp
import numpy as np

NUM_CLASSES = 80
CONF = 0.1
IOU_T = 0.5
MAX_DET = 100


def setup_inputs(seed: int = 0) -> dict:
    key = jax.random.key(seed)
    pred = jax.random.uniform(key, (5000, 5 + NUM_CLASSES), dtype=jnp.float32)
    return {"pred": pred, "device": 0}


def _c_box_to_b_box(b):
    # (cx, cy, w, h) -> (x1, y1, x2, y2)
    cx, cy, w, h = b[:, 0], b[:, 1], b[:, 2], b[:, 3]
    return jnp.stack([cx - w / 2.0, cy - h / 2.0, cx + w / 2.0, cy + h / 2.0], axis=-1)


def _clip_boxes(b):
    # clip_boxes_to_image with image size (1, 1)
    return jnp.clip(b, 0.0, 1.0)


def _iou_one_vs_all(box, boxes):
    x1 = jnp.maximum(box[0], boxes[:, 0])
    y1 = jnp.maximum(box[1], boxes[:, 1])
    x2 = jnp.minimum(box[2], boxes[:, 2])
    y2 = jnp.minimum(box[3], boxes[:, 3])
    inter = jnp.clip(x2 - x1, 0.0) * jnp.clip(y2 - y1, 0.0)
    a1 = jnp.clip(box[2] - box[0], 0.0) * jnp.clip(box[3] - box[1], 0.0)
    a2 = jnp.clip(boxes[:, 2] - boxes[:, 0], 0.0) * jnp.clip(boxes[:, 3] - boxes[:, 1], 0.0)
    return inter / (a1 + a2 - inter + 1e-9)


def reference(pred, device=0):
    box_pred = pred[..., :4].reshape(-1, 4)
    obj_pred = pred[..., 4].reshape(-1, 1)
    score_pred = pred[..., 5:].reshape(-1, NUM_CLASSES)
    boxes = _clip_boxes(_c_box_to_b_box(box_pred))
    scores = score_pred * obj_pred              # [N, C]
    scores_t = scores.T                          # [C, N]
    neg_inf = jnp.float32(-jnp.inf)
    masked = jnp.where(scores_t > CONF, scores_t, neg_inf)  # confidence filter

    def nms_single(scores_cl):
        def step(s, _):
            idx = jnp.argmax(s)
            best = s[idx]
            b = boxes[idx]
            iou = _iou_one_vs_all(b, boxes)
            s2 = jnp.where(iou > IOU_T, neg_inf, s)
            return s2, (b, best)
        _, (kb, ks) = jax.lax.scan(step, scores_cl, None, length=MAX_DET)
        return kb, ks  # [MAX_DET, 4], [MAX_DET]

    kept_boxes, kept_scores = jax.vmap(nms_single)(masked)  # [C,K,4], [C,K]
    valid = jnp.isfinite(kept_scores)                        # [C,K]
    labels = jnp.broadcast_to(jnp.arange(NUM_CLASSES, dtype=jnp.int32)[:, None],
                              (NUM_CLASSES, MAX_DET))
    p_scores = jnp.where(valid, kept_scores, 0.0)
    p_boxes = jnp.where(valid[..., None], kept_boxes, 0.0)
    return p_boxes, labels, p_scores, valid

if __name__ == "__main__":
    import jax
    _d = setup_inputs()
    print(jax.jit(kernel)(*tuple(_d.values())))

</pallas_src>

<mosaic_0001>
#map = affine_map<(d0, d1) -> (0, 0)>
#map1 = affine_map<(d0, d1) -> (0)>
module attributes {stable_mosaic.version = 14 : i64} {
  func.func @compact(%arg0: i32, %arg1: i32, %arg2: memref<80x5120xf32, #tpu.memory_space<hbm>>, %arg3: memref<80x16xf32, #tpu.memory_space<hbm>>, %arg4: memref<5120xf32, #tpu.memory_space<hbm>>, %arg5: memref<5120xf32, #tpu.memory_space<hbm>>, %arg6: memref<5120xf32, #tpu.memory_space<hbm>>, %arg7: memref<5120xf32, #tpu.memory_space<hbm>>, %arg8: memref<80x256xf32, #tpu.memory_space<hbm>>, %arg9: memref<80x256xi32, #tpu.memory_space<hbm>>, %arg10: memref<80x256xf32, #tpu.memory_space<hbm>>, %arg11: memref<80x256xf32, #tpu.memory_space<hbm>>, %arg12: memref<80x256xf32, #tpu.memory_space<hbm>>, %arg13: memref<80x256xf32, #tpu.memory_space<hbm>>, %arg14: memref<80x16xi32, #tpu.memory_space<hbm>>, %arg15: memref<5120xf32, #tpu.memory_space<vmem>>, %arg16: memref<5120xf32, #tpu.memory_space<vmem>>, %arg17: memref<5120xf32, #tpu.memory_space<vmem>>, %arg18: memref<5120xf32, #tpu.memory_space<vmem>>, %arg19: memref<5120xf32, #tpu.memory_space<vmem>>, %arg20: memref<16xf32, #tpu.memory_space<vmem>>, %arg21: memref<16xi32, #tpu.memory_space<vmem>>, %arg22: memref<16xi32, #tpu.memory_space<vmem>>, %arg23: memref<768xf32, #tpu.memory_space<vmem>>, %arg24: memref<768xi32, #tpu.memory_space<vmem>>, %arg25: memref<256xf32, #tpu.memory_space<vmem>>, %arg26: memref<256xi32, #tpu.memory_space<vmem>>, %arg27: memref<256xf32, #tpu.memory_space<vmem>>, %arg28: memref<256xf32, #tpu.memory_space<vmem>>, %arg29: memref<256xf32, #tpu.memory_space<vmem>>, %arg30: memref<256xf32, #tpu.memory_space<vmem>>) attributes {dimension_semantics = [#tpu.dimension_semantics<core_parallel>, #tpu.dimension_semantics<subcore_parallel>], iteration_bounds = array<i64: 2, 16>, scalar_prefetch = 0 : i64, scratch_operands = 16 : i64, tpu.core_type = #tpu.core_type<sc_vector_subcore>, window_params = [{transform_indices = #map}, {transform_indices = #map}, {transform_indices = #map1}, {transform_indices = #map1}, {transform_indices = #map1}, {transform_indices = #map1}, {transform_indices = #map}, {transform_indices = #map}, {transform_indices = #map}, {transform_indices = #map}, {transform_indices = #map}, {transform_indices = #map}, {transform_indices = #map}]} {
    %mul3A = arith.constant 2 : i32
    %mul3A_0 = arith.muli %arg1, %mul3A : i32
    %add3A = arith.addi %mul3A_0, %arg0 : i32
    "tpu.region"() ({
      %run_scoped3A = tpu.sem_alloc : memref<!tpu.dma_semaphore, #tpu.memory_space<semaphore_mem>>
      tpu.enqueue_dma source(%arg4 : memref<5120xf32, #tpu.memory_space<hbm>>) target(%arg16 : memref<5120xf32, #tpu.memory_space<vmem>>) target_semaphore(%run_scoped3A : memref<!tpu.dma_semaphore, #tpu.memory_space<semaphore_mem>>)
      tpu.wait_dma2 semaphore(%run_scoped3A : memref<!tpu.dma_semaphore, #tpu.memory_space<semaphore_mem>>) src(%arg4 : memref<5120xf32, #tpu.memory_space<hbm>>) dst(%arg16 : memref<5120xf32, #tpu.memory_space<vmem>>)
      tpu.yield
    }) : () -> ()
    "tpu.region"() ({
      %run_scoped3A = tpu.sem_alloc : memref<!tpu.dma_semaphore, #tpu.memory_space<semaphore_mem>>
      tpu.enqueue_dma source(%arg5 : memref<5120xf32, #tpu.memory_space<hbm>>) target(%arg17 : memref<5120xf32, #tpu.memory_space<vmem>>) target_semaphore(%run_scoped3A : memref<!tpu.dma_semaphore, #tpu.memory_space<semaphore_mem>>)
      tpu.wait_dma2 semaphore(%run_scoped3A : memref<!tpu.dma_semaphore, #tpu.memory_space<semaphore_mem>>) src(%arg5 : memref<5120xf32, #tpu.memory_space<hbm>>) dst(%arg17 : memref<5120xf32, #tpu.memory_space<vmem>>)
      tpu.yield
    }) : () -> ()
    "tpu.region"() ({
      %run_scoped3A = tpu.sem_alloc : memref<!tpu.dma_semaphore, #tpu.memory_space<semaphore_mem>>
      tpu.enqueue_dma source(%arg6 : memref<5120xf32, #tpu.memory_space<hbm>>) target(%arg18 : memref<5120xf32, #tpu.memory_space<vmem>>) target_semaphore(%run_scoped3A : memref<!tpu.dma_semaphore, #tpu.memory_space<semaphore_mem>>)
      tpu.wait_dma2 semaphore(%run_scoped3A : memref<!tpu.dma_semaphore, #tpu.memory_space<semaphore_mem>>) src(%arg6 : memref<5120xf32, #tpu.memory_space<hbm>>) dst(%arg18 : memref<5120xf32, #tpu.memory_space<vmem>>)
      tpu.yield
    }) : () -> ()
    "tpu.region"() ({
      %run_scoped3A = tpu.sem_alloc : memref<!tpu.dma_semaphore, #tpu.memory_space<semaphore_mem>>
      tpu.enqueue_dma source(%arg7 : memref<5120xf32, #tpu.memory_space<hbm>>) target(%arg19 : memref<5120xf32, #tpu.memory_space<vmem>>) target_semaphore(%run_scoped3A : memref<!tpu.dma_semaphore, #tpu.memory_space<semaphore_mem>>)
      tpu.wait_dma2 semaphore(%run_scoped3A : memref<!tpu.dma_semaphore, #tpu.memory_space<semaphore_mem>>) src(%arg7 : memref<5120xf32, #tpu.memory_space<hbm>>) dst(%arg19 : memref<5120xf32, #tpu.memory_space<vmem>>)
      tpu.yield
    }) : () -> ()
    %iota3A = tpu.iota {dimensions = array<i32: 0>} : vector<16xi32>
    %broadcast_in_dim3A = arith.constant 0 : i32
    %broadcast_in_dim3A_1 = vector.broadcast %broadcast_in_dim3A : i32 to vector<16xi32>
    %broadcast_in_dim3A_2 = arith.constant 1 : i32
    %broadcast_in_dim3A_3 = vector.broadcast %broadcast_in_dim3A_2 : i32 to vector<16xi32>
    %broadcast_in_dim3A_4 = arith.constant 0xFF800000 : f32
    %broadcast_in_dim3A_5 = vector.broadcast %broadcast_in_dim3A_4 : f32 to vector<16xf32>
    %broadcast_in_dim3A_6 = arith.constant 48 : i32
    %broadcast_in_dim3A_7 = vector.broadcast %broadcast_in_dim3A_6 : i32 to vector<16xi32>
    %broadcast_in_dim3A_8 = arith.constant 256 : i32
    %broadcast_in_dim3A_9 = vector.broadcast %broadcast_in_dim3A_8 : i32 to vector<16xi32>
    %mul3A_10 = arith.muli %iota3A, %broadcast_in_dim3A_7 : vector<16xi32>
    %add3A_11 = arith.constant 0 : i32
    %add3A_12 = arith.addi %add3A, %add3A_11 : i32
    %lt3A = arith.constant 80 : i32
    %lt3A_13 = arith.cmpi slt, %add3A_12, %lt3A : i32
    %convert_element_type3A = arith.extui %lt3A_13 : i1 to i32
    %cond3A = arith.constant 0 : i32
    %cond3A_14 = arith.cmpi ne, %convert_element_type3A, %cond3A : i32
    scf.if %cond3A_14 {
      "tpu.region"() ({
        %run_scoped3A = tpu.sem_alloc : memref<!tpu.dma_semaphore, #tpu.memory_space<semaphore_mem>>
        %dma_start3A = arith.constant 0 : i32
        %dma_start3A_100 = tpu.memref_slice %arg2[%add3A_12, %dma_start3A] : memref<80x5120xf32, #tpu.memory_space<hbm>> -> memref<1x5120xf32, #tpu.memory_space<hbm>>
        %dma_start3A_101 = tpu.memref_squeeze %dma_start3A_100 : memref<1x5120xf32, #tpu.memory_space<hbm>> -> memref<5120xf32, #tpu.memory_space<hbm>>
        %dma_start3A_102 = arith.constant 0 : i32
        %dma_start3A_103 = tpu.memref_slice %arg2[%add3A_12, %dma_start3A_102] : memref<80x5120xf32, #tpu.memory_space<hbm>> -> memref<1x5120xf32, #tpu.memory_space<hbm>>
        %dma_start3A_104 = tpu.memref_squeeze %dma_start3A_103 : memref<1x5120xf32, #tpu.memory_space<hbm>> -> memref<5120xf32, #tpu.memory_space<hbm>>
        tpu.enqueue_dma source(%dma_start3A_104 : memref<5120xf32, #tpu.memory_space<hbm>>) target(%arg15 : memref<5120xf32, #tpu.memory_space<vmem>>) target_semaphore(%run_scoped3A : memref<!tpu.dma_semaphore, #tpu.memory_space<semaphore_mem>>)
        %dma_wait3A = arith.constant 0 : i32
        %dma_wait3A_105 = tpu.memref_slice %arg2[%add3A_12, %dma_wait3A] : memref<80x5120xf32, #tpu.memory_space<hbm>> -> memref<1x5120xf32, #tpu.memory_space<hbm>>
        %dma_wait3A_106 = tpu.memref_squeeze %dma_wait3A_105 : memref<1x5120xf32, #tpu.memory_space<hbm>> -> memref<5120xf32, #tpu.memory_space<hbm>>
        %dma_wait3A_107 = arith.constant 0 : i32
        %dma_wait3A_108 = tpu.memref_slice %arg2[%add3A_12, %dma_wait3A_107] : memref<80x5120xf32, #tpu.memory_space<hbm>> -> memref<1x5120xf32, #tpu.memory_space<hbm>>
        %dma_wait3A_109 = tpu.memref_squeeze %dma_wait3A_108 : memref<1x5120xf32, #tpu.memory_space<hbm>> -> memref<5120xf32, #tpu.memory_space<hbm>>
        tpu.wait_dma2 semaphore(%run_scoped3A : memref<!tpu.dma_semaphore, #tpu.memory_space<semaphore_mem>>) src(%dma_wait3A_109 : memref<5120xf32, #tpu.memory_space<hbm>>) dst(%arg15 : memref<5120xf32, #tpu.memory_space<vmem>>)
        tpu.yield
      }) : () -> ()
      "tpu.region"() ({
        %run_scoped3A = tpu.sem_alloc : memref<!tpu.dma_semaphore, #tpu.memory_space<semaphore_mem>>
        %dma_start3A = arith.constant 0 : i32
        %dma_start3A_100 = tpu.memref_slice %arg3[%add3A_12, %dma_start3A] : memref<80x16xf32, #tpu.memory_space<hbm>> -> memref<1x16xf32, #tpu.memory_space<hbm>>
        %dma_start3A_101 = tpu.memref_squeeze %dma_start3A_100 : memref<1x16xf32, #tpu.memory_space<hbm>> -> memref<16xf32, #tpu.memory_space<hbm>>
        %dma_start3A_102 = arith.constant 0 : i32
        %dma_start3A_103 = tpu.memref_slice %arg3[%add3A_12, %dma_start3A_102] : memref<80x16xf32, #tpu.memory_space<hbm>> -> memref<1x16xf32, #tpu.memory_space<hbm>>
        %dma_start3A_104 = tpu.memref_squeeze %dma_start3A_103 : memref<1x16xf32, #tpu.memory_space<hbm>> -> memref<16xf32, #tpu.memory_space<hbm>>
        tpu.enqueue_dma source(%dma_start3A_104 : memref<16xf32, #tpu.memory_space<hbm>>) target(%arg20 : memref<16xf32, #tpu.memory_space<vmem>>) target_semaphore(%run_scoped3A : memref<!tpu.dma_semaphore, #tpu.memory_space<semaphore_mem>>)
        %dma_wait3A = arith.constant 0 : i32
        %dma_wait3A_105 = tpu.memref_slice %arg3[%add3A_12, %dma_wait3A] : memref<80x16xf32, #tpu.memory_space<hbm>> -> memref<1x16xf32, #tpu.memory_space<hbm>>
        %dma_wait3A_106 = tpu.memref_squeeze %dma_wait3A_105 : memref<1x16xf32, #tpu.memory_space<hbm>> -> memref<16xf32, #tpu.memory_space<hbm>>
        %dma_wait3A_107 = arith.constant 0 : i32
        %dma_wait3A_108 = tpu.memref_slice %arg3[%add3A_12, %dma_wait3A_107] : memref<80x16xf32, #tpu.memory_space<hbm>> -> memref<1x16xf32, #tpu.memory_space<hbm>>
        %dma_wait3A_109 = tpu.memref_squeeze %dma_wait3A_108 : memref<1x16xf32, #tpu.memory_space<hbm>> -> memref<16xf32, #tpu.memory_space<hbm>>
        tpu.wait_dma2 semaphore(%run_scoped3A : memref<!tpu.dma_semaphore, #tpu.memory_space<semaphore_mem>>) src(%dma_wait3A_109 : memref<16xf32, #tpu.memory_space<hbm>>) dst(%arg20 : memref<16xf32, #tpu.memory_space<vmem>>)
        tpu.yield
      }) : () -> ()
      %scan3A = arith.constant 0 : i32
      %scan3A_29 = arith.constant 0 : i32
      %scan3A_30 = arith.constant 16 : i32
      %scan3A_31 = arith.addi %scan3A_29, %scan3A_30 : i32
      %scan3A_32 = arith.constant 1 : i32
      %scan3A_33 = scf.for %scan3A_100 = %scan3A_29 to %scan3A_31 step %scan3A_32 iter_args(%scan3A_101 = %scan3A) -> (i32)  : i32 {
        %mul3A_102 = arith.constant 16 : i32
        %mul3A_103 = arith.muli %scan3A_100, %mul3A_102 : i32
        %swap3A_104 = arith.index_cast %mul3A_103 : i32 to index
        %swap3A_105 = tpu.vector_load %arg26[%swap3A_104] {strides = array<i32>} : memref<256xi32, #tpu.memory_space<vmem>>, vector<16xi32>,
        tpu.vector_store %arg26[%swap3A_104], %broadcast_in_dim3A_1 {strides = array<i32>} : memref<256xi32, #tpu.memory_space<vmem>>, vector<16xi32>,
        %mul3A_106 = arith.constant 16 : i32
        %mul3A_107 = arith.muli %scan3A_100, %mul3A_106 : i32
        %swap3A_108 = arith.index_cast %mul3A_107 : i32 to index
        %swap3A_109 = tpu.vector_load %arg25[%swap3A_108] {strides = array<i32>} : memref<256xf32, #tpu.memory_space<vmem>>, vector<16xf32>,
        tpu.vector_store %arg25[%swap3A_108], %broadcast_in_dim3A_5 {strides = array<i32>} : memref<256xf32, #tpu.memory_space<vmem>>, vector<16xf32>,
        %scan3A_110 = arith.constant 0 : i32
        scf.yield %scan3A_110 : i32
      }
      %scan3A_34 = arith.constant 16 : i32
      %scan3A_35 = arith.constant 0 : i32
      %scan3A_36 = arith.constant 80 : i32
      %scan3A_37 = arith.addi %scan3A_35, %scan3A_36 : i32
      %scan3A_38 = arith.constant 1 : i32
      %scan3A_39 = scf.for %scan3A_100 = %scan3A_35 to %scan3A_37 step %scan3A_38 iter_args(%scan3A_101 = %broadcast_in_dim3A_1) -> (vector<16xi32>)  : i32 {
        %get3A = arith.constant 0 : index
        %get3A_102 = tpu.vector_load %arg20[%get3A] {strides = array<i32>} : memref<16xf32, #tpu.memory_space<vmem>>, vector<16xf32>,
        %mul3A_103 = arith.constant 64 : i32
        %mul3A_104 = arith.muli %scan3A_100, %mul3A_103 : i32
        %add3A_105 = arith.constant 0 : i32
        %add3A_106 = arith.addi %mul3A_104, %add3A_105 : i32
        %get3A_107 = arith.index_cast %add3A_106 : i32 to index
        %get3A_108 = tpu.vector_load %arg15[%get3A_107] {strides = array<i32>} : memref<5120xf32, #tpu.memory_space<vmem>>, vector<16xf32>,
        %gt3A = arith.cmpf ogt, %get3A_108, %get3A_102 : vector<16xf32>
        %add3A_109 = arith.addi %mul3A_10, %scan3A_101 : vector<16xi32>
        %lt3A_110 = arith.cmpi slt, %scan3A_101, %broadcast_in_dim3A_7 : vector<16xi32>
        %and3A = arith.andi %gt3A, %lt3A_110 : vector<16xi1>
        %mul3A_111 = arith.constant 64 : i32
        %mul3A_112 = arith.muli %scan3A_100, %mul3A_111 : i32
        %add3A_113 = arith.constant 0 : i32
        %add3A_114 = arith.addi %mul3A_112, %add3A_113 : i32
        %broadcast_in_dim3A_115 = vector.broadcast %add3A_114 : i32 to vector<16xi32>
        %add3A_116 = arith.addi %iota3A, %broadcast_in_dim3A_115 : vector<16xi32>
        tpu.vector_store_idx %arg24[%add3A_109], %add3A_116 masked %and3A : memref<768xi32, #tpu.memory_space<vmem>>[vector<16xi32>], vector<16xi32>, vector<16xi1>
        tpu.vector_store_idx %arg23[%add3A_109], %get3A_108 masked %and3A : memref<768xf32, #tpu.memory_space<vmem>>[vector<16xi32>], vector<16xf32>, vector<16xi1>
        %select_n3A_117 = arith.select %gt3A, %broadcast_in_dim3A_3, %broadcast_in_dim3A_1 : vector<16xi1>, vector<16xi32>
        %add3A_118 = arith.addi %scan3A_101, %select_n3A_117 : vector<16xi32>
        %mul3A_119 = arith.constant 64 : i32
        %mul3A_120 = arith.muli %scan3A_100, %mul3A_119 : i32
        %add3A_121 = arith.constant 16 : i32
        %add3A_122 = arith.addi %mul3A_120, %add3A_121 : i32
        %get3A_123 = arith.index_cast %add3A_122 : i32 to index
        %get3A_124 = tpu.vector_load %arg15[%get3A_123] {strides = array<i32>} : memref<5120xf32, #tpu.memory_space<vmem>>, vector<16xf32>,
        %gt3A_125 = arith.cmpf ogt, %get3A_124, %get3A_102 : vector<16xf32>
        %add3A_126 = arith.addi %mul3A_10, %add3A_118 : vector<16xi32>
        %lt3A_127 = arith.cmpi slt, %add3A_118, %broadcast_in_dim3A_7 : vector<16xi32>
        %and3A_128 = arith.andi %gt3A_125, %lt3A_127 : vector<16xi1>
        %mul3A_129 = arith.constant 64 : i32
        %mul3A_130 = arith.muli %scan3A_100, %mul3A_129 : i32
        %add3A_131 = arith.constant 16 : i32
        %add3A_132 = arith.addi %mul3A_130, %add3A_131 : i32
        %broadcast_in_dim3A_133 = vector.broadcast %add3A_132 : i32 to vector<16xi32>
        %add3A_134 = arith.addi %iota3A, %broadcast_in_dim3A_133 : vector<16xi32>
        tpu.vector_store_idx %arg24[%add3A_126], %add3A_134 masked %and3A_128 : memref<768xi32, #tpu.memory_space<vmem>>[vector<16xi32>], vector<16xi32>, vector<16xi1>
        tpu.vector_store_idx %arg23[%add3A_126], %get3A_124 masked %and3A_128 : memref<768xf32, #tpu.memory_space<vmem>>[vector<16xi32>], vector<16xf32>, vector<16xi1>
        %select_n3A_135 = arith.select %gt3A_125, %broadcast_in_dim3A_3, %broadcast_in_dim3A_1 : vector<16xi1>, vector<16xi32>
        %add3A_136 = arith.addi %add3A_118, %select_n3A_135 : vector<16xi32>
        %mul3A_137 = arith.constant 64 : i32
        %mul3A_138 = arith.muli %scan3A_100, %mul3A_137 : i32
        %add3A_139 = arith.constant 32 : i32
        %add3A_140 = arith.addi %mul3A_138, %add3A_139 : i32
        %get3A_141 = arith.index_cast %add3A_140 : i32 to index
        %get3A_142 = tpu.vector_load %arg15[%get3A_141] {strides = array<i32>} : memref<5120xf32, #tpu.memory_space<vmem>>, vector<16xf32>,
        %gt3A_143 = arith.cmpf ogt, %get3A_142, %get3A_102 : vector<16xf32>
        %add3A_144 = arith.addi %mul3A_10, %add3A_136 : vector<16xi32>
        %lt3A_145 = arith.cmpi slt, %add3A_136, %broadcast_in_dim3A_7 : vector<16xi32>
        %and3A_146 = arith.andi %gt3A_143, %lt3A_145 : vector<16xi1>
        %mul3A_147 = arith.constant 64 : i32
        %mul3A_148 = arith.muli %scan3A_100, %mul3A_147 : i32
        %add3A_149 = arith.constant 32 : i32
        %add3A_150 = arith.addi %mul3A_148, %add3A_149 : i32
        %broadcast_in_dim3A_151 = vector.broadcast %add3A_150 : i32 to vector<16xi32>
        %add3A_152 = arith.addi %iota3A, %broadcast_in_dim3A_151 : vector<16xi32>
        tpu.vector_store_idx %arg24[%add3A_144], %add3A_152 masked %and3A_146 : memref<768xi32, #tpu.memory_space<vmem>>[vector<16xi32>], vector<16xi32>, vector<16xi1>
        tpu.vector_store_idx %arg23[%add3A_144], %get3A_142 masked %and3A_146 : memref<768xf32, #tpu.memory_space<vmem>>[vector<16xi32>], vector<16xf32>, vector<16xi1>
        %select_n3A_153 = arith.select %gt3A_143, %broadcast_in_dim3A_3, %broadcast_in_dim3A_1 : vector<16xi1>, vector<16xi32>
        %add3A_154 = arith.addi %add3A_136, %select_n3A_153 : vector<16xi32>
        %mul3A_155 = arith.constant 64 : i32
        %mul3A_156 = arith.muli %scan3A_100, %mul3A_155 : i32
        %add3A_157 = arith.constant 48 : i32
        %add3A_158 = arith.addi %mul3A_156, %add3A_157 : i32
        %get3A_159 = arith.index_cast %add3A_158 : i32 to index
        %get3A_160 = tpu.vector_load %arg15[%get3A_159] {strides = array<i32>} : memref<5120xf32, #tpu.memory_space<vmem>>, vector<16xf32>,
        %gt3A_161 = arith.cmpf ogt, %get3A_160, %get3A_102 : vector<16xf32>
        %add3A_162 = arith.addi %mul3A_10, %add3A_154 : vector<16xi32>
        %lt3A_163 = arith.cmpi slt, %add3A_154, %broadcast_in_dim3A_7 : vector<16xi32>
        %and3A_164 = arith.andi %gt3A_161, %lt3A_163 : vector<16xi1>
        %mul3A_165 = arith.constant 64 : i32
        %mul3A_166 = arith.muli %scan3A_100, %mul3A_165 : i32
        %add3A_167 = arith.constant 48 : i32
        %add3A_168 = arith.addi %mul3A_166, %add3A_167 : i32
        %broadcast_in_dim3A_169 = vector.broadcast %add3A_168 : i32 to vector<16xi32>
        %add3A_170 = arith.addi %iota3A, %broadcast_in_dim3A_169 : vector<16xi32>
        tpu.vector_store_idx %arg24[%add3A_162], %add3A_170 masked %and3A_164 : memref<768xi32, #tpu.memory_space<vmem>>[vector<16xi32>], vector<16xi32>, vector<16xi1>
        tpu.vector_store_idx %arg23[%add3A_162], %get3A_160 masked %and3A_164 : memref<768xf32, #tpu.memory_space<vmem>>[vector<16xi32>], vector<16xf32>, vector<16xi1>
        %select_n3A_171 = arith.select %gt3A_161, %broadcast_in_dim3A_3, %broadcast_in_dim3A_1 : vector<16xi1>, vector<16xi32>
        %add3A_172 = arith.addi %add3A_154, %select_n3A_171 : vector<16xi32>
        scf.yield %add3A_172 : vector<16xi32>
      }
      %scan3A_40 = arith.constant 80 : i32
      %swap3A = arith.constant 0 : index
      %swap3A_41 = tpu.vector_load %arg21[%swap3A] {strides = array<i32>} : memref<16xi32, #tpu.memory_space<vmem>>, vector<16xi32>,
      tpu.vector_store %arg21[%swap3A], %scan3A_39 {strides = array<i32>} : memref<16xi32, #tpu.memory_space<vmem>>, vector<16xi32>,
      %min3A = arith.minsi %scan3A_39, %broadcast_in_dim3A_7 : vector<16xi32>
      %swap3A_42 = arith.constant 0 : index
      %swap3A_43 = tpu.vector_load %arg22[%swap3A_42] {strides = array<i32>} : memref<16xi32, #tpu.memory_space<vmem>>, vector<16xi32>,
      tpu.vector_store %arg22[%swap3A_42], %min3A {strides = array<i32>} : memref<16xi32, #tpu.memory_space<vmem>>, vector<16xi32>,
      %broadcast_in_dim3A_44 = arith.constant 1 : i32
      %broadcast_in_dim3A_45 = vector.broadcast %broadcast_in_dim3A_44 : i32 to vector<16xi32>
      %sub3A = arith.subi %iota3A, %broadcast_in_dim3A_45 : vector<16xi32>
      %max3A = arith.maxsi %sub3A, %broadcast_in_dim3A_1 : vector<16xi32>
      %gather3A = tpu.vector_load_idx %arg22[%max3A] : memref<16xi32, #tpu.memory_space<vmem>>[vector<16xi32>], vector<16xi32>,
      %broadcast_in_dim3A_46 = arith.constant 1 : i32
      %broadcast_in_dim3A_47 = vector.broadcast %broadcast_in_dim3A_46 : i32 to vector<16xi32>
      %ge3A = arith.cmpi sge, %iota3A, %broadcast_in_dim3A_47 : vector<16xi32>
      %select_n3A = arith.select %ge3A, %gather3A, %broadcast_in_dim3A_1 : vector<16xi1>, vector<16xi32>
      %add3A_48 = arith.addi %min3A, %select_n3A : vector<16xi32>
      %swap3A_49 = arith.constant 0 : index
      %swap3A_50 = tpu.vector_load %arg22[%swap3A_49] {strides = array<i32>} : memref<16xi32, #tpu.memory_space<vmem>>, vector<16xi32>,
      tpu.vector_store %arg22[%swap3A_49], %add3A_48 {strides = array<i32>} : memref<16xi32, #tpu.memory_space<vmem>>, vector<16xi32>,
      %broadcast_in_dim3A_51 = arith.constant 2 : i32
      %broadcast_in_dim3A_52 = vector.broadcast %broadcast_in_dim3A_51 : i32 to vector<16xi32>
      %sub3A_53 = arith.subi %iota3A, %broadcast_in_dim3A_52 : vector<16xi32>
      %max3A_54 = arith.maxsi %sub3A_53, %broadcast_in_dim3A_1 : vector<16xi32>
      %gather3A_55 = tpu.vector_load_idx %arg22[%max3A_54] : memref<16xi32, #tpu.memory_space<vmem>>[vector<16xi32>], vector<16xi32>,
      %broadcast_in_dim3A_56 = arith.constant 2 : i32
      %broadcast_in_dim3A_57 = vector.broadcast %broadcast_in_dim3A_56 : i32 to vector<16xi32>
      %ge3A_58 = arith.cmpi sge, %iota3A, %broadcast_in_dim3A_57 : vector<16xi32>
      %select_n3A_59 = arith.select %ge3A_58, %gather3A_55, %broadcast_in_dim3A_1 : vector<16xi1>, vector<16xi32>
      %add3A_60 = arith.addi %add3A_48, %select_n3A_59 : vector<16xi32>
      %swap3A_61 = arith.constant 0 : index
      %swap3A_62 = tpu.vector_load %arg22[%swap3A_61] {strides = array<i32>} : memref<16xi32, #tpu.memory_space<vmem>>, vector<16xi32>,
      tpu.vector_store %arg22[%swap3A_61], %add3A_60 {strides = array<i32>} : memref<16xi32, #tpu.memory_space<vmem>>, vector<16xi32>,
      %broadcast_in_dim3A_63 = arith.constant 4 : i32
      %broadcast_in_dim3A_64 = vector.broadcast %broadcast_in_dim3A_63 : i32 to vector<16xi32>
      %sub3A_65 = arith.subi %iota3A, %broadcast_in_dim3A_64 : vector<16xi32>
      %max3A_66 = arith.maxsi %sub3A_65, %broadcast_in_dim3A_1 : vector<16xi32>
      %gather3A_67 = tpu.vector_load_idx %arg22[%max3A_66] : memref<16xi32, #tpu.memory_space<vmem>>[vector<16xi32>], vector<16xi32>,
      %broadcast_in_dim3A_68 = arith.constant 4 : i32
      %broadcast_in_dim3A_69 = vector.broadcast %broadcast_in_dim3A_68 : i32 to vector<16xi32>
      %ge3A_70 = arith.cmpi sge, %iota3A, %broadcast_in_dim3A_69 : vector<16xi32>
      %select_n3A_71 = arith.select %ge3A_70, %gather3A_67, %broadcast_in_dim3A_1 : vector<16xi1>, vector<16xi32>
      %add3A_72 = arith.addi %add3A_60, %select_n3A_71 : vector<16xi32>
      %swap3A_73 = arith.constant 0 : index
      %swap3A_74 = tpu.vector_load %arg22[%swap3A_73] {strides = array<i32>} : memref<16xi32, #tpu.memory_space<vmem>>, vector<16xi32>,
      tpu.vector_store %arg22[%swap3A_73], %add3A_72 {strides = array<i32>} : memref<16xi32, #tpu.memory_space<vmem>>, vector<16xi32>,
      %broadcast_in_dim3A_75 = arith.constant 8 : i32
      %broadcast_in_dim3A_76 = vector.broadcast %broadcast_in_dim3A_75 : i32 to vector<16xi32>
      %sub3A_77 = arith.subi %iota3A, %broadcast_in_dim3A_76 : vector<16xi32>
      %max3A_78 = arith.maxsi %sub3A_77, %broadcast_in_dim3A_1 : vector<16xi32>
      %gather3A_79 = tpu.vector_load_idx %arg22[%max3A_78] : memref<16xi32, #tpu.memory_space<vmem>>[vector<16xi32>], vector<16xi32>,
      %broadcast_in_dim3A_80 = arith.constant 8 : i32
      %broadcast_in_dim3A_81 = vector.broadcast %broadcast_in_dim3A_80 : i32 to vector<16xi32>
      %ge3A_82 = arith.cmpi sge, %iota3A, %broadcast_in_dim3A_81 : vector<16xi32>
      %select_n3A_83 = arith.select %ge3A_82, %gather3A_79, %broadcast_in_dim3A_1 : vector<16xi1>, vector<16xi32>
      %add3A_84 = arith.addi %add3A_72, %select_n3A_83 : vector<16xi32>
      %sub3A_85 = arith.subi %add3A_84, %min3A : vector<16xi32>
      %scan3A_86 = arith.constant 0 : i32
      %scan3A_87 = arith.constant 0 : i32
      %scan3A_88 = arith.constant 48 : i32
      %scan3A_89 = arith.addi %scan3A_87, %scan3A_88 : i32
      %scan3A_90 = arith.constant 1 : i32
      %scan3A_91 = scf.for %scan3A_100 = %scan3A_87 to %scan3A_89 step %scan3A_90 iter_args(%scan3A_101 = %scan3A_86) -> (i32)  : i32 {
        %broadcast_in_dim3A_102 = vector.broadcast %scan3A_100 : i32 to vector<16xi32>
        %add3A_103 = arith.addi %mul3A_10, %broadcast_in_dim3A_102 : vector<16xi32>
        %gather3A_104 = tpu.vector_load_idx %arg23[%add3A_103] : memref<768xf32, #tpu.memory_space<vmem>>[vector<16xi32>], vector<16xf32>,
        %gather3A_105 = tpu.vector_load_idx %arg24[%add3A_103] : memref<768xi32, #tpu.memory_space<vmem>>[vector<16xi32>], vector<16xi32>,
        %add3A_106 = arith.addi %sub3A_85, %broadcast_in_dim3A_102 : vector<16xi32>
        %lt3A_107 = arith.cmpi slt, %broadcast_in_dim3A_102, %min3A : vector<16xi32>
        %lt3A_108 = arith.cmpi slt, %add3A_106, %broadcast_in_dim3A_9 : vector<16xi32>
        %and3A = arith.andi %lt3A_107, %lt3A_108 : vector<16xi1>
        tpu.vector_store_idx %arg25[%add3A_106], %gather3A_104 masked %and3A : memref<256xf32, #tpu.memory_space<vmem>>[vector<16xi32>], vector<16xf32>, vector<16xi1>
        tpu.vector_store_idx %arg26[%add3A_106], %gather3A_105 masked %and3A : memref<256xi32, #tpu.memory_space<vmem>>[vector<16xi32>], vector<16xi32>, vector<16xi1>
        %scan3A_109 = arith.constant 0 : i32
        scf.yield %scan3A_109 : i32
      }
      %scan3A_92 = arith.constant 48 : i32
      %scan3A_93 = arith.constant 0 : i32
      %scan3A_94 = arith.constant 0 : i32
      %scan3A_95 = arith.constant 16 : i32
      %scan3A_96 = arith.addi %scan3A_94, %scan3A_95 : i32
      %scan3A_97 = arith.constant 1 : i32
      %scan3A_98 = scf.for %scan3A_100 = %scan3A_94 to %scan3A_96 step %scan3A_97 iter_args(%scan3A_101 = %scan3A_93) -> (i32)  : i32 {
        %mul3A_102 = arith.constant 16 : i32
        %mul3A_103 = arith.muli %scan3A_100, %mul3A_102 : i32
        %get3A = arith.index_cast %mul3A_103 : i32 to index
        %get3A_104 = tpu.vector_load %arg26[%get3A] {strides = array<i32>} : memref<256xi32, #tpu.memory_space<vmem>>, vector<16xi32>,
        %gather3A_105 = tpu.vector_load_idx %arg16[%get3A_104] : memref<5120xf32, #tpu.memory_space<vmem>>[vector<16xi32>], vector<16xf32>,
        %swap3A_106 = arith.index_cast %mul3A_103 : i32 to index
        %swap3A_107 = tpu.vector_load %arg27[%swap3A_106] {strides = array<i32>} : memref<256xf32, #tpu.memory_space<vmem>>, vector<16xf32>,
        tpu.vector_store %arg27[%swap3A_106], %gather3A_105 {strides = array<i32>} : memref<256xf32, #tpu.memory_space<vmem>>, vector<16xf32>,
        %gather3A_108 = tpu.vector_load_idx %arg17[%get3A_104] : memref<5120xf32, #tpu.memory_space<vmem>>[vector<16xi32>], vector<16xf32>,
        %swap3A_109 = arith.index_cast %mul3A_103 : i32 to index
        %swap3A_110 = tpu.vector_load %arg28[%swap3A_109] {strides = array<i32>} : memref<256xf32, #tpu.memory_space<vmem>>, vector<16xf32>,
        tpu.vector_store %arg28[%swap3A_109], %gather3A_108 {strides = array<i32>} : memref<256xf32, #tpu.memory_space<vmem>>, vector<16xf32>,
        %gather3A_111 = tpu.vector_load_idx %arg18[%get3A_104] : memref<5120xf32, #tpu.memory_space<vmem>>[vector<16xi32>], vector<16xf32>,
        %swap3A_112 = arith.index_cast %mul3A_103 : i32 to index
        %swap3A_113 = tpu.vector_load %arg29[%swap3A_112] {strides = array<i32>} : memref<256xf32, #tpu.memory_space<vmem>>, vector<16xf32>,
        tpu.vector_store %arg29[%swap3A_112], %gather3A_111 {strides = array<i32>} : memref<256xf32, #tpu.memory_space<vmem>>, vector<16xf32>,
        %gather3A_114 = tpu.vector_load_idx %arg19[%get3A_104] : memref<5120xf32, #tpu.memory_space<vmem>>[vector<16xi32>], vector<16xf32>,
        %swap3A_115 = arith.index_cast %mul3A_103 : i32 to index
        %swap3A_116 = tpu.vector_load %arg30[%swap3A_115] {strides = array<i32>} : memref<256xf32, #tpu.memory_space<vmem>>, vector<16xf32>,
        tpu.vector_store %arg30[%swap3A_115], %gather3A_114 {strides = array<i32>} : memref<256xf32, #tpu.memory_space<vmem>>, vector<16xf32>,
        %scan3A_117 = arith.constant 0 : i32
        scf.yield %scan3A_117 : i32
      }
      %scan3A_99 = arith.constant 16 : i32
      "tpu.region"() ({
        %run_scoped3A = tpu.sem_alloc : memref<!tpu.dma_semaphore, #tpu.memory_space<semaphore_mem>>
        %dma_start3A = arith.constant 0 : i32
        %dma_start3A_100 = tpu.memref_slice %arg8[%add3A_12, %dma_start3A] : memref<80x256xf32, #tpu.memory_space<hbm>> -> memref<1x256xf32, #tpu.memory_space<hbm>>
        %dma_start3A_101 = tpu.memref_squeeze %dma_start3A_100 : memref<1x256xf32, #tpu.memory_space<hbm>> -> memref<256xf32, #tpu.memory_space<hbm>>
        %dma_start3A_102 = arith.constant 0 : i32
        %dma_start3A_103 = tpu.memref_slice %arg8[%add3A_12, %dma_start3A_102] : memref<80x256xf32, #tpu.memory_space<hbm>> -> memref<1x256xf32, #tpu.memory_space<hbm>>
        %dma_start3A_104 = tpu.memref_squeeze %dma_start3A_103 : memref<1x256xf32, #tpu.memory_space<hbm>> -> memref<256xf32, #tpu.memory_space<hbm>>
        tpu.enqueue_dma source(%arg25 : memref<256xf32, #tpu.memory_space<vmem>>) target(%dma_start3A_104 : memref<256xf32, #tpu.memory_space<hbm>>) target_semaphore(%run_scoped3A : memref<!tpu.dma_semaphore, #tpu.memory_space<semaphore_mem>>)
        %dma_wait3A = arith.constant 0 : i32
        %dma_wait3A_105 = tpu.memref_slice %arg8[%add3A_12, %dma_wait3A] : memref<80x256xf32, #tpu.memory_space<hbm>> -> memref<1x256xf32, #tpu.memory_space<hbm>>
        %dma_wait3A_106 = tpu.memref_squeeze %dma_wait3A_105 : memref<1x256xf32, #tpu.memory_space<hbm>> -> memref<256xf32, #tpu.memory_space<hbm>>
        %dma_wait3A_107 = arith.constant 0 : i32
        %dma_wait3A_108 = tpu.memref_slice %arg8[%add3A_12, %dma_wait3A_107] : memref<80x256xf32, #tpu.memory_space<hbm>> -> memref<1x256xf32, #tpu.memory_space<hbm>>
        %dma_wait3A_109 = tpu.memref_squeeze %dma_wait3A_108 : memref<1x256xf32, #tpu.memory_space<hbm>> -> memref<256xf32, #tpu.memory_space<hbm>>
        tpu.wait_dma2 semaphore(%run_scoped3A : memref<!tpu.dma_semaphore, #tpu.memory_space<semaphore_mem>>) src(%arg25 : memref<256xf32, #tpu.memory_space<vmem>>) dst(%dma_wait3A_109 : memref<256xf32, #tpu.memory_space<hbm>>)
        tpu.yield
      }) : () -> ()
      "tpu.region"() ({
        %run_scoped3A = tpu.sem_alloc : memref<!tpu.dma_semaphore, #tpu.memory_space<semaphore_mem>>
        %dma_start3A = arith.constant 0 : i32
        %dma_start3A_100 = tpu.memref_slice %arg9[%add3A_12, %dma_start3A] : memref<80x256xi32, #tpu.memory_space<hbm>> -> memref<1x256xi32, #tpu.memory_space<hbm>>
        %dma_start3A_101 = tpu.memref_squeeze %dma_start3A_100 : memref<1x256xi32, #tpu.memory_space<hbm>> -> memref<256xi32, #tpu.memory_space<hbm>>
        %dma_start3A_102 = arith.constant 0 : i32
        %dma_start3A_103 = tpu.memref_slice %arg9[%add3A_12, %dma_start3A_102] : memref<80x256xi32, #tpu.memory_space<hbm>> -> memref<1x256xi32, #tpu.memory_space<hbm>>
        %dma_start3A_104 = tpu.memref_squeeze %dma_start3A_103 : memref<1x256xi32, #tpu.memory_space<hbm>> -> memref<256xi32, #tpu.memory_space<hbm>>
        tpu.enqueue_dma source(%arg26 : memref<256xi32, #tpu.memory_space<vmem>>) target(%dma_start3A_104 : memref<256xi32, #tpu.memory_space<hbm>>) target_semaphore(%run_scoped3A : memref<!tpu.dma_semaphore, #tpu.memory_space<semaphore_mem>>)
        %dma_wait3A = arith.constant 0 : i32
        %dma_wait3A_105 = tpu.memref_slice %arg9[%add3A_12, %dma_wait3A] : memref<80x256xi32, #tpu.memory_space<hbm>> -> memref<1x256xi32, #tpu.memory_space<hbm>>
        %dma_wait3A_106 = tpu.memref_squeeze %dma_wait3A_105 : memref<1x256xi32, #tpu.memory_space<hbm>> -> memref<256xi32, #tpu.memory_space<hbm>>
        %dma_wait3A_107 = arith.constant 0 : i32
        %dma_wait3A_108 = tpu.memref_slice %arg9[%add3A_12, %dma_wait3A_107] : memref<80x256xi32, #tpu.memory_space<hbm>> -> memref<1x256xi32, #tpu.memory_space<hbm>>
        %dma_wait3A_109 = tpu.memref_squeeze %dma_wait3A_108 : memref<1x256xi32, #tpu.memory_space<hbm>> -> memref<256xi32, #tpu.memory_space<hbm>>
        tpu.wait_dma2 semaphore(%run_scoped3A : memref<!tpu.dma_semaphore, #tpu.memory_space<semaphore_mem>>) src(%arg26 : memref<256xi32, #tpu.memory_space<vmem>>) dst(%dma_wait3A_109 : memref<256xi32, #tpu.memory_space<hbm>>)
        tpu.yield
      }) : () -> ()
      "tpu.region"() ({
        %run_scoped3A = tpu.sem_alloc : memref<!tpu.dma_semaphore, #tpu.memory_space<semaphore_mem>>
        %dma_start3A = arith.constant 0 : i32
        %dma_start3A_100 = tpu.memref_slice %arg10[%add3A_12, %dma_start3A] : memref<80x256xf32, #tpu.memory_space<hbm>> -> memref<1x256xf32, #tpu.memory_space<hbm>>
        %dma_start3A_101 = tpu.memref_squeeze %dma_start3A_100 : memref<1x256xf32, #tpu.memory_space<hbm>> -> memref<256xf32, #tpu.memory_space<hbm>>
        %dma_start3A_102 = arith.constant 0 : i32
        %dma_start3A_103 = tpu.memref_slice %arg10[%add3A_12, %dma_start3A_102] : memref<80x256xf32, #tpu.memory_space<hbm>> -> memref<1x256xf32, #tpu.memory_space<hbm>>
        %dma_start3A_104 = tpu.memref_squeeze %dma_start3A_103 : memref<1x256xf32, #tpu.memory_space<hbm>> -> memref<256xf32, #tpu.memory_space<hbm>>
        tpu.enqueue_dma source(%arg27 : memref<256xf32, #tpu.memory_space<vmem>>) target(%dma_start3A_104 : memref<256xf32, #tpu.memory_space<hbm>>) target_semaphore(%run_scoped3A : memref<!tpu.dma_semaphore, #tpu.memory_space<semaphore_mem>>)
        %dma_wait3A = arith.constant 0 : i32
        %dma_wait3A_105 = tpu.memref_slice %arg10[%add3A_12, %dma_wait3A] : memref<80x256xf32, #tpu.memory_space<hbm>> -> memref<1x256xf32, #tpu.memory_space<hbm>>
        %dma_wait3A_106 = tpu.memref_squeeze %dma_wait3A_105 : memref<1x256xf32, #tpu.memory_space<hbm>> -> memref<256xf32, #tpu.memory_space<hbm>>
        %dma_wait3A_107 = arith.constant 0 : i32
        %dma_wait3A_108 = tpu.memref_slice %arg10[%add3A_12, %dma_wait3A_107] : memref<80x256xf32, #tpu.memory_space<hbm>> -> memref<1x256xf32, #tpu.memory_space<hbm>>
        %dma_wait3A_109 = tpu.memref_squeeze %dma_wait3A_108 : memref<1x256xf32, #tpu.memory_space<hbm>> -> memref<256xf32, #tpu.memory_space<hbm>>
        tpu.wait_dma2 semaphore(%run_scoped3A : memref<!tpu.dma_semaphore, #tpu.memory_space<semaphore_mem>>) src(%arg27 : memref<256xf32, #tpu.memory_space<vmem>>) dst(%dma_wait3A_109 : memref<256xf32, #tpu.memory_space<hbm>>)
        tpu.yield
      }) : () -> ()
      "tpu.region"() ({
        %run_scoped3A = tpu.sem_alloc : memref<!tpu.dma_semaphore, #tpu.memory_space<semaphore_mem>>
        %dma_start3A = arith.constant 0 : i32
        %dma_start3A_100 = tpu.memref_slice %arg11[%add3A_12, %dma_start3A] : memref<80x256xf32, #tpu.memory_space<hbm>> -> memref<1x256xf32, #tpu.memory_space<hbm>>
        %dma_start3A_101 = tpu.memref_squeeze %dma_start3A_100 : memref<1x256xf32, #tpu.memory_space<hbm>> -> memref<256xf32, #tpu.memory_space<hbm>>
        %dma_start3A_102 = arith.constant 0 : i32
        %dma_start3A_103 = tpu.memref_slice %arg11[%add3A_12, %dma_start3A_102] : memref<80x256xf32, #tpu.memory_space<hbm>> -> memref<1x256xf32, #tpu.memory_space<hbm>>
        %dma_start3A_104 = tpu.memref_squeeze %dma_start3A_103 : memref<1x256xf32, #tpu.memory_space<hbm>> -> memref<256xf32, #tpu.memory_space<hbm>>
        tpu.enqueue_dma source(%arg28 : memref<256xf32, #tpu.memory_space<vmem>>) target(%dma_start3A_104 : memref<256xf32, #tpu.memory_space<hbm>>) target_semaphore(%run_scoped3A : memref<!tpu.dma_semaphore, #tpu.memory_space<semaphore_mem>>)
        %dma_wait3A = arith.constant 0 : i32
        %dma_wait3A_105 = tpu.memref_slice %arg11[%add3A_12, %dma_wait3A] : memref<80x256xf32, #tpu.memory_space<hbm>> -> memref<1x256xf32, #tpu.memory_space<hbm>>
        %dma_wait3A_106 = tpu.memref_squeeze %dma_wait3A_105 : memref<1x256xf32, #tpu.memory_space<hbm>> -> memref<256xf32, #tpu.memory_space<hbm>>
        %dma_wait3A_107 = arith.constant 0 : i32
        %dma_wait3A_108 = tpu.memref_slice %arg11[%add3A_12, %dma_wait3A_107] : memref<80x256xf32, #tpu.memory_space<hbm>> -> memref<1x256xf32, #tpu.memory_space<hbm>>
        %dma_wait3A_109 = tpu.memref_squeeze %dma_wait3A_108 : memref<1x256xf32, #tpu.memory_space<hbm>> -> memref<256xf32, #tpu.memory_space<hbm>>
        tpu.wait_dma2 semaphore(%run_scoped3A : memref<!tpu.dma_semaphore, #tpu.memory_space<semaphore_mem>>) src(%arg28 : memref<256xf32, #tpu.memory_space<vmem>>) dst(%dma_wait3A_109 : memref<256xf32, #tpu.memory_space<hbm>>)
        tpu.yield
      }) : () -> ()
      "tpu.region"() ({
        %run_scoped3A = tpu.sem_alloc : memref<!tpu.dma_semaphore, #tpu.memory_space<semaphore_mem>>
        %dma_start3A = arith.constant 0 : i32
        %dma_start3A_100 = tpu.memref_slice %arg12[%add3A_12, %dma_start3A] : memref<80x256xf32, #tpu.memory_space<hbm>> -> memref<1x256xf32, #tpu.memory_space<hbm>>
        %dma_start3A_101 = tpu.memref_squeeze %dma_start3A_100 : memref<1x256xf32, #tpu.memory_space<hbm>> -> memref<256xf32, #tpu.memory_space<hbm>>
        %dma_start3A_102 = arith.constant 0 : i32
        %dma_start3A_103 = tpu.memref_slice %arg12[%add3A_12, %dma_start3A_102] : memref<80x256xf32, #tpu.memory_space<hbm>> -> memref<1x256xf32, #tpu.memory_space<hbm>>
        %dma_start3A_104 = tpu.memref_squeeze %dma_start3A_103 : memref<1x256xf32, #tpu.memory_space<hbm>> -> memref<256xf32, #tpu.memory_space<hbm>>
        tpu.enqueue_dma source(%arg29 : memref<256xf32, #tpu.memory_space<vmem>>) target(%dma_start3A_104 : memref<256xf32, #tpu.memory_space<hbm>>) target_semaphore(%run_scoped3A : memref<!tpu.dma_semaphore, #tpu.memory_space<semaphore_mem>>)
        %dma_wait3A = arith.constant 0 : i32
        %dma_wait3A_105 = tpu.memref_slice %arg12[%add3A_12, %dma_wait3A] : memref<80x256xf32, #tpu.memory_space<hbm>> -> memref<1x256xf32, #tpu.memory_space<hbm>>
        %dma_wait3A_106 = tpu.memref_squeeze %dma_wait3A_105 : memref<1x256xf32, #tpu.memory_space<hbm>> -> memref<256xf32, #tpu.memory_space<hbm>>
        %dma_wait3A_107 = arith.constant 0 : i32
        %dma_wait3A_108 = tpu.memref_slice %arg12[%add3A_12, %dma_wait3A_107] : memref<80x256xf32, #tpu.memory_space<hbm>> -> memref<1x256xf32, #tpu.memory_space<hbm>>
        %dma_wait3A_109 = tpu.memref_squeeze %dma_wait3A_108 : memref<1x256xf32, #tpu.memory_space<hbm>> -> memref<256xf32, #tpu.memory_space<hbm>>
        tpu.wait_dma2 semaphore(%run_scoped3A : memref<!tpu.dma_semaphore, #tpu.memory_space<semaphore_mem>>) src(%arg29 : memref<256xf32, #tpu.memory_space<vmem>>) dst(%dma_wait3A_109 : memref<256xf32, #tpu.memory_space<hbm>>)
        tpu.yield
      }) : () -> ()
      "tpu.region"() ({
        %run_scoped3A = tpu.sem_alloc : memref<!tpu.dma_semaphore, #tpu.memory_space<semaphore_mem>>
        %dma_start3A = arith.constant 0 : i32
        %dma_start3A_100 = tpu.memref_slice %arg13[%add3A_12, %dma_start3A] : memref<80x256xf32, #tpu.memory_space<hbm>> -> memref<1x256xf32, #tpu.memory_space<hbm>>
        %dma_start3A_101 = tpu.memref_squeeze %dma_start3A_100 : memref<1x256xf32, #tpu.memory_space<hbm>> -> memref<256xf32, #tpu.memory_space<hbm>>
        %dma_start3A_102 = arith.constant 0 : i32
        %dma_start3A_103 = tpu.memref_slice %arg13[%add3A_12, %dma_start3A_102] : memref<80x256xf32, #tpu.memory_space<hbm>> -> memref<1x256xf32, #tpu.memory_space<hbm>>
        %dma_start3A_104 = tpu.memref_squeeze %dma_start3A_103 : memref<1x256xf32, #tpu.memory_space<hbm>> -> memref<256xf32, #tpu.memory_space<hbm>>
        tpu.enqueue_dma source(%arg30 : memref<256xf32, #tpu.memory_space<vmem>>) target(%dma_start3A_104 : memref<256xf32, #tpu.memory_space<hbm>>) target_semaphore(%run_scoped3A : memref<!tpu.dma_semaphore, #tpu.memory_space<semaphore_mem>>)
        %dma_wait3A = arith.constant 0 : i32
        %dma_wait3A_105 = tpu.memref_slice %arg13[%add3A_12, %dma_wait3A] : memref<80x256xf32, #tpu.memory_space<hbm>> -> memref<1x256xf32, #tpu.memory_space<hbm>>
        %dma_wait3A_106 = tpu.memref_squeeze %dma_wait3A_105 : memref<1x256xf32, #tpu.memory_space<hbm>> -> memref<256xf32, #tpu.memory_space<hbm>>
        %dma_wait3A_107 = arith.constant 0 : i32
        %dma_wait3A_108 = tpu.memref_slice %arg13[%add3A_12, %dma_wait3A_107] : memref<80x256xf32, #tpu.memory_space<hbm>> -> memref<1x256xf32, #tpu.memory_space<hbm>>
        %dma_wait3A_109 = tpu.memref_squeeze %dma_wait3A_108 : memref<1x256xf32, #tpu.memory_space<hbm>> -> memref<256xf32, #tpu.memory_space<hbm>>
        tpu.wait_dma2 semaphore(%run_scoped3A : memref<!tpu.dma_semaphore, #tpu.memory_space<semaphore_mem>>) src(%arg30 : memref<256xf32, #tpu.memory_space<vmem>>) dst(%dma_wait3A_109 : memref<256xf32, #tpu.memory_space<hbm>>)
        tpu.yield
      }) : () -> ()
      "tpu.region"() ({
        %run_scoped3A = tpu.sem_alloc : memref<!tpu.dma_semaphore, #tpu.memory_space<semaphore_mem>>
        %dma_start3A = arith.constant 0 : i32
        %dma_start3A_100 = tpu.memref_slice %arg14[%add3A_12, %dma_start3A] : memref<80x16xi32, #tpu.memory_space<hbm>> -> memref<1x16xi32, #tpu.memory_space<hbm>>
        %dma_start3A_101 = tpu.memref_squeeze %dma_start3A_100 : memref<1x16xi32, #tpu.memory_space<hbm>> -> memref<16xi32, #tpu.memory_space<hbm>>
        %dma_start3A_102 = arith.constant 0 : i32
        %dma_start3A_103 = tpu.memref_slice %arg14[%add3A_12, %dma_start3A_102] : memref<80x16xi32, #tpu.memory_space<hbm>> -> memref<1x16xi32, #tpu.memory_space<hbm>>
        %dma_start3A_104 = tpu.memref_squeeze %dma_start3A_103 : memref<1x16xi32, #tpu.memory_space<hbm>> -> memref<16xi32, #tpu.memory_space<hbm>>
        tpu.enqueue_dma source(%arg21 : memref<16xi32, #tpu.memory_space<vmem>>) target(%dma_start3A_104 : memref<16xi32, #tpu.memory_space<hbm>>) target_semaphore(%run_scoped3A : memref<!tpu.dma_semaphore, #tpu.memory_space<semaphore_mem>>)
        %dma_wait3A = arith.constant 0 : i32
        %dma_wait3A_105 = tpu.memref_slice %arg14[%add3A_12, %dma_wait3A] : memref<80x16xi32, #tpu.memory_space<hbm>> -> memref<1x16xi32, #tpu.memory_space<hbm>>
        %dma_wait3A_106 = tpu.memref_squeeze %dma_wait3A_105 : memref<1x16xi32, #tpu.memory_space<hbm>> -> memref<16xi32, #tpu.memory_space<hbm>>
        %dma_wait3A_107 = arith.constant 0 : i32
        %dma_wait3A_108 = tpu.memref_slice %arg14[%add3A_12, %dma_wait3A_107] : memref<80x16xi32, #tpu.memory_space<hbm>> -> memref<1x16xi32, #tpu.memory_space<hbm>>
        %dma_wait3A_109 = tpu.memref_squeeze %dma_wait3A_108 : memref<1x16xi32, #tpu.memory_space<hbm>> -> memref<16xi32, #tpu.memory_space<hbm>>
        tpu.wait_dma2 semaphore(%run_scoped3A : memref<!tpu.dma_semaphore, #tpu.memory_space<semaphore_mem>>) src(%arg21 : memref<16xi32, #tpu.memory_space<vmem>>) dst(%dma_wait3A_109 : memref<16xi32, #tpu.memory_space<hbm>>)
        tpu.yield
      }) : () -> ()
    } else {
    }
    %add3A_15 = arith.constant 32 : i32
    %add3A_16 = arith.addi %add3A, %add3A_15 : i32
    %lt3A_17 = arith.constant 80 : i32
    %lt3A_18 = arith.cmpi slt, %add3A_16, %lt3A_17 : i32
    %convert_element_type3A_19 = arith.extui %lt3A_18 : i1 to i32
    %cond3A_20 = arith.constant 0 : i32
    %cond3A_21 = arith.cmpi ne, %convert_element_type3A_19, %cond3A_20 : i32
    scf.if %cond3A_21 {
      "tpu.region"() ({
        %run_scoped3A = tpu.sem_alloc : memref<!tpu.dma_semaphore, #tpu.memory_space<semaphore_mem>>
        %dma_start3A = arith.constant 0 : i32
        %dma_start3A_100 = tpu.memref_slice %arg2[%add3A_16, %dma_start3A] : memref<80x5120xf32, #tpu.memory_space<hbm>> -> memref<1x5120xf32, #tpu.memory_space<hbm>>
        %dma_start3A_101 = tpu.memref_squeeze %dma_start3A_100 : memref<1x5120xf32, #tpu.memory_space<hbm>> -> memref<5120xf32, #tpu.memory_space<hbm>>
        %dma_start3A_102 = arith.constant 0 : i32
        %dma_start3A_103 = tpu.memref_slice %arg2[%add3A_16, %dma_start3A_102] : memref<80x5120xf32, #tpu.memory_space<hbm>> -> memref<1x5120xf32, #tpu.memory_space<hbm>>
        %dma_start3A_104 = tpu.memref_squeeze %dma_start3A_103 : memref<1x5120xf32, #tpu.memory_space<hbm>> -> memref<5120xf32, #tpu.memory_space<hbm>>
        tpu.enqueue_dma source(%dma_start3A_104 : memref<5120xf32, #tpu.memory_space<hbm>>) target(%arg15 : memref<5120xf32, #tpu.memory_space<vmem>>) target_semaphore(%run_scoped3A : memref<!tpu.dma_semaphore, #tpu.memory_space<semaphore_mem>>)
        %dma_wait3A = arith.constant 0 : i32
        %dma_wait3A_105 = tpu.memref_slice %arg2[%add3A_16, %dma_wait3A] : memref<80x5120xf32, #tpu.memory_space<hbm>> -> memref<1x5120xf32, #tpu.memory_space<hbm>>
        %dma_wait3A_106 = tpu.memref_squeeze %dma_wait3A_105 : memref<1x5120xf32, #tpu.memory_space<hbm>> -> memref<5120xf32, #tpu.memory_space<hbm>>
        %dma_wait3A_107 = arith.constant 0 : i32
        %dma_wait3A_108 = tpu.memref_slice %arg2[%add3A_16, %dma_wait3A_107] : memref<80x5120xf32, #tpu.memory_space<hbm>> -> memref<1x5120xf32, #tpu.memory_space<hbm>>
        %dma_wait3A_109 = tpu.memref_squeeze %dma_wait3A_108 : memref<1x5120xf32, #tpu.memory_space<hbm>> -> memref<5120xf32, #tpu.memory_space<hbm>>
        tpu.wait_dma2 semaphore(%run_scoped3A : memref<!tpu.dma_semaphore, #tpu.memory_space<semaphore_mem>>) src(%dma_wait3A_109 : memref<5120xf32, #tpu.memory_space<hbm>>) dst(%arg15 : memref<5120xf32, #tpu.memory_space<vmem>>)
        tpu.yield
      }) : () -> ()
      "tpu.region"() ({
        %run_scoped3A = tpu.sem_alloc : memref<!tpu.dma_semaphore, #tpu.memory_space<semaphore_mem>>
        %dma_start3A = arith.constant 0 : i32
        %dma_start3A_100 = tpu.memref_slice %arg3[%add3A_16, %dma_start3A] : memref<80x16xf32, #tpu.memory_space<hbm>> -> memref<1x16xf32, #tpu.memory_space<hbm>>
        %dma_start3A_101 = tpu.memref_squeeze %dma_start3A_100 : memref<1x16xf32, #tpu.memory_space<hbm>> -> memref<16xf32, #tpu.memory_space<hbm>>
        %dma_start3A_102 = arith.constant 0 : i32
        %dma_start3A_103 = tpu.memref_slice %arg3[%add3A_16, %dma_start3A_102] : memref<80x16xf32, #tpu.memory_space<hbm>> -> memref<1x16xf32, #tpu.memory_space<hbm>>
        %dma_start3A_104 = tpu.memref_squeeze %dma_start3A_103 : memref<1x16xf32, #tpu.memory_space<hbm>> -> memref<16xf32, #tpu.memory_space<hbm>>
        tpu.enqueue_dma source(%dma_start3A_104 : memref<16xf32, #tpu.memory_space<hbm>>) target(%arg20 : memref<16xf32, #tpu.memory_space<vmem>>) target_semaphore(%run_scoped3A : memref<!tpu.dma_semaphore, #tpu.memory_space<semaphore_mem>>)
        %dma_wait3A = arith.constant 0 : i32
        %dma_wait3A_105 = tpu.memref_slice %arg3[%add3A_16, %dma_wait3A] : memref<80x16xf32, #tpu.memory_space<hbm>> -> memref<1x16xf32, #tpu.memory_space<hbm>>
        %dma_wait3A_106 = tpu.memref_squeeze %dma_wait3A_105 : memref<1x16xf32, #tpu.memory_space<hbm>> -> memref<16xf32, #tpu.memory_space<hbm>>
        %dma_wait3A_107 = arith.constant 0 : i32
        %dma_wait3A_108 = tpu.memref_slice %arg3[%add3A_16, %dma_wait3A_107] : memref<80x16xf32, #tpu.memory_space<hbm>> -> memref<1x16xf32, #tpu.memory_space<hbm>>
        %dma_wait3A_109 = tpu.memref_squeeze %dma_wait3A_108 : memref<1x16xf32, #tpu.memory_space<hbm>> -> memref<16xf32, #tpu.memory_space<hbm>>
        tpu.wait_dma2 semaphore(%run_scoped3A : memref<!tpu.dma_semaphore, #tpu.memory_space<semaphore_mem>>) src(%dma_wait3A_109 : memref<16xf32, #tpu.memory_space<hbm>>) dst(%arg20 : memref<16xf32, #tpu.memory_space<vmem>>)
        tpu.yield
      }) : () -> ()
      %scan3A = arith.constant 0 : i32
      %scan3A_29 = arith.constant 0 : i32
      %scan3A_30 = arith.constant 16 : i32
      %scan3A_31 = arith.addi %scan3A_29, %scan3A_30 : i32
      %scan3A_32 = arith.constant 1 : i32
      %scan3A_33 = scf.for %scan3A_100 = %scan3A_29 to %scan3A_31 step %scan3A_32 iter_args(%scan3A_101 = %scan3A) -> (i32)  : i32 {
        %mul3A_102 = arith.constant 16 : i32
        %mul3A_103 = arith.muli %scan3A_100, %mul3A_102 : i32
        %swap3A_104 = arith.index_cast %mul3A_103 : i32 to index
        %swap3A_105 = tpu.vector_load %arg26[%swap3A_104] {strides = array<i32>} : memref<256xi32, #tpu.memory_space<vmem>>, vector<16xi32>,
        tpu.vector_store %arg26[%swap3A_104], %broadcast_in_dim3A_1 {strides = array<i32>} : memref<256xi32, #tpu.memory_space<vmem>>, vector<16xi32>,
        %mul3A_106 = arith.constant 16 : i32
        %mul3A_107 = arith.muli %scan3A_100, %mul3A_106 : i32
        %swap3A_108 = arith.index_cast %mul3A_107 : i32 to index
        %swap3A_109 = tpu.vector_load %arg25[%swap3A_108] {strides = array<i32>} : memref<256xf32, #tpu.memory_space<vmem>>, vector<16xf32>,
        tpu.vector_store %arg25[%swap3A_108], %broadcast_in_dim3A_5 {strides = array<i32>} : memref<256xf32, #tpu.memory_space<vmem>>, vector<16xf32>,
        %scan3A_110 = arith.constant 0 : i32
        scf.yield %scan3A_110 : i32
      }
      %scan3A_34 = arith.constant 16 : i32
      %scan3A_35 = arith.constant 0 : i32
      %scan3A_36 = arith.constant 80 : i32
      %scan3A_37 = arith.addi %scan3A_35, %scan3A_36 : i32
      %scan3A_38 = arith.constant 1 : i32
      %scan3A_39 = scf.for %scan3A_100 = %scan3A_35 to %scan3A_37 step %scan3A_38 iter_args(%scan3A_101 = %broadcast_in_dim3A_1) -> (vector<16xi32>)  : i32 {
        %get3A = arith.constant 0 : index
        %get3A_102 = tpu.vector_load %arg20[%get3A] {strides = array<i32>} : memref<16xf32, #tpu.memory_space<vmem>>, vector<16xf32>,
        %mul3A_103 = arith.constant 64 : i32
        %mul3A_104 = arith.muli %scan3A_100, %mul3A_103 : i32
        %add3A_105 = arith.constant 0 : i32
        %add3A_106 = arith.addi %mul3A_104, %add3A_105 : i32
        %get3A_107 = arith.index_cast %add3A_106 : i32 to index
        %get3A_108 = tpu.vector_load %arg15[%get3A_107] {strides = array<i32>} : memref<5120xf32, #tpu.memory_space<vmem>>, vector<16xf32>,
        %gt3A = arith.cmpf ogt, %get3A_108, %get3A_102 : vector<16xf32>
        %add3A_109 = arith.addi %mul3A_10, %scan3A_101 : vector<16xi32>
        %lt3A_110 = arith.cmpi slt, %scan3A_101, %broadcast_in_dim3A_7 : vector<16xi32>
        %and3A = arith.andi %gt3A, %lt3A_110 : vector<16xi1>
        %mul3A_111 = arith.constant 64 : i32
        %mul3A_112 = arith.muli %scan3A_100, %mul3A_111 : i32
        %add3A_113 = arith.constant 0 : i32
        %add3A_114 = arith.addi %mul3A_112, %add3A_113 : i32
        %broadcast_in_dim3A_115 = vector.broadcast %add3A_114 : i32 to vector<16xi32>
        %add3A_116 = arith.addi %iota3A, %broadcast_in_dim3A_115 : vector<16xi32>
        tpu.vector_store_idx %arg24[%add3A_109], %add3A_116 masked %and3A : memref<768xi32, #tpu.memory_space<vmem>>[vector<16xi32>], vector<16xi32>, vector<16xi1>
        tpu.vector_store_idx %arg23[%add3A_109], %get3A_108 masked %and3A : memref<768xf32, #tpu.memory_space<vmem>>[vector<16xi32>], vector<16xf32>, vector<16xi1>
        %select_n3A_117 = arith.select %gt3A, %broadcast_in_dim3A_3, %broadcast_in_dim3A_1 : vector<16xi1>, vector<16xi32>
        %add3A_118 = arith.addi %scan3A_101, %select_n3A_117 : vector<16xi32>
        %mul3A_119 = arith.constant 64 : i32
        %mul3A_120 = arith.muli %scan3A_100, %mul3A_119 : i32
        %add3A_121 = arith.constant 16 : i32
        %add3A_122 = arith.addi %mul3A_120, %add3A_121 : i32
        %get3A_123 = arith.index_cast %add3A_122 : i32 to index
        %get3A_124 = tpu.vector_load %arg15[%get3A_123] {strides = array<i32>} : memref<5120xf32, #tpu.memory_space<vmem>>, vector<16xf32>,
        %gt3A_125 = arith.cmpf ogt, %get3A_124, %get3A_102 : vector<16xf32>
        %add3A_126 = arith.addi %mul3A_10, %add3A_118 : vector<16xi32>
        %lt3A_127 = arith.cmpi slt, %add3A_118, %broadcast_in_dim3A_7 : vector<16xi32>
        %and3A_128 = arith.andi %gt3A_125, %lt3A_127 : vector<16xi1>
        %mul3A_129 = arith.constant 64 : i32
        %mul3A_130 = arith.muli %scan3A_100, %mul3A_129 : i32
        %add3A_131 = arith.constant 16 : i32
        %add3A_132 = arith.addi %mul3A_130, %add3A_131 : i32
        %broadcast_in_dim3A_133 = vector.broadcast %add3A_132 : i32 to vector<16xi32>
        %add3A_134 = arith.addi %iota3A, %broadcast_in_dim3A_133 : vector<16xi32>
        tpu.vector_store_idx %arg24[%add3A_126], %add3A_134 masked %and3A_128 : memref<768xi32, #tpu.memory_space<vmem>>[vector<16xi32>], vector<16xi32>, vector<16xi1>
        tpu.vector_store_idx %arg23[%add3A_126], %get3A_124 masked %and3A_128 : memref<768xf32, #tpu.memory_space<vmem>>[vector<16xi32>], vector<16xf32>, vector<16xi1>
        %select_n3A_135 = arith.select %gt3A_125, %broadcast_in_dim3A_3, %broadcast_in_dim3A_1 : vector<16xi1>, vector<16xi32>
        %add3A_136 = arith.addi %add3A_118, %select_n3A_135 : vector<16xi32>
        %mul3A_137 = arith.constant 64 : i32
        %mul3A_138 = arith.muli %scan3A_100, %mul3A_137 : i32
        %add3A_139 = arith.constant 32 : i32
        %add3A_140 = arith.addi %mul3A_138, %add3A_139 : i32
        %get3A_141 = arith.index_cast %add3A_140 : i32 to index
        %get3A_142 = tpu.vector_load %arg15[%get3A_141] {strides = array<i32>} : memref<5120xf32, #tpu.memory_space<vmem>>, vector<16xf32>,
        %gt3A_143 = arith.cmpf ogt, %get3A_142, %get3A_102 : vector<16xf32>
        %add3A_144 = arith.addi %mul3A_10, %add3A_136 : vector<16xi32>
        %lt3A_145 = arith.cmpi slt, %add3A_136, %broadcast_in_dim3A_7 : vector<16xi32>
        %and3A_146 = arith.andi %gt3A_143, %lt3A_145 : vector<16xi1>
        %mul3A_147 = arith.constant 64 : i32
        %mul3A_148 = arith.muli %scan3A_100, %mul3A_147 : i32
        %add3A_149 = arith.constant 32 : i32
        %add3A_150 = arith.addi %mul3A_148, %add3A_149 : i32
        %broadcast_in_dim3A_151 = vector.broadcast %add3A_150 : i32 to vector<16xi32>
        %add3A_152 = arith.addi %iota3A, %broadcast_in_dim3A_151 : vector<16xi32>
        tpu.vector_store_idx %arg24[%add3A_144], %add3A_152 masked %and3A_146 : memref<768xi32, #tpu.memory_space<vmem>>[vector<16xi32>], vector<16xi32>, vector<16xi1>
        tpu.vector_store_idx %arg23[%add3A_144], %get3A_142 masked %and3A_146 : memref<768xf32, #tpu.memory_space<vmem>>[vector<16xi32>], vector<16xf32>, vector<16xi1>
        %select_n3A_153 = arith.select %gt3A_143, %broadcast_in_dim3A_3, %broadcast_in_dim3A_1 : vector<16xi1>, vector<16xi32>
        %add3A_154 = arith.addi %add3A_136, %select_n3A_153 : vector<16xi32>
        %mul3A_155 = arith.constant 64 : i32
        %mul3A_156 = arith.muli %scan3A_100, %mul3A_155 : i32
        %add3A_157 = arith.constant 48 : i32
        %add3A_158 = arith.addi %mul3A_156, %add3A_157 : i32
        %get3A_159 = arith.index_cast %add3A_158 : i32 to index
        %get3A_160 = tpu.vector_load %arg15[%get3A_159] {strides = array<i32>} : memref<5120xf32, #tpu.memory_space<vmem>>, vector<16xf32>,
        %gt3A_161 = arith.cmpf ogt, %get3A_160, %get3A_102 : vector<16xf32>
        %add3A_162 = arith.addi %mul3A_10, %add3A_154 : vector<16xi32>
        %lt3A_163 = arith.cmpi slt, %add3A_154, %broadcast_in_dim3A_7 : vector<16xi32>
        %and3A_164 = arith.andi %gt3A_161, %lt3A_163 : vector<16xi1>
        %mul3A_165 = arith.constant 64 : i32
        %mul3A_166 = arith.muli %scan3A_100, %mul3A_165 : i32
        %add3A_167 = arith.constant 48 : i32
        %add3A_168 = arith.addi %mul3A_166, %add3A_167 : i32
        %broadcast_in_dim3A_169 = vector.broadcast %add3A_168 : i32 to vector<16xi32>
        %add3A_170 = arith.addi %iota3A, %broadcast_in_dim3A_169 : vector<16xi32>
        tpu.vector_store_idx %arg24[%add3A_162], %add3A_170 masked %and3A_164 : memref<768xi32, #tpu.memory_space<vmem>>[vector<16xi32>], vector<16xi32>, vector<16xi1>
        tpu.vector_store_idx %arg23[%add3A_162], %get3A_160 masked %and3A_164 : memref<768xf32, #tpu.memory_space<vmem>>[vector<16xi32>], vector<16xf32>, vector<16xi1>
        %select_n3A_171 = arith.select %gt3A_161, %broadcast_in_dim3A_3, %broadcast_in_dim3A_1 : vector<16xi1>, vector<16xi32>
        %add3A_172 = arith.addi %add3A_154, %select_n3A_171 : vector<16xi32>
        scf.yield %add3A_172 : vector<16xi32>
      }
      %scan3A_40 = arith.constant 80 : i32
      %swap3A = arith.constant 0 : index
      %swap3A_41 = tpu.vector_load %arg21[%swap3A] {strides = array<i32>} : memref<16xi32, #tpu.memory_space<vmem>>, vector<16xi32>,
      tpu.vector_store %arg21[%swap3A], %scan3A_39 {strides = array<i32>} : memref<16xi32, #tpu.memory_space<vmem>>, vector<16xi32>,
      %min3A = arith.minsi %scan3A_39, %broadcast_in_dim3A_7 : vector<16xi32>
      %swap3A_42 = arith.constant 0 : index
      %swap3A_43 = tpu.vector_load %arg22[%swap3A_42] {strides = array<i32>} : memref<16xi32, #tpu.memory_space<vmem>>, vector<16xi32>,
      tpu.vector_store %arg22[%swap3A_42], %min3A {strides = array<i32>} : memref<16xi32, #tpu.memory_space<vmem>>, vector<16xi32>,
      %broadcast_in_dim3A_44 = arith.constant 1 : i32
      %broadcast_in_dim3A_45 = vector.broadcast %broadcast_in_dim3A_44 : i32 to vector<16xi32>
      %sub3A = arith.subi %iota3A, %broadcast_in_dim3A_45 : vector<16xi32>
      %max3A = arith.maxsi %sub3A, %broadcast_in_dim3A_1 : vector<16xi32>
      %gather3A = tpu.vector_load_idx %arg22[%max3A] : memref<16xi32, #tpu.memory_space<vmem>>[vector<16xi32>], vector<16xi32>,
      %broadcast_in_dim3A_46 = arith.constant 1 : i32
      %broadcast_in_dim3A_47 = vector.broadcast %broadcast_in_dim3A_46 : i32 to vector<16xi32>
      %ge3A = arith.cmpi sge, %iota3A, %broadcast_in_dim3A_47 : vector<16xi32>
      %select_n3A = arith.select %ge3A, %gather3A, %broadcast_in_dim3A_1 : vector<16xi1>, vector<16xi32>
      %add3A_48 = arith.addi %min3A, %select_n3A : vector<16xi32>
      %swap3A_49 = arith.constant 0 : index
      %swap3A_50 = tpu.vector_load %arg22[%swap3A_49] {strides = array<i32>} : memref<16xi32, #tpu.memory_space<vmem>>, vector<16xi32>,
      tpu.vector_store %arg22[%swap3A_49], %add3A_48 {strides = array<i32>} : memref<16xi32, #tpu.memory_space<vmem>>, vector<16xi32>,
      %broadcast_in_dim3A_51 = arith.constant 2 : i32
      %broadcast_in_dim3A_52 = vector.broadcast %broadcast_in_dim3A_51 : i32 to vector<16xi32>
      %sub3A_53 = arith.subi %iota3A, %broadcast_in_dim3A_52 : vector<16xi32>
      %max3A_54 = arith.maxsi %sub3A_53, %broadcast_in_dim3A_1 : vector<16xi32>
      %gather3A_55 = tpu.vector_load_idx %arg22[%max3A_54] : memref<16xi32, #tpu.memory_space<vmem>>[vector<16xi32>], vector<16xi32>,
      %broadcast_in_dim3A_56 = arith.constant 2 : i32
      %broadcast_in_dim3A_57 = vector.broadcast %broadcast_in_dim3A_56 : i32 to vector<16xi32>
      %ge3A_58 = arith.cmpi sge, %iota3A, %broadcast_in_dim3A_57 : vector<16xi32>
      %select_n3A_59 = arith.select %ge3A_58, %gather3A_55, %broadcast_in_dim3A_1 : vector<16xi1>, vector<16xi32>
      %add3A_60 = arith.addi %add3A_48, %select_n3A_59 : vector<16xi32>
      %swap3A_61 = arith.constant 0 : index
      %swap3A_62 = tpu.vector_load %arg22[%swap3A_61] {strides = array<i32>} : memref<16xi32, #tpu.memory_space<vmem>>, vector<16xi32>,
      tpu.vector_store %arg22[%swap3A_61], %add3A_60 {strides = array<i32>} : memref<16xi32, #tpu.memory_space<vmem>>, vector<16xi32>,
      %broadcast_in_dim3A_63 = arith.constant 4 : i32
      %broadcast_in_dim3A_64 = vector.broadcast %broadcast_in_dim3A_63 : i32 to vector<16xi32>
      %sub3A_65 = arith.subi %iota3A, %broadcast_in_dim3A_64 : vector<16xi32>
      %max3A_66 = arith.maxsi %sub3A_65, %broadcast_in_dim3A_1 : vector<16xi32>
      %gather3A_67 = tpu.vector_load_idx %arg22[%max3A_66] : memref<16xi32, #tpu.memory_space<vmem>>[vector<16xi32>], vector<16xi32>,
      %broadcast_in_dim3A_68 = arith.constant 4 : i32
      %broadcast_in_dim3A_69 = vector.broadcast %broadcast_in_dim3A_68 : i32 to vector<16xi32>
      %ge3A_70 = arith.cmpi sge, %iota3A, %broadcast_in_dim3A_69 : vector<16xi32>
      %select_n3A_71 = arith.select %ge3A_70, %gather3A_67, %broadcast_in_dim3A_1 : vector<16xi1>, vector<16xi32>
      %add3A_72 = arith.addi %add3A_60, %select_n3A_71 : vector<16xi32>
      %swap3A_73 = arith.constant 0 : index
      %swap3A_74 = tpu.vector_load %arg22[%swap3A_73] {strides = array<i32>} : memref<16xi32, #tpu.memory_space<vmem>>, vector<16xi32>,
      tpu.vector_store %arg22[%swap3A_73], %add3A_72 {strides = array<i32>} : memref<16xi32, #tpu.memory_space<vmem>>, vector<16xi32>,
      %broadcast_in_dim3A_75 = arith.constant 8 : i32
      %broadcast_in_dim3A_76 = vector.broadcast %broadcast_in_dim3A_75 : i32 to vector<16xi32>
      %sub3A_77 = arith.subi %iota3A, %broadcast_in_dim3A_76 : vector<16xi32>
      %max3A_78 = arith.maxsi %sub3A_77, %broadcast_in_dim3A_1 : vector<16xi32>
      %gather3A_79 = tpu.vector_load_idx %arg22[%max3A_78] : memref<16xi32, #tpu.memory_space<vmem>>[vector<16xi32>], vector<16xi32>,
      %broadcast_in_dim3A_80 = arith.constant 8 : i32
      %broadcast_in_dim3A_81 = vector.broadcast %broadcast_in_dim3A_80 : i32 to vector<16xi32>
      %ge3A_82 = arith.cmpi sge, %iota3A, %broadcast_in_dim3A_81 : vector<16xi32>
      %select_n3A_83 = arith.select %ge3A_82, %gather3A_79, %broadcast_in_dim3A_1 : vector<16xi1>, vector<16xi32>
      %add3A_84 = arith.addi %add3A_72, %select_n3A_83 : vector<16xi32>
      %sub3A_85 = arith.subi %add3A_84, %min3A : vector<16xi32>
      %scan3A_86 = arith.constant 0 : i32
      %scan3A_87 = arith.constant 0 : i32
      %scan3A_88 = arith.constant 48 : i32
      %scan3A_89 = arith.addi %scan3A_87, %scan3A_88 : i32
      %scan3A_90 = arith.constant 1 : i32
      %scan3A_91 = scf.for %scan3A_100 = %scan3A_87 to %scan3A_89 step %scan3A_90 iter_args(%scan3A_101 = %scan3A_86) -> (i32)  : i32 {
        %broadcast_in_dim3A_102 = vector.broadcast %scan3A_100 : i32 to vector<16xi32>
        %add3A_103 = arith.addi %mul3A_10, %broadcast_in_dim3A_102 : vector<16xi32>
        %gather3A_104 = tpu.vector_load_idx %arg23[%add3A_103] : memref<768xf32, #tpu.memory_space<vmem>>[vector<16xi32>], vector<16xf32>,
        %gather3A_105 = tpu.vector_load_idx %arg24[%add3A_103] : memref<768xi32, #tpu.memory_space<vmem>>[vector<16xi32>], vector<16xi32>,
        %add3A_106 = arith.addi %sub3A_85, %broadcast_in_dim3A_102 : vector<16xi32>
        %lt3A_107 = arith.cmpi slt, %broadcast_in_dim3A_102, %min3A : vector<16xi32>
        %lt3A_108 = arith.cmpi slt, %add3A_106, %broadcast_in_dim3A_9 : vector<16xi32>
        %and3A = arith.andi %lt3A_107, %lt3A_108 : vector<16xi1>
        tpu.vector_store_idx %arg25[%add3A_106], %gather3A_104 masked %and3A : memref<256xf32, #tpu.memory_space<vmem>>[vector<16xi32>], vector<16xf32>, vector<16xi1>
        tpu.vector_store_idx %arg26[%add3A_106], %gather3A_105 masked %and3A : memref<256xi32, #tpu.memory_space<vmem>>[vector<16xi32>], vector<16xi32>, vector<16xi1>
        %scan3A_109 = arith.constant 0 : i32
        scf.yield %scan3A_109 : i32
      }
      %scan3A_92 = arith.constant 48 : i32
      %scan3A_93 = arith.constant 0 : i32
      %scan3A_94 = arith.constant 0 : i32
      %scan3A_95 = arith.constant 16 : i32
      %scan3A_96 = arith.addi %scan3A_94, %scan3A_95 : i32
      %scan3A_97 = arith.constant 1 : i32
      %scan3A_98 = scf.for %scan3A_100 = %scan3A_94 to %scan3A_96 step %scan3A_97 iter_args(%scan3A_101 = %scan3A_93) -> (i32)  : i32 {
        %mul3A_102 = arith.constant 16 : i32
        %mul3A_103 = arith.muli %scan3A_100, %mul3A_102 : i32
        %get3A = arith.index_cast %mul3A_103 : i32 to index
        %get3A_104 = tpu.vector_load %arg26[%get3A] {strides = array<i32>} : memref<256xi32, #tpu.memory_space<vmem>>, vector<16xi32>,
        %gather3A_105 = tpu.vector_load_idx %arg16[%get3A_104] : memref<5120xf32, #tpu.memory_space<vmem>>[vector<16xi32>], vector<16xf32>,
        %swap3A_106 = arith.index_cast %mul3A_103 : i32 to index
        %swap3A_107 = tpu.vector_load %arg27[%swap3A_106] {strides = array<i32>} : memref<256xf32, #tpu.memory_space<vmem>>, vector<16xf32>,
        tpu.vector_store %arg27[%swap3A_106], %gather3A_105 {strides = array<i32>} : memref<256xf32, #tpu.memory_space<vmem>>, vector<16xf32>,
        %gather3A_108 = tpu.vector_load_idx %arg17[%get3A_104] : memref<5120xf32, #tpu.memory_space<vmem>>[vector<16xi32>], vector<16xf32>,
        %swap3A_109 = arith.index_cast %mul3A_103 : i32 to index
        %swap3A_110 = tpu.vector_load %arg28[%swap3A_109] {strides = array<i32>} : memref<256xf32, #tpu.memory_space<vmem>>, vector<16xf32>,
        tpu.vector_store %arg28[%swap3A_109], %gather3A_108 {strides = array<i32>} : memref<256xf32, #tpu.memory_space<vmem>>, vector<16xf32>,
        %gather3A_111 = tpu.vector_load_idx %arg18[%get3A_104] : memref<5120xf32, #tpu.memory_space<vmem>>[vector<16xi32>], vector<16xf32>,
        %swap3A_112 = arith.index_cast %mul3A_103 : i32 to index
        %swap3A_113 = tpu.vector_load %arg29[%swap3A_112] {strides = array<i32>} : memref<256xf32, #tpu.memory_space<vmem>>, vector<16xf32>,
        tpu.vector_store %arg29[%swap3A_112], %gather3A_111 {strides = array<i32>} : memref<256xf32, #tpu.memory_space<vmem>>, vector<16xf32>,
        %gather3A_114 = tpu.vector_load_idx %arg19[%get3A_104] : memref<5120xf32, #tpu.memory_space<vmem>>[vector<16xi32>], vector<16xf32>,
        %swap3A_115 = arith.index_cast %mul3A_103 : i32 to index
        %swap3A_116 = tpu.vector_load %arg30[%swap3A_115] {strides = array<i32>} : memref<256xf32, #tpu.memory_space<vmem>>, vector<16xf32>,
        tpu.vector_store %arg30[%swap3A_115], %gather3A_114 {strides = array<i32>} : memref<256xf32, #tpu.memory_space<vmem>>, vector<16xf32>,
        %scan3A_117 = arith.constant 0 : i32
        scf.yield %scan3A_117 : i32
      }
      %scan3A_99 = arith.constant 16 : i32
      "tpu.region"() ({
        %run_scoped3A = tpu.sem_alloc : memref<!tpu.dma_semaphore, #tpu.memory_space<semaphore_mem>>
        %dma_start3A = arith.constant 0 : i32
        %dma_start3A_100 = tpu.memref_slice %arg8[%add3A_16, %dma_start3A] : memref<80x256xf32, #tpu.memory_space<hbm>> -> memref<1x256xf32, #tpu.memory_space<hbm>>
        %dma_start3A_101 = tpu.memref_squeeze %dma_start3A_100 : memref<1x256xf32, #tpu.memory_space<hbm>> -> memref<256xf32, #tpu.memory_space<hbm>>
        %dma_start3A_102 = arith.constant 0 : i32
        %dma_start3A_103 = tpu.memref_slice %arg8[%add3A_16, %dma_start3A_102] : memref<80x256xf32, #tpu.memory_space<hbm>> -> memref<1x256xf32, #tpu.memory_space<hbm>>
        %dma_start3A_104 = tpu.memref_squeeze %dma_start3A_103 : memref<1x256xf32, #tpu.memory_space<hbm>> -> memref<256xf32, #tpu.memory_space<hbm>>
        tpu.enqueue_dma source(%arg25 : memref<256xf32, #tpu.memory_space<vmem>>) target(%dma_start3A_104 : memref<256xf32, #tpu.memory_space<hbm>>) target_semaphore(%run_scoped3A : memref<!tpu.dma_semaphore, #tpu.memory_space<semaphore_mem>>)
        %dma_wait3A = arith.constant 0 : i32
        %dma_wait3A_105 = tpu.memref_slice %arg8[%add3A_16, %dma_wait3A] : memref<80x256xf32, #tpu.memory_space<hbm>> -> memref<1x256xf32, #tpu.memory_space<hbm>>
        %dma_wait3A_106 = tpu.memref_squeeze %dma_wait3A_105 : memref<1x256xf32, #tpu.memory_space<hbm>> -> memref<256xf32, #tpu.memory_space<hbm>>
        %dma_wait3A_107 = arith.constant 0 : i32
        %dma_wait3A_108 = tpu.memref_slice %arg8[%add3A_16, %dma_wait3A_107] : memref<80x256xf32, #tpu.memory_space<hbm>> -> memref<1x256xf32, #tpu.memory_space<hbm>>
        %dma_wait3A_109 = tpu.memref_squeeze %dma_wait3A_108 : memref<1x256xf32, #tpu.memory_space<hbm>> -> memref<256xf32, #tpu.memory_space<hbm>>
        tpu.wait_dma2 semaphore(%run_scoped3A : memref<!tpu.dma_semaphore, #tpu.memory_space<semaphore_mem>>) src(%arg25 : memref<256xf32, #tpu.memory_space<vmem>>) dst(%dma_wait3A_109 : memref<256xf32, #tpu.memory_space<hbm>>)
        tpu.yield
      }) : () -> ()
      "tpu.region"() ({
        %run_scoped3A = tpu.sem_alloc : memref<!tpu.dma_semaphore, #tpu.memory_space<semaphore_mem>>
        %dma_start3A = arith.constant 0 : i32
        %dma_start3A_100 = tpu.memref_slice %arg9[%add3A_16, %dma_start3A] : memref<80x256xi32, #tpu.memory_space<hbm>> -> memref<1x256xi32, #tpu.memory_space<hbm>>
        %dma_start3A_101 = tpu.memref_squeeze %dma_start3A_100 : memref<1x256xi32, #tpu.memory_space<hbm>> -> memref<256xi32, #tpu.memory_space<hbm>>
        %dma_start3A_102 = arith.constant 0 : i32
        %dma_start3A_103 = tpu.memref_slice %arg9[%add3A_16, %dma_start3A_102] : memref<80x256xi32, #tpu.memory_space<hbm>> -> memref<1x256xi32, #tpu.memory_space<hbm>>
        %dma_start3A_104 = tpu.memref_squeeze %dma_start3A_103 : memref<1x256xi32, #tpu.memory_space<hbm>> -> memref<256xi32, #tpu.memory_space<hbm>>
        tpu.enqueue_dma source(%arg26 : memref<256xi32, #tpu.memory_space<vmem>>) target(%dma_start3A_104 : memref<256xi32, #tpu.memory_space<hbm>>) target_semaphore(%run_scoped3A : memref<!tpu.dma_semaphore, #tpu.memory_space<semaphore_mem>>)
        %dma_wait3A = arith.constant 0 : i32
        %dma_wait3A_105 = tpu.memref_slice %arg9[%add3A_16, %dma_wait3A] : memref<80x256xi32, #tpu.memory_space<hbm>> -> memref<1x256xi32, #tpu.memory_space<hbm>>
        %dma_wait3A_106 = tpu.memref_squeeze %dma_wait3A_105 : memref<1x256xi32, #tpu.memory_space<hbm>> -> memref<256xi32, #tpu.memory_space<hbm>>
        %dma_wait3A_107 = arith.constant 0 : i32
        %dma_wait3A_108 = tpu.memref_slice %arg9[%add3A_16, %dma_wait3A_107] : memref<80x256xi32, #tpu.memory_space<hbm>> -> memref<1x256xi32, #tpu.memory_space<hbm>>
        %dma_wait3A_109 = tpu.memref_squeeze %dma_wait3A_108 : memref<1x256xi32, #tpu.memory_space<hbm>> -> memref<256xi32, #tpu.memory_space<hbm>>
        tpu.wait_dma2 semaphore(%run_scoped3A : memref<!tpu.dma_semaphore, #tpu.memory_space<semaphore_mem>>) src(%arg26 : memref<256xi32, #tpu.memory_space<vmem>>) dst(%dma_wait3A_109 : memref<256xi32, #tpu.memory_space<hbm>>)
        tpu.yield
      }) : () -> ()
      "tpu.region"() ({
        %run_scoped3A = tpu.sem_alloc : memref<!tpu.dma_semaphore, #tpu.memory_space<semaphore_mem>>
        %dma_start3A = arith.constant 0 : i32
        %dma_start3A_100 = tpu.memref_slice %arg10[%add3A_16, %dma_start3A] : memref<80x256xf32, #tpu.memory_space<hbm>> -> memref<1x256xf32, #tpu.memory_space<hbm>>
        %dma_start3A_101 = tpu.memref_squeeze %dma_start3A_100 : memref<1x256xf32, #tpu.memory_space<hbm>> -> memref<256xf32, #tpu.memory_space<hbm>>
        %dma_start3A_102 = arith.constant 0 : i32
        %dma_start3A_103 = tpu.memref_slice %arg10[%add3A_16, %dma_start3A_102] : memref<80x256xf32, #tpu.memory_space<hbm>> -> memref<1x256xf32, #tpu.memory_space<hbm>>
        %dma_start3A_104 = tpu.memref_squeeze %dma_start3A_103 : memref<1x256xf32, #tpu.memory_space<hbm>> -> memref<256xf32, #tpu.memory_space<hbm>>
        tpu.enqueue_dma source(%arg27 : memref<256xf32, #tpu.memory_space<vmem>>) target(%dma_start3A_104 : memref<256xf32, #tpu.memory_space<hbm>>) target_semaphore(%run_scoped3A : memref<!tpu.dma_semaphore, #tpu.memory_space<semaphore_mem>>)
        %dma_wait3A = arith.constant 0 : i32
        %dma_wait3A_105 = tpu.memref_slice %arg10[%add3A_16, %dma_wait3A] : memref<80x256xf32, #tpu.memory_space<hbm>> -> memref<1x256xf32, #tpu.memory_space<hbm>>
        %dma_wait3A_106 = tpu.memref_squeeze %dma_wait3A_105 : memref<1x256xf32, #tpu.memory_space<hbm>> -> memref<256xf32, #tpu.memory_space<hbm>>
        %dma_wait3A_107 = arith.constant 0 : i32
        %dma_wait3A_108 = tpu.memref_slice %arg10[%add3A_16, %dma_wait3A_107] : memref<80x256xf32, #tpu.memory_space<hbm>> -> memref<1x256xf32, #tpu.memory_space<hbm>>
        %dma_wait3A_109 = tpu.memref_squeeze %dma_wait3A_108 : memref<1x256xf32, #tpu.memory_space<hbm>> -> memref<256xf32, #tpu.memory_space<hbm>>
        tpu.wait_dma2 semaphore(%run_scoped3A : memref<!tpu.dma_semaphore, #tpu.memory_space<semaphore_mem>>) src(%arg27 : memref<256xf32, #tpu.memory_space<vmem>>) dst(%dma_wait3A_109 : memref<256xf32, #tpu.memory_space<hbm>>)
        tpu.yield
      }) : () -> ()
      "tpu.region"() ({
        %run_scoped3A = tpu.sem_alloc : memref<!tpu.dma_semaphore, #tpu.memory_space<semaphore_mem>>
        %dma_start3A = arith.constant 0 : i32
        %dma_start3A_100 = tpu.memref_slice %arg11[%add3A_16, %dma_start3A] : memref<80x256xf32, #tpu.memory_space<hbm>> -> memref<1x256xf32, #tpu.memory_space<hbm>>
        %dma_start3A_101 = tpu.memref_squeeze %dma_start3A_100 : memref<1x256xf32, #tpu.memory_space<hbm>> -> memref<256xf32, #tpu.memory_space<hbm>>
        %dma_start3A_102 = arith.constant 0 : i32
        %dma_start3A_103 = tpu.memref_slice %arg11[%add3A_16, %dma_start3A_102] : memref<80x256xf32, #tpu.memory_space<hbm>> -> memref<1x256xf32, #tpu.memory_space<hbm>>
        %dma_start3A_104 = tpu.memref_squeeze %dma_start3A_103 : memref<1x256xf32, #tpu.memory_space<hbm>> -> memref<256xf32, #tpu.memory_space<hbm>>
        tpu.enqueue_dma source(%arg28 : memref<256xf32, #tpu.memory_space<vmem>>) target(%dma_start3A_104 : memref<256xf32, #tpu.memory_space<hbm>>) target_semaphore(%run_scoped3A : memref<!tpu.dma_semaphore, #tpu.memory_space<semaphore_mem>>)
        %dma_wait3A = arith.constant 0 : i32
        %dma_wait3A_105 = tpu.memref_slice %arg11[%add3A_16, %dma_wait3A] : memref<80x256xf32, #tpu.memory_space<hbm>> -> memref<1x256xf32, #tpu.memory_space<hbm>>
        %dma_wait3A_106 = tpu.memref_squeeze %dma_wait3A_105 : memref<1x256xf32, #tpu.memory_space<hbm>> -> memref<256xf32, #tpu.memory_space<hbm>>
        %dma_wait3A_107 = arith.constant 0 : i32
        %dma_wait3A_108 = tpu.memref_slice %arg11[%add3A_16, %dma_wait3A_107] : memref<80x256xf32, #tpu.memory_space<hbm>> -> memref<1x256xf32, #tpu.memory_space<hbm>>
        %dma_wait3A_109 = tpu.memref_squeeze %dma_wait3A_108 : memref<1x256xf32, #tpu.memory_space<hbm>> -> memref<256xf32, #tpu.memory_space<hbm>>
        tpu.wait_dma2 semaphore(%run_scoped3A : memref<!tpu.dma_semaphore, #tpu.memory_space<semaphore_mem>>) src(%arg28 : memref<256xf32, #tpu.memory_space<vmem>>) dst(%dma_wait3A_109 : memref<256xf32, #tpu.memory_space<hbm>>)
        tpu.yield
      }) : () -> ()
      "tpu.region"() ({
        %run_scoped3A = tpu.sem_alloc : memref<!tpu.dma_semaphore, #tpu.memory_space<semaphore_mem>>
        %dma_start3A = arith.constant 0 : i32
        %dma_start3A_100 = tpu.memref_slice %arg12[%add3A_16, %dma_start3A] : memref<80x256xf32, #tpu.memory_space<hbm>> -> memref<1x256xf32, #tpu.memory_space<hbm>>
        %dma_start3A_101 = tpu.memref_squeeze %dma_start3A_100 : memref<1x256xf32, #tpu.memory_space<hbm>> -> memref<256xf32, #tpu.memory_space<hbm>>
        %dma_start3A_102 = arith.constant 0 : i32
        %dma_start3A_103 = tpu.memref_slice %arg12[%add3A_16, %dma_start3A_102] : memref<80x256xf32, #tpu.memory_space<hbm>> -> memref<1x256xf32, #tpu.memory_space<hbm>>
        %dma_start3A_104 = tpu.memref_squeeze %dma_start3A_103 : memref<1x256xf32, #tpu.memory_space<hbm>> -> memref<256xf32, #tpu.memory_space<hbm>>
        tpu.enqueue_dma source(%arg29 : memref<256xf32, #tpu.memory_space<vmem>>) target(%dma_start3A_104 : memref<256xf32, #tpu.memory_space<hbm>>) target_semaphore(%run_scoped3A : memref<!tpu.dma_semaphore, #tpu.memory_space<semaphore_mem>>)
        %dma_wait3A = arith.constant 0 : i32
        %dma_wait3A_105 = tpu.memref_slice %arg12[%add3A_16, %dma_wait3A] : memref<80x256xf32, #tpu.memory_space<hbm>> -> memref<1x256xf32, #tpu.memory_space<hbm>>
        %dma_wait3A_106 = tpu.memref_squeeze %dma_wait3A_105 : memref<1x256xf32, #tpu.memory_space<hbm>> -> memref<256xf32, #tpu.memory_space<hbm>>
        %dma_wait3A_107 = arith.constant 0 : i32
        %dma_wait3A_108 = tpu.memref_slice %arg12[%add3A_16, %dma_wait3A_107] : memref<80x256xf32, #tpu.memory_space<hbm>> -> memref<1x256xf32, #tpu.memory_space<hbm>>
        %dma_wait3A_109 = tpu.memref_squeeze %dma_wait3A_108 : memref<1x256xf32, #tpu.memory_space<hbm>> -> memref<256xf32, #tpu.memory_space<hbm>>
        tpu.wait_dma2 semaphore(%run_scoped3A : memref<!tpu.dma_semaphore, #tpu.memory_space<semaphore_mem>>) src(%arg29 : memref<256xf32, #tpu.memory_space<vmem>>) dst(%dma_wait3A_109 : memref<256xf32, #tpu.memory_space<hbm>>)
        tpu.yield
      }) : () -> ()
      "tpu.region"() ({
        %run_scoped3A = tpu.sem_alloc : memref<!tpu.dma_semaphore, #tpu.memory_space<semaphore_mem>>
        %dma_start3A = arith.constant 0 : i32
        %dma_start3A_100 = tpu.memref_slice %arg13[%add3A_16, %dma_start3A] : memref<80x256xf32, #tpu.memory_space<hbm>> -> memref<1x256xf32, #tpu.memory_space<hbm>>
        %dma_start3A_101 = tpu.memref_squeeze %dma_start3A_100 : memref<1x256xf32, #tpu.memory_space<hbm>> -> memref<256xf32, #tpu.memory_space<hbm>>
        %dma_start3A_102 = arith.constant 0 : i32
        %dma_start3A_103 = tpu.memref_slice %arg13[%add3A_16, %dma_start3A_102] : memref<80x256xf32, #tpu.memory_space<hbm>> -> memref<1x256xf32, #tpu.memory_space<hbm>>
        %dma_start3A_104 = tpu.memref_squeeze %dma_start3A_103 : memref<1x256xf32, #tpu.memory_space<hbm>> -> memref<256xf32, #tpu.memory_space<hbm>>
        tpu.enqueue_dma source(%arg30 : memref<256xf32, #tpu.memory_space<vmem>>) target(%dma_start3A_104 : memref<256xf32, #tpu.memory_space<hbm>>) target_semaphore(%run_scoped3A : memref<!tpu.dma_semaphore, #tpu.memory_space<semaphore_mem>>)
        %dma_wait3A = arith.constant 0 : i32
        %dma_wait3A_105 = tpu.memref_slice %arg13[%add3A_16, %dma_wait3A] : memref<80x256xf32, #tpu.memory_space<hbm>> -> memref<1x256xf32, #tpu.memory_space<hbm>>
        %dma_wait3A_106 = tpu.memref_squeeze %dma_wait3A_105 : memref<1x256xf32, #tpu.memory_space<hbm>> -> memref<256xf32, #tpu.memory_space<hbm>>
        %dma_wait3A_107 = arith.constant 0 : i32
        %dma_wait3A_108 = tpu.memref_slice %arg13[%add3A_16, %dma_wait3A_107] : memref<80x256xf32, #tpu.memory_space<hbm>> -> memref<1x256xf32, #tpu.memory_space<hbm>>
        %dma_wait3A_109 = tpu.memref_squeeze %dma_wait3A_108 : memref<1x256xf32, #tpu.memory_space<hbm>> -> memref<256xf32, #tpu.memory_space<hbm>>
        tpu.wait_dma2 semaphore(%run_scoped3A : memref<!tpu.dma_semaphore, #tpu.memory_space<semaphore_mem>>) src(%arg30 : memref<256xf32, #tpu.memory_space<vmem>>) dst(%dma_wait3A_109 : memref<256xf32, #tpu.memory_space<hbm>>)
        tpu.yield
      }) : () -> ()
      "tpu.region"() ({
        %run_scoped3A = tpu.sem_alloc : memref<!tpu.dma_semaphore, #tpu.memory_space<semaphore_mem>>
        %dma_start3A = arith.constant 0 : i32
        %dma_start3A_100 = tpu.memref_slice %arg14[%add3A_16, %dma_start3A] : memref<80x16xi32, #tpu.memory_space<hbm>> -> memref<1x16xi32, #tpu.memory_space<hbm>>
        %dma_start3A_101 = tpu.memref_squeeze %dma_start3A_100 : memref<1x16xi32, #tpu.memory_space<hbm>> -> memref<16xi32, #tpu.memory_space<hbm>>
        %dma_start3A_102 = arith.constant 0 : i32
        %dma_start3A_103 = tpu.memref_slice %arg14[%add3A_16, %dma_start3A_102] : memref<80x16xi32, #tpu.memory_space<hbm>> -> memref<1x16xi32, #tpu.memory_space<hbm>>
        %dma_start3A_104 = tpu.memref_squeeze %dma_start3A_103 : memref<1x16xi32, #tpu.memory_space<hbm>> -> memref<16xi32, #tpu.memory_space<hbm>>
        tpu.enqueue_dma source(%arg21 : memref<16xi32, #tpu.memory_space<vmem>>) target(%dma_start3A_104 : memref<16xi32, #tpu.memory_space<hbm>>) target_semaphore(%run_scoped3A : memref<!tpu.dma_semaphore, #tpu.memory_space<semaphore_mem>>)
        %dma_wait3A = arith.constant 0 : i32
        %dma_wait3A_105 = tpu.memref_slice %arg14[%add3A_16, %dma_wait3A] : memref<80x16xi32, #tpu.memory_space<hbm>> -> memref<1x16xi32, #tpu.memory_space<hbm>>
        %dma_wait3A_106 = tpu.memref_squeeze %dma_wait3A_105 : memref<1x16xi32, #tpu.memory_space<hbm>> -> memref<16xi32, #tpu.memory_space<hbm>>
        %dma_wait3A_107 = arith.constant 0 : i32
        %dma_wait3A_108 = tpu.memref_slice %arg14[%add3A_16, %dma_wait3A_107] : memref<80x16xi32, #tpu.memory_space<hbm>> -> memref<1x16xi32, #tpu.memory_space<hbm>>
        %dma_wait3A_109 = tpu.memref_squeeze %dma_wait3A_108 : memref<1x16xi32, #tpu.memory_space<hbm>> -> memref<16xi32, #tpu.memory_space<hbm>>
        tpu.wait_dma2 semaphore(%run_scoped3A : memref<!tpu.dma_semaphore, #tpu.memory_space<semaphore_mem>>) src(%arg21 : memref<16xi32, #tpu.memory_space<vmem>>) dst(%dma_wait3A_109 : memref<16xi32, #tpu.memory_space<hbm>>)
        tpu.yield
      }) : () -> ()
    } else {
    }
    %add3A_22 = arith.constant 64 : i32
    %add3A_23 = arith.addi %add3A, %add3A_22 : i32
    %lt3A_24 = arith.constant 80 : i32
    %lt3A_25 = arith.cmpi slt, %add3A_23, %lt3A_24 : i32
    %convert_element_type3A_26 = arith.extui %lt3A_25 : i1 to i32
    %cond3A_27 = arith.constant 0 : i32
    %cond3A_28 = arith.cmpi ne, %convert_element_type3A_26, %cond3A_27 : i32
    scf.if %cond3A_28 {
      "tpu.region"() ({
        %run_scoped3A = tpu.sem_alloc : memref<!tpu.dma_semaphore, #tpu.memory_space<semaphore_mem>>
        %dma_start3A = arith.constant 0 : i32
        %dma_start3A_100 = tpu.memref_slice %arg2[%add3A_23, %dma_start3A] : memref<80x5120xf32, #tpu.memory_space<hbm>> -> memref<1x5120xf32, #tpu.memory_space<hbm>>
        %dma_start3A_101 = tpu.memref_squeeze %dma_start3A_100 : memref<1x5120xf32, #tpu.memory_space<hbm>> -> memref<5120xf32, #tpu.memory_space<hbm>>
        %dma_start3A_102 = arith.constant 0 : i32
        %dma_start3A_103 = tpu.memref_slice %arg2[%add3A_23, %dma_start3A_102] : memref<80x5120xf32, #tpu.memory_space<hbm>> -> memref<1x5120xf32, #tpu.memory_space<hbm>>
        %dma_start3A_104 = tpu.memref_squeeze %dma_start3A_103 : memref<1x5120xf32, #tpu.memory_space<hbm>> -> memref<5120xf32, #tpu.memory_space<hbm>>
        tpu.enqueue_dma source(%dma_start3A_104 : memref<5120xf32, #tpu.memory_space<hbm>>) target(%arg15 : memref<5120xf32, #tpu.memory_space<vmem>>) target_semaphore(%run_scoped3A : memref<!tpu.dma_semaphore, #tpu.memory_space<semaphore_mem>>)
        %dma_wait3A = arith.constant 0 : i32
        %dma_wait3A_105 = tpu.memref_slice %arg2[%add3A_23, %dma_wait3A] : memref<80x5120xf32, #tpu.memory_space<hbm>> -> memref<1x5120xf32, #tpu.memory_space<hbm>>
        %dma_wait3A_106 = tpu.memref_squeeze %dma_wait3A_105 : memref<1x5120xf32, #tpu.memory_space<hbm>> -> memref<5120xf32, #tpu.memory_space<hbm>>
        %dma_wait3A_107 = arith.constant 0 : i32
        %dma_wait3A_108 = tpu.memref_slice %arg2[%add3A_23, %dma_wait3A_107] : memref<80x5120xf32, #tpu.memory_space<hbm>> -> memref<1x5120xf32, #tpu.memory_space<hbm>>
        %dma_wait3A_109 = tpu.memref_squeeze %dma_wait3A_108 : memref<1x5120xf32, #tpu.memory_space<hbm>> -> memref<5120xf32, #tpu.memory_space<hbm>>
        tpu.wait_dma2 semaphore(%run_scoped3A : memref<!tpu.dma_semaphore, #tpu.memory_space<semaphore_mem>>) src(%dma_wait3A_109 : memref<5120xf32, #tpu.memory_space<hbm>>) dst(%arg15 : memref<5120xf32, #tpu.memory_space<vmem>>)
        tpu.yield
      }) : () -> ()
      "tpu.region"() ({
        %run_scoped3A = tpu.sem_alloc : memref<!tpu.dma_semaphore, #tpu.memory_space<semaphore_mem>>
        %dma_start3A = arith.constant 0 : i32
        %dma_start3A_100 = tpu.memref_slice %arg3[%add3A_23, %dma_start3A] : memref<80x16xf32, #tpu.memory_space<hbm>> -> memref<1x16xf32, #tpu.memory_space<hbm>>
        %dma_start3A_101 = tpu.memref_squeeze %dma_start3A_100 : memref<1x16xf32, #tpu.memory_space<hbm>> -> memref<16xf32, #tpu.memory_space<hbm>>
        %dma_start3A_102 = arith.constant 0 : i32
        %dma_start3A_103 = tpu.memref_slice %arg3[%add3A_23, %dma_start3A_102] : memref<80x16xf32, #tpu.memory_space<hbm>> -> memref<1x16xf32, #tpu.memory_space<hbm>>
        %dma_start3A_104 = tpu.memref_squeeze %dma_start3A_103 : memref<1x16xf32, #tpu.memory_space<hbm>> -> memref<16xf32, #tpu.memory_space<hbm>>
        tpu.enqueue_dma source(%dma_start3A_104 : memref<16xf32, #tpu.memory_space<hbm>>) target(%arg20 : memref<16xf32, #tpu.memory_space<vmem>>) target_semaphore(%run_scoped3A : memref<!tpu.dma_semaphore, #tpu.memory_space<semaphore_mem>>)
        %dma_wait3A = arith.constant 0 : i32
        %dma_wait3A_105 = tpu.memref_slice %arg3[%add3A_23, %dma_wait3A] : memref<80x16xf32, #tpu.memory_space<hbm>> -> memref<1x16xf32, #tpu.memory_space<hbm>>
        %dma_wait3A_106 = tpu.memref_squeeze %dma_wait3A_105 : memref<1x16xf32, #tpu.memory_space<hbm>> -> memref<16xf32, #tpu.memory_space<hbm>>
        %dma_wait3A_107 = arith.constant 0 : i32
        %dma_wait3A_108 = tpu.memref_slice %arg3[%add3A_23, %dma_wait3A_107] : memref<80x16xf32, #tpu.memory_space<hbm>> -> memref<1x16xf32, #tpu.memory_space<hbm>>
        %dma_wait3A_109 = tpu.memref_squeeze %dma_wait3A_108 : memref<1x16xf32, #tpu.memory_space<hbm>> -> memref<16xf32, #tpu.memory_space<hbm>>
        tpu.wait_dma2 semaphore(%run_scoped3A : memref<!tpu.dma_semaphore, #tpu.memory_space<semaphore_mem>>) src(%dma_wait3A_109 : memref<16xf32, #tpu.memory_space<hbm>>) dst(%arg20 : memref<16xf32, #tpu.memory_space<vmem>>)
        tpu.yield
      }) : () -> ()
      %scan3A = arith.constant 0 : i32
      %scan3A_29 = arith.constant 0 : i32
      %scan3A_30 = arith.constant 16 : i32
      %scan3A_31 = arith.addi %scan3A_29, %scan3A_30 : i32
      %scan3A_32 = arith.constant 1 : i32
      %scan3A_33 = scf.for %scan3A_100 = %scan3A_29 to %scan3A_31 step %scan3A_32 iter_args(%scan3A_101 = %scan3A) -> (i32)  : i32 {
        %mul3A_102 = arith.constant 16 : i32
        %mul3A_103 = arith.muli %scan3A_100, %mul3A_102 : i32
        %swap3A_104 = arith.index_cast %mul3A_103 : i32 to index
        %swap3A_105 = tpu.vector_load %arg26[%swap3A_104] {strides = array<i32>} : memref<256xi32, #tpu.memory_space<vmem>>, vector<16xi32>,
        tpu.vector_store %arg26[%swap3A_104], %broadcast_in_dim3A_1 {strides = array<i32>} : memref<256xi32, #tpu.memory_space<vmem>>, vector<16xi32>,
        %mul3A_106 = arith.constant 16 : i32
        %mul3A_107 = arith.muli %scan3A_100, %mul3A_106 : i32
        %swap3A_108 = arith.index_cast %mul3A_107 : i32 to index
        %swap3A_109 = tpu.vector_load %arg25[%swap3A_108] {strides = array<i32>} : memref<256xf32, #tpu.memory_space<vmem>>, vector<16xf32>,
        tpu.vector_store %arg25[%swap3A_108], %broadcast_in_dim3A_5 {strides = array<i32>} : memref<256xf32, #tpu.memory_space<vmem>>, vector<16xf32>,
        %scan3A_110 = arith.constant 0 : i32
        scf.yield %scan3A_110 : i32
      }
      %scan3A_34 = arith.constant 16 : i32
      %scan3A_35 = arith.constant 0 : i32
      %scan3A_36 = arith.constant 80 : i32
      %scan3A_37 = arith.addi %scan3A_35, %scan3A_36 : i32
      %scan3A_38 = arith.constant 1 : i32
      %scan3A_39 = scf.for %scan3A_100 = %scan3A_35 to %scan3A_37 step %scan3A_38 iter_args(%scan3A_101 = %broadcast_in_dim3A_1) -> (vector<16xi32>)  : i32 {
        %get3A = arith.constant 0 : index
        %get3A_102 = tpu.vector_load %arg20[%get3A] {strides = array<i32>} : memref<16xf32, #tpu.memory_space<vmem>>, vector<16xf32>,
        %mul3A_103 = arith.constant 64 : i32
        %mul3A_104 = arith.muli %scan3A_100, %mul3A_103 : i32
        %add3A_105 = arith.constant 0 : i32
        %add3A_106 = arith.addi %mul3A_104, %add3A_105 : i32
        %get3A_107 = arith.index_cast %add3A_106 : i32 to index
        %get3A_108 = tpu.vector_load %arg15[%get3A_107] {strides = array<i32>} : memref<5120xf32, #tpu.memory_space<vmem>>, vector<16xf32>,
        %gt3A = arith.cmpf ogt, %get3A_108, %get3A_102 : vector<16xf32>
        %add3A_109 = arith.addi %mul3A_10, %scan3A_101 : vector<16xi32>
        %lt3A_110 = arith.cmpi slt, %scan3A_101, %broadcast_in_dim3A_7 : vector<16xi32>
        %and3A = arith.andi %gt3A, %lt3A_110 : vector<16xi1>
        %mul3A_111 = arith.constant 64 : i32
        %mul3A_112 = arith.muli %scan3A_100, %mul3A_111 : i32
        %add3A_113 = arith.constant 0 : i32
        %add3A_114 = arith.addi %mul3A_112, %add3A_113 : i32
        %broadcast_in_dim3A_115 = vector.broadcast %add3A_114 : i32 to vector<16xi32>
        %add3A_116 = arith.addi %iota3A, %broadcast_in_dim3A_115 : vector<16xi32>
        tpu.vector_store_idx %arg24[%add3A_109], %add3A_116 masked %and3A : memref<768xi32, #tpu.memory_space<vmem>>[vector<16xi32>], vector<16xi32>, vector<16xi1>
        tpu.vector_store_idx %arg23[%add3A_109], %get3A_108 masked %and3A : memref<768xf32, #tpu.memory_space<vmem>>[vector<16xi32>], vector<16xf32>, vector<16xi1>
        %select_n3A_117 = arith.select %gt3A, %broadcast_in_dim3A_3, %broadcast_in_dim3A_1 : vector<16xi1>, vector<16xi32>
        %add3A_118 = arith.addi %scan3A_101, %select_n3A_117 : vector<16xi32>
        %mul3A_119 = arith.constant 64 : i32
        %mul3A_120 = arith.muli %scan3A_100, %mul3A_119 : i32
        %add3A_121 = arith.constant 16 : i32
        %add3A_122 = arith.addi %mul3A_120, %add3A_121 : i32
        %get3A_123 = arith.index_cast %add3A_122 : i32 to index
        %get3A_124 = tpu.vector_load %arg15[%get3A_123] {strides = array<i32>} : memref<5120xf32, #tpu.memory_space<vmem>>, vector<16xf32>,
        %gt3A_125 = arith.cmpf ogt, %get3A_124, %get3A_102 : vector<16xf32>
        %add3A_126 = arith.addi %mul3A_10, %add3A_118 : vector<16xi32>
        %lt3A_127 = arith.cmpi slt, %add3A_118, %broadcast_in_dim3A_7 : vector<16xi32>
        %and3A_128 = arith.andi %gt3A_125, %lt3A_127 : vector<16xi1>
        %mul3A_129 = arith.constant 64 : i32
        %mul3A_130 = arith.muli %scan3A_100, %mul3A_129 : i32
        %add3A_131 = arith.constant 16 : i32
        %add3A_132 = arith.addi %mul3A_130, %add3A_131 : i32
        %broadcast_in_dim3A_133 = vector.broadcast %add3A_132 : i32 to vector<16xi32>
        %add3A_134 = arith.addi %iota3A, %broadcast_in_dim3A_133 : vector<16xi32>
        tpu.vector_store_idx %arg24[%add3A_126], %add3A_134 masked %and3A_128 : memref<768xi32, #tpu.memory_space<vmem>>[vector<16xi32>], vector<16xi32>, vector<16xi1>
        tpu.vector_store_idx %arg23[%add3A_126], %get3A_124 masked %and3A_128 : memref<768xf32, #tpu.memory_space<vmem>>[vector<16xi32>], vector<16xf32>, vector<16xi1>
        %select_n3A_135 = arith.select %gt3A_125, %broadcast_in_dim3A_3, %broadcast_in_dim3A_1 : vector<16xi1>, vector<16xi32>
        %add3A_136 = arith.addi %add3A_118, %select_n3A_135 : vector<16xi32>
        %mul3A_137 = arith.constant 64 : i32
        %mul3A_138 = arith.muli %scan3A_100, %mul3A_137 : i32
        %add3A_139 = arith.constant 32 : i32
        %add3A_140 = arith.addi %mul3A_138, %add3A_139 : i32
        %get3A_141 = arith.index_cast %add3A_140 : i32 to index
        %get3A_142 = tpu.vector_load %arg15[%get3A_141] {strides = array<i32>} : memref<5120xf32, #tpu.memory_space<vmem>>, vector<16xf32>,
        %gt3A_143 = arith.cmpf ogt, %get3A_142, %get3A_102 : vector<16xf32>
        %add3A_144 = arith.addi %mul3A_10, %add3A_136 : vector<16xi32>
        %lt3A_145 = arith.cmpi slt, %add3A_136, %broadcast_in_dim3A_7 : vector<16xi32>
        %and3A_146 = arith.andi %gt3A_143, %lt3A_145 : vector<16xi1>
        %mul3A_147 = arith.constant 64 : i32
        %mul3A_148 = arith.muli %scan3A_100, %mul3A_147 : i32
        %add3A_149 = arith.constant 32 : i32
        %add3A_150 = arith.addi %mul3A_148, %add3A_149 : i32
        %broadcast_in_dim3A_151 = vector.broadcast %add3A_150 : i32 to vector<16xi32>
        %add3A_152 = arith.addi %iota3A, %broadcast_in_dim3A_151 : vector<16xi32>
        tpu.vector_store_idx %arg24[%add3A_144], %add3A_152 masked %and3A_146 : memref<768xi32, #tpu.memory_space<vmem>>[vector<16xi32>], vector<16xi32>, vector<16xi1>
        tpu.vector_store_idx %arg23[%add3A_144], %get3A_142 masked %and3A_146 : memref<768xf32, #tpu.memory_space<vmem>>[vector<16xi32>], vector<16xf32>, vector<16xi1>
        %select_n3A_153 = arith.select %gt3A_143, %broadcast_in_dim3A_3, %broadcast_in_dim3A_1 : vector<16xi1>, vector<16xi32>
        %add3A_154 = arith.addi %add3A_136, %select_n3A_153 : vector<16xi32>
        %mul3A_155 = arith.constant 64 : i32
        %mul3A_156 = arith.muli %scan3A_100, %mul3A_155 : i32
        %add3A_157 = arith.constant 48 : i32
        %add3A_158 = arith.addi %mul3A_156, %add3A_157 : i32
        %get3A_159 = arith.index_cast %add3A_158 : i32 to index
        %get3A_160 = tpu.vector_load %arg15[%get3A_159] {strides = array<i32>} : memref<5120xf32, #tpu.memory_space<vmem>>, vector<16xf32>,
        %gt3A_161 = arith.cmpf ogt, %get3A_160, %get3A_102 : vector<16xf32>
        %add3A_162 = arith.addi %mul3A_10, %add3A_154 : vector<16xi32>
        %lt3A_163 = arith.cmpi slt, %add3A_154, %broadcast_in_dim3A_7 : vector<16xi32>
        %and3A_164 = arith.andi %gt3A_161, %lt3A_163 : vector<16xi1>
        %mul3A_165 = arith.constant 64 : i32
        %mul3A_166 = arith.muli %scan3A_100, %mul3A_165 : i32
        %add3A_167 = arith.constant 48 : i32
        %add3A_168 = arith.addi %mul3A_166, %add3A_167 : i32
        %broadcast_in_dim3A_169 = vector.broadcast %add3A_168 : i32 to vector<16xi32>
        %add3A_170 = arith.addi %iota3A, %broadcast_in_dim3A_169 : vector<16xi32>
        tpu.vector_store_idx %arg24[%add3A_162], %add3A_170 masked %and3A_164 : memref<768xi32, #tpu.memory_space<vmem>>[vector<16xi32>], vector<16xi32>, vector<16xi1>
        tpu.vector_store_idx %arg23[%add3A_162], %get3A_160 masked %and3A_164 : memref<768xf32, #tpu.memory_space<vmem>>[vector<16xi32>], vector<16xf32>, vector<16xi1>
        %select_n3A_171 = arith.select %gt3A_161, %broadcast_in_dim3A_3, %broadcast_in_dim3A_1 : vector<16xi1>, vector<16xi32>
        %add3A_172 = arith.addi %add3A_154, %select_n3A_171 : vector<16xi32>
        scf.yield %add3A_172 : vector<16xi32>
      }
      %scan3A_40 = arith.constant 80 : i32
      %swap3A = arith.constant 0 : index
      %swap3A_41 = tpu.vector_load %arg21[%swap3A] {strides = array<i32>} : memref<16xi32, #tpu.memory_space<vmem>>, vector<16xi32>,
      tpu.vector_store %arg21[%swap3A], %scan3A_39 {strides = array<i32>} : memref<16xi32, #tpu.memory_space<vmem>>, vector<16xi32>,
      %min3A = arith.minsi %scan3A_39, %broadcast_in_dim3A_7 : vector<16xi32>
      %swap3A_42 = arith.constant 0 : index
      %swap3A_43 = tpu.vector_load %arg22[%swap3A_42] {strides = array<i32>} : memref<16xi32, #tpu.memory_space<vmem>>, vector<16xi32>,
      tpu.vector_store %arg22[%swap3A_42], %min3A {strides = array<i32>} : memref<16xi32, #tpu.memory_space<vmem>>, vector<16xi32>,
      %broadcast_in_dim3A_44 = arith.constant 1 : i32
      %broadcast_in_dim3A_45 = vector.broadcast %broadcast_in_dim3A_44 : i32 to vector<16xi32>
      %sub3A = arith.subi %iota3A, %broadcast_in_dim3A_45 : vector<16xi32>
      %max3A = arith.maxsi %sub3A, %broadcast_in_dim3A_1 : vector<16xi32>
      %gather3A = tpu.vector_load_idx %arg22[%max3A] : memref<16xi32, #tpu.memory_space<vmem>>[vector<16xi32>], vector<16xi32>,
      %broadcast_in_dim3A_46 = arith.constant 1 : i32
      %broadcast_in_dim3A_47 = vector.broadcast %broadcast_in_dim3A_46 : i32 to vector<16xi32>
      %ge3A = arith.cmpi sge, %iota3A, %broadcast_in_dim3A_47 : vector<16xi32>
      %select_n3A = arith.select %ge3A, %gather3A, %broadcast_in_dim3A_1 : vector<16xi1>, vector<16xi32>
      %add3A_48 = arith.addi %min3A, %select_n3A : vector<16xi32>
      %swap3A_49 = arith.constant 0 : index
      %swap3A_50 = tpu.vector_load %arg22[%swap3A_49] {strides = array<i32>} : memref<16xi32, #tpu.memory_space<vmem>>, vector<16xi32>,
      tpu.vector_store %arg22[%swap3A_49], %add3A_48 {strides = array<i32>} : memref<16xi32, #tpu.memory_space<vmem>>, vector<16xi32>,
      %broadcast_in_dim3A_51 = arith.constant 2 : i32
      %broadcast_in_dim3A_52 = vector.broadcast %broadcast_in_dim3A_51 : i32 to vector<16xi32>
      %sub3A_53 = arith.subi %iota3A, %broadcast_in_dim3A_52 : vector<16xi32>
      %max3A_54 = arith.maxsi %sub3A_53, %broadcast_in_dim3A_1 : vector<16xi32>
      %gather3A_55 = tpu.vector_load_idx %arg22[%max3A_54] : memref<16xi32, #tpu.memory_space<vmem>>[vector<16xi32>], vector<16xi32>,
      %broadcast_in_dim3A_56 = arith.constant 2 : i32
      %broadcast_in_dim3A_57 = vector.broadcast %broadcast_in_dim3A_56 : i32 to vector<16xi32>
      %ge3A_58 = arith.cmpi sge, %iota3A, %broadcast_in_dim3A_57 : vector<16xi32>
      %select_n3A_59 = arith.select %ge3A_58, %gather3A_55, %broadcast_in_dim3A_1 : vector<16xi1>, vector<16xi32>
      %add3A_60 = arith.addi %add3A_48, %select_n3A_59 : vector<16xi32>
      %swap3A_61 = arith.constant 0 : index
      %swap3A_62 = tpu.vector_load %arg22[%swap3A_61] {strides = array<i32>} : memref<16xi32, #tpu.memory_space<vmem>>, vector<16xi32>,
      tpu.vector_store %arg22[%swap3A_61], %add3A_60 {strides = array<i32>} : memref<16xi32, #tpu.memory_space<vmem>>, vector<16xi32>,
      %broadcast_in_dim3A_63 = arith.constant 4 : i32
      %broadcast_in_dim3A_64 = vector.broadcast %broadcast_in_dim3A_63 : i32 to vector<16xi32>
      %sub3A_65 = arith.subi %iota3A, %broadcast_in_dim3A_64 : vector<16xi32>
      %max3A_66 = arith.maxsi %sub3A_65, %broadcast_in_dim3A_1 : vector<16xi32>
      %gather3A_67 = tpu.vector_load_idx %arg22[%max3A_66] : memref<16xi32, #tpu.memory_space<vmem>>[vector<16xi32>], vector<16xi32>,
      %broadcast_in_dim3A_68 = arith.constant 4 : i32
      %broadcast_in_dim3A_69 = vector.broadcast %broadcast_in_dim3A_68 : i32 to vector<16xi32>
      %ge3A_70 = arith.cmpi sge, %iota3A, %broadcast_in_dim3A_69 : vector<16xi32>
      %select_n3A_71 = arith.select %ge3A_70, %gather3A_67, %broadcast_in_dim3A_1 : vector<16xi1>, vector<16xi32>
      %add3A_72 = arith.addi %add3A_60, %select_n3A_71 : vector<16xi32>
      %swap3A_73 = arith.constant 0 : index
      %swap3A_74 = tpu.vector_load %arg22[%swap3A_73] {strides = array<i32>} : memref<16xi32, #tpu.memory_space<vmem>>, vector<16xi32>,
      tpu.vector_store %arg22[%swap3A_73], %add3A_72 {strides = array<i32>} : memref<16xi32, #tpu.memory_space<vmem>>, vector<16xi32>,
      %broadcast_in_dim3A_75 = arith.constant 8 : i32
      %broadcast_in_dim3A_76 = vector.broadcast %broadcast_in_dim3A_75 : i32 to vector<16xi32>
      %sub3A_77 = arith.subi %iota3A, %broadcast_in_dim3A_76 : vector<16xi32>
      %max3A_78 = arith.maxsi %sub3A_77, %broadcast_in_dim3A_1 : vector<16xi32>
      %gather3A_79 = tpu.vector_load_idx %arg22[%max3A_78] : memref<16xi32, #tpu.memory_space<vmem>>[vector<16xi32>], vector<16xi32>,
      %broadcast_in_dim3A_80 = arith.constant 8 : i32
      %broadcast_in_dim3A_81 = vector.broadcast %broadcast_in_dim3A_80 : i32 to vector<16xi32>
      %ge3A_82 = arith.cmpi sge, %iota3A, %broadcast_in_dim3A_81 : vector<16xi32>
      %select_n3A_83 = arith.select %ge3A_82, %gather3A_79, %broadcast_in_dim3A_1 : vector<16xi1>, vector<16xi32>
      %add3A_84 = arith.addi %add3A_72, %select_n3A_83 : vector<16xi32>
      %sub3A_85 = arith.subi %add3A_84, %min3A : vector<16xi32>
      %scan3A_86 = arith.constant 0 : i32
      %scan3A_87 = arith.constant 0 : i32
      %scan3A_88 = arith.constant 48 : i32
      %scan3A_89 = arith.addi %scan3A_87, %scan3A_88 : i32
      %scan3A_90 = arith.constant 1 : i32
      %scan3A_91 = scf.for %scan3A_100 = %scan3A_87 to %scan3A_89 step %scan3A_90 iter_args(%scan3A_101 = %scan3A_86) -> (i32)  : i32 {
        %broadcast_in_dim3A_102 = vector.broadcast %scan3A_100 : i32 to vector<16xi32>
        %add3A_103 = arith.addi %mul3A_10, %broadcast_in_dim3A_102 : vector<16xi32>
        %gather3A_104 = tpu.vector_load_idx %arg23[%add3A_103] : memref<768xf32, #tpu.memory_space<vmem>>[vector<16xi32>], vector<16xf32>,
        %gather3A_105 = tpu.vector_load_idx %arg24[%add3A_103] : memref<768xi32, #tpu.memory_space<vmem>>[vector<16xi32>], vector<16xi32>,
        %add3A_106 = arith.addi %sub3A_85, %broadcast_in_dim3A_102 : vector<16xi32>
        %lt3A_107 = arith.cmpi slt, %broadcast_in_dim3A_102, %min3A : vector<16xi32>
        %lt3A_108 = arith.cmpi slt, %add3A_106, %broadcast_in_dim3A_9 : vector<16xi32>
        %and3A = arith.andi %lt3A_107, %lt3A_108 : vector<16xi1>
        tpu.vector_store_idx %arg25[%add3A_106], %gather3A_104 masked %and3A : memref<256xf32, #tpu.memory_space<vmem>>[vector<16xi32>], vector<16xf32>, vector<16xi1>
        tpu.vector_store_idx %arg26[%add3A_106], %gather3A_105 masked %and3A : memref<256xi32, #tpu.memory_space<vmem>>[vector<16xi32>], vector<16xi32>, vector<16xi1>
        %scan3A_109 = arith.constant 0 : i32
        scf.yield %scan3A_109 : i32
      }
      %scan3A_92 = arith.constant 48 : i32
      %scan3A_93 = arith.constant 0 : i32
      %scan3A_94 = arith.constant 0 : i32
      %scan3A_95 = arith.constant 16 : i32
      %scan3A_96 = arith.addi %scan3A_94, %scan3A_95 : i32
      %scan3A_97 = arith.constant 1 : i32
      %scan3A_98 = scf.for %scan3A_100 = %scan3A_94 to %scan3A_96 step %scan3A_97 iter_args(%scan3A_101 = %scan3A_93) -> (i32)  : i32 {
        %mul3A_102 = arith.constant 16 : i32
        %mul3A_103 = arith.muli %scan3A_100, %mul3A_102 : i32
        %get3A = arith.index_cast %mul3A_103 : i32 to index
        %get3A_104 = tpu.vector_load %arg26[%get3A] {strides = array<i32>} : memref<256xi32, #tpu.memory_space<vmem>>, vector<16xi32>,
        %gather3A_105 = tpu.vector_load_idx %arg16[%get3A_104] : memref<5120xf32, #tpu.memory_space<vmem>>[vector<16xi32>], vector<16xf32>,
        %swap3A_106 = arith.index_cast %mul3A_103 : i32 to index
        %swap3A_107 = tpu.vector_load %arg27[%swap3A_106] {strides = array<i32>} : memref<256xf32, #tpu.memory_space<vmem>>, vector<16xf32>,
        tpu.vector_store %arg27[%swap3A_106], %gather3A_105 {strides = array<i32>} : memref<256xf32, #tpu.memory_space<vmem>>, vector<16xf32>,
        %gather3A_108 = tpu.vector_load_idx %arg17[%get3A_104] : memref<5120xf32, #tpu.memory_space<vmem>>[vector<16xi32>], vector<16xf32>,
        %swap3A_109 = arith.index_cast %mul3A_103 : i32 to index
        %swap3A_110 = tpu.vector_load %arg28[%swap3A_109] {strides = array<i32>} : memref<256xf32, #tpu.memory_space<vmem>>, vector<16xf32>,
        tpu.vector_store %arg28[%swap3A_109], %gather3A_108 {strides = array<i32>} : memref<256xf32, #tpu.memory_space<vmem>>, vector<16xf32>,
        %gather3A_111 = tpu.vector_load_idx %arg18[%get3A_104] : memref<5120xf32, #tpu.memory_space<vmem>>[vector<16xi32>], vector<16xf32>,
        %swap3A_112 = arith.index_cast %mul3A_103 : i32 to index
        %swap3A_113 = tpu.vector_load %arg29[%swap3A_112] {strides = array<i32>} : memref<256xf32, #tpu.memory_space<vmem>>, vector<16xf32>,
        tpu.vector_store %arg29[%swap3A_112], %gather3A_111 {strides = array<i32>} : memref<256xf32, #tpu.memory_space<vmem>>, vector<16xf32>,
        %gather3A_114 = tpu.vector_load_idx %arg19[%get3A_104] : memref<5120xf32, #tpu.memory_space<vmem>>[vector<16xi32>], vector<16xf32>,
        %swap3A_115 = arith.index_cast %mul3A_103 : i32 to index
        %swap3A_116 = tpu.vector_load %arg30[%swap3A_115] {strides = array<i32>} : memref<256xf32, #tpu.memory_space<vmem>>, vector<16xf32>,
        tpu.vector_store %arg30[%swap3A_115], %gather3A_114 {strides = array<i32>} : memref<256xf32, #tpu.memory_space<vmem>>, vector<16xf32>,
        %scan3A_117 = arith.constant 0 : i32
        scf.yield %scan3A_117 : i32
      }
      %scan3A_99 = arith.constant 16 : i32
      "tpu.region"() ({
        %run_scoped3A = tpu.sem_alloc : memref<!tpu.dma_semaphore, #tpu.memory_space<semaphore_mem>>
        %dma_start3A = arith.constant 0 : i32
        %dma_start3A_100 = tpu.memref_slice %arg8[%add3A_23, %dma_start3A] : memref<80x256xf32, #tpu.memory_space<hbm>> -> memref<1x256xf32, #tpu.memory_space<hbm>>
        %dma_start3A_101 = tpu.memref_squeeze %dma_start3A_100 : memref<1x256xf32, #tpu.memory_space<hbm>> -> memref<256xf32, #tpu.memory_space<hbm>>
        %dma_start3A_102 = arith.constant 0 : i32
        %dma_start3A_103 = tpu.memref_slice %arg8[%add3A_23, %dma_start3A_102] : memref<80x256xf32, #tpu.memory_space<hbm>> -> memref<1x256xf32, #tpu.memory_space<hbm>>
        %dma_start3A_104 = tpu.memref_squeeze %dma_start3A_103 : memref<1x256xf32, #tpu.memory_space<hbm>> -> memref<256xf32, #tpu.memory_space<hbm>>
        tpu.enqueue_dma source(%arg25 : memref<256xf32, #tpu.memory_space<vmem>>) target(%dma_start3A_104 : memref<256xf32, #tpu.memory_space<hbm>>) target_semaphore(%run_scoped3A : memref<!tpu.dma_semaphore, #tpu.memory_space<semaphore_mem>>)
        %dma_wait3A = arith.constant 0 : i32
        %dma_wait3A_105 = tpu.memref_slice %arg8[%add3A_23, %dma_wait3A] : memref<80x256xf32, #tpu.memory_space<hbm>> -> memref<1x256xf32, #tpu.memory_space<hbm>>
        %dma_wait3A_106 = tpu.memref_squeeze %dma_wait3A_105 : memref<1x256xf32, #tpu.memory_space<hbm>> -> memref<256xf32, #tpu.memory_space<hbm>>
        %dma_wait3A_107 = arith.constant 0 : i32
        %dma_wait3A_108 = tpu.memref_slice %arg8[%add3A_23, %dma_wait3A_107] : memref<80x256xf32, #tpu.memory_space<hbm>> -> memref<1x256xf32, #tpu.memory_space<hbm>>
        %dma_wait3A_109 = tpu.memref_squeeze %dma_wait3A_108 : memref<1x256xf32, #tpu.memory_space<hbm>> -> memref<256xf32, #tpu.memory_space<hbm>>
        tpu.wait_dma2 semaphore(%run_scoped3A : memref<!tpu.dma_semaphore, #tpu.memory_space<semaphore_mem>>) src(%arg25 : memref<256xf32, #tpu.memory_space<vmem>>) dst(%dma_wait3A_109 : memref<256xf32, #tpu.memory_space<hbm>>)
        tpu.yield
      }) : () -> ()
      "tpu.region"() ({
        %run_scoped3A = tpu.sem_alloc : memref<!tpu.dma_semaphore, #tpu.memory_space<semaphore_mem>>
        %dma_start3A = arith.constant 0 : i32
        %dma_start3A_100 = tpu.memref_slice %arg9[%add3A_23, %dma_start3A] : memref<80x256xi32, #tpu.memory_space<hbm>> -> memref<1x256xi32, #tpu.memory_space<hbm>>
        %dma_start3A_101 = tpu.memref_squeeze %dma_start3A_100 : memref<1x256xi32, #tpu.memory_space<hbm>> -> memref<256xi32, #tpu.memory_space<hbm>>
        %dma_start3A_102 = arith.constant 0 : i32
        %dma_start3A_103 = tpu.memref_slice %arg9[%add3A_23, %dma_start3A_102] : memref<80x256xi32, #tpu.memory_space<hbm>> -> memref<1x256xi32, #tpu.memory_space<hbm>>
        %dma_start3A_104 = tpu.memref_squeeze %dma_start3A_103 : memref<1x256xi32, #tpu.memory_space<hbm>> -> memref<256xi32, #tpu.memory_space<hbm>>
        tpu.enqueue_dma source(%arg26 : memref<256xi32, #tpu.memory_space<vmem>>) target(%dma_start3A_104 : memref<256xi32, #tpu.memory_space<hbm>>) target_semaphore(%run_scoped3A : memref<!tpu.dma_semaphore, #tpu.memory_space<semaphore_mem>>)
        %dma_wait3A = arith.constant 0 : i32
        %dma_wait3A_105 = tpu.memref_slice %arg9[%add3A_23, %dma_wait3A] : memref<80x256xi32, #tpu.memory_space<hbm>> -> memref<1x256xi32, #tpu.memory_space<hbm>>
        %dma_wait3A_106 = tpu.memref_squeeze %dma_wait3A_105 : memref<1x256xi32, #tpu.memory_space<hbm>> -> memref<256xi32, #tpu.memory_space<hbm>>
        %dma_wait3A_107 = arith.constant 0 : i32
        %dma_wait3A_108 = tpu.memref_slice %arg9[%add3A_23, %dma_wait3A_107] : memref<80x256xi32, #tpu.memory_space<hbm>> -> memref<1x256xi32, #tpu.memory_space<hbm>>
        %dma_wait3A_109 = tpu.memref_squeeze %dma_wait3A_108 : memref<1x256xi32, #tpu.memory_space<hbm>> -> memref<256xi32, #tpu.memory_space<hbm>>
        tpu.wait_dma2 semaphore(%run_scoped3A : memref<!tpu.dma_semaphore, #tpu.memory_space<semaphore_mem>>) src(%arg26 : memref<256xi32, #tpu.memory_space<vmem>>) dst(%dma_wait3A_109 : memref<256xi32, #tpu.memory_space<hbm>>)
        tpu.yield
      }) : () -> ()
      "tpu.region"() ({
        %run_scoped3A = tpu.sem_alloc : memref<!tpu.dma_semaphore, #tpu.memory_space<semaphore_mem>>
        %dma_start3A = arith.constant 0 : i32
        %dma_start3A_100 = tpu.memref_slice %arg10[%add3A_23, %dma_start3A] : memref<80x256xf32, #tpu.memory_space<hbm>> -> memref<1x256xf32, #tpu.memory_space<hbm>>
        %dma_start3A_101 = tpu.memref_squeeze %dma_start3A_100 : memref<1x256xf32, #tpu.memory_space<hbm>> -> memref<256xf32, #tpu.memory_space<hbm>>
        %dma_start3A_102 = arith.constant 0 : i32
        %dma_start3A_103 = tpu.memref_slice %arg10[%add3A_23, %dma_start3A_102] : memref<80x256xf32, #tpu.memory_space<hbm>> -> memref<1x256xf32, #tpu.memory_space<hbm>>
        %dma_start3A_104 = tpu.memref_squeeze %dma_start3A_103 : memref<1x256xf32, #tpu.memory_space<hbm>> -> memref<256xf32, #tpu.memory_space<hbm>>
        tpu.enqueue_dma source(%arg27 : memref<256xf32, #tpu.memory_space<vmem>>) target(%dma_start3A_104 : memref<256xf32, #tpu.memory_space<hbm>>) target_semaphore(%run_scoped3A : memref<!tpu.dma_semaphore, #tpu.memory_space<semaphore_mem>>)
        %dma_wait3A = arith.constant 0 : i32
        %dma_wait3A_105 = tpu.memref_slice %arg10[%add3A_23, %dma_wait3A] : memref<80x256xf32, #tpu.memory_space<hbm>> -> memref<1x256xf32, #tpu.memory_space<hbm>>
        %dma_wait3A_106 = tpu.memref_squeeze %dma_wait3A_105 : memref<1x256xf32, #tpu.memory_space<hbm>> -> memref<256xf32, #tpu.memory_space<hbm>>
        %dma_wait3A_107 = arith.constant 0 : i32
        %dma_wait3A_108 = tpu.memref_slice %arg10[%add3A_23, %dma_wait3A_107] : memref<80x256xf32, #tpu.memory_space<hbm>> -> memref<1x256xf32, #tpu.memory_space<hbm>>
        %dma_wait3A_109 = tpu.memref_squeeze %dma_wait3A_108 : memref<1x256xf32, #tpu.memory_space<hbm>> -> memref<256xf32, #tpu.memory_space<hbm>>
        tpu.wait_dma2 semaphore(%run_scoped3A : memref<!tpu.dma_semaphore, #tpu.memory_space<semaphore_mem>>) src(%arg27 : memref<256xf32, #tpu.memory_space<vmem>>) dst(%dma_wait3A_109 : memref<256xf32, #tpu.memory_space<hbm>>)
        tpu.yield
      }) : () -> ()
      "tpu.region"() ({
        %run_scoped3A = tpu.sem_alloc : memref<!tpu.dma_semaphore, #tpu.memory_space<semaphore_mem>>
        %dma_start3A = arith.constant 0 : i32
        %dma_start3A_100 = tpu.memref_slice %arg11[%add3A_23, %dma_start3A] : memref<80x256xf32, #tpu.memory_space<hbm>> -> memref<1x256xf32, #tpu.memory_space<hbm>>
        %dma_start3A_101 = tpu.memref_squeeze %dma_start3A_100 : memref<1x256xf32, #tpu.memory_space<hbm>> -> memref<256xf32, #tpu.memory_space<hbm>>
        %dma_start3A_102 = arith.constant 0 : i32
        %dma_start3A_103 = tpu.memref_slice %arg11[%add3A_23, %dma_start3A_102] : memref<80x256xf32, #tpu.memory_space<hbm>> -> memref<1x256xf32, #tpu.memory_space<hbm>>
        %dma_start3A_104 = tpu.memref_squeeze %dma_start3A_103 : memref<1x256xf32, #tpu.memory_space<hbm>> -> memref<256xf32, #tpu.memory_space<hbm>>
        tpu.enqueue_dma source(%arg28 : memref<256xf32, #tpu.memory_space<vmem>>) target(%dma_start3A_104 : memref<256xf32, #tpu.memory_space<hbm>>) target_semaphore(%run_scoped3A : memref<!tpu.dma_semaphore, #tpu.memory_space<semaphore_mem>>)
        %dma_wait3A = arith.constant 0 : i32
        %dma_wait3A_105 = tpu.memref_slice %arg11[%add3A_23, %dma_wait3A] : memref<80x256xf32, #tpu.memory_space<hbm>> -> memref<1x256xf32, #tpu.memory_space<hbm>>
        %dma_wait3A_106 = tpu.memref_squeeze %dma_wait3A_105 : memref<1x256xf32, #tpu.memory_space<hbm>> -> memref<256xf32, #tpu.memory_space<hbm>>
        %dma_wait3A_107 = arith.constant 0 : i32
        %dma_wait3A_108 = tpu.memref_slice %arg11[%add3A_23, %dma_wait3A_107] : memref<80x256xf32, #tpu.memory_space<hbm>> -> memref<1x256xf32, #tpu.memory_space<hbm>>
        %dma_wait3A_109 = tpu.memref_squeeze %dma_wait3A_108 : memref<1x256xf32, #tpu.memory_space<hbm>> -> memref<256xf32, #tpu.memory_space<hbm>>
        tpu.wait_dma2 semaphore(%run_scoped3A : memref<!tpu.dma_semaphore, #tpu.memory_space<semaphore_mem>>) src(%arg28 : memref<256xf32, #tpu.memory_space<vmem>>) dst(%dma_wait3A_109 : memref<256xf32, #tpu.memory_space<hbm>>)
        tpu.yield
      }) : () -> ()
      "tpu.region"() ({
        %run_scoped3A = tpu.sem_alloc : memref<!tpu.dma_semaphore, #tpu.memory_space<semaphore_mem>>
        %dma_start3A = arith.constant 0 : i32
        %dma_start3A_100 = tpu.memref_slice %arg12[%add3A_23, %dma_start3A] : memref<80x256xf32, #tpu.memory_space<hbm>> -> memref<1x256xf32, #tpu.memory_space<hbm>>
        %dma_start3A_101 = tpu.memref_squeeze %dma_start3A_100 : memref<1x256xf32, #tpu.memory_space<hbm>> -> memref<256xf32, #tpu.memory_space<hbm>>
        %dma_start3A_102 = arith.constant 0 : i32
        %dma_start3A_103 = tpu.memref_slice %arg12[%add3A_23, %dma_start3A_102] : memref<80x256xf32, #tpu.memory_space<hbm>> -> memref<1x256xf32, #tpu.memory_space<hbm>>
        %dma_start3A_104 = tpu.memref_squeeze %dma_start3A_103 : memref<1x256xf32, #tpu.memory_space<hbm>> -> memref<256xf32, #tpu.memory_space<hbm>>
        tpu.enqueue_dma source(%arg29 : memref<256xf32, #tpu.memory_space<vmem>>) target(%dma_start3A_104 : memref<256xf32, #tpu.memory_space<hbm>>) target_semaphore(%run_scoped3A : memref<!tpu.dma_semaphore, #tpu.memory_space<semaphore_mem>>)
        %dma_wait3A = arith.constant 0 : i32
        %dma_wait3A_105 = tpu.memref_slice %arg12[%add3A_23, %dma_wait3A] : memref<80x256xf32, #tpu.memory_space<hbm>> -> memref<1x256xf32, #tpu.memory_space<hbm>>
        %dma_wait3A_106 = tpu.memref_squeeze %dma_wait3A_105 : memref<1x256xf32, #tpu.memory_space<hbm>> -> memref<256xf32, #tpu.memory_space<hbm>>
        %dma_wait3A_107 = arith.constant 0 : i32
        %dma_wait3A_108 = tpu.memref_slice %arg12[%add3A_23, %dma_wait3A_107] : memref<80x256xf32, #tpu.memory_space<hbm>> -> memref<1x256xf32, #tpu.memory_space<hbm>>
        %dma_wait3A_109 = tpu.memref_squeeze %dma_wait3A_108 : memref<1x256xf32, #tpu.memory_space<hbm>> -> memref<256xf32, #tpu.memory_space<hbm>>
        tpu.wait_dma2 semaphore(%run_scoped3A : memref<!tpu.dma_semaphore, #tpu.memory_space<semaphore_mem>>) src(%arg29 : memref<256xf32, #tpu.memory_space<vmem>>) dst(%dma_wait3A_109 : memref<256xf32, #tpu.memory_space<hbm>>)
        tpu.yield
      }) : () -> ()
      "tpu.region"() ({
        %run_scoped3A = tpu.sem_alloc : memref<!tpu.dma_semaphore, #tpu.memory_space<semaphore_mem>>
        %dma_start3A = arith.constant 0 : i32
        %dma_start3A_100 = tpu.memref_slice %arg13[%add3A_23, %dma_start3A] : memref<80x256xf32, #tpu.memory_space<hbm>> -> memref<1x256xf32, #tpu.memory_space<hbm>>
        %dma_start3A_101 = tpu.memref_squeeze %dma_start3A_100 : memref<1x256xf32, #tpu.memory_space<hbm>> -> memref<256xf32, #tpu.memory_space<hbm>>
        %dma_start3A_102 = arith.constant 0 : i32
        %dma_start3A_103 = tpu.memref_slice %arg13[%add3A_23, %dma_start3A_102] : memref<80x256xf32, #tpu.memory_space<hbm>> -> memref<1x256xf32, #tpu.memory_space<hbm>>
        %dma_start3A_104 = tpu.memref_squeeze %dma_start3A_103 : memref<1x256xf32, #tpu.memory_space<hbm>> -> memref<256xf32, #tpu.memory_space<hbm>>
        tpu.enqueue_dma source(%arg30 : memref<256xf32, #tpu.memory_space<vmem>>) target(%dma_start3A_104 : memref<256xf32, #tpu.memory_space<hbm>>) target_semaphore(%run_scoped3A : memref<!tpu.dma_semaphore, #tpu.memory_space<semaphore_mem>>)
        %dma_wait3A = arith.constant 0 : i32
        %dma_wait3A_105 = tpu.memref_slice %arg13[%add3A_23, %dma_wait3A] : memref<80x256xf32, #tpu.memory_space<hbm>> -> memref<1x256xf32, #tpu.memory_space<hbm>>
        %dma_wait3A_106 = tpu.memref_squeeze %dma_wait3A_105 : memref<1x256xf32, #tpu.memory_space<hbm>> -> memref<256xf32, #tpu.memory_space<hbm>>
        %dma_wait3A_107 = arith.constant 0 : i32
        %dma_wait3A_108 = tpu.memref_slice %arg13[%add3A_23, %dma_wait3A_107] : memref<80x256xf32, #tpu.memory_space<hbm>> -> memref<1x256xf32, #tpu.memory_space<hbm>>
        %dma_wait3A_109 = tpu.memref_squeeze %dma_wait3A_108 : memref<1x256xf32, #tpu.memory_space<hbm>> -> memref<256xf32, #tpu.memory_space<hbm>>
        tpu.wait_dma2 semaphore(%run_scoped3A : memref<!tpu.dma_semaphore, #tpu.memory_space<semaphore_mem>>) src(%arg30 : memref<256xf32, #tpu.memory_space<vmem>>) dst(%dma_wait3A_109 : memref<256xf32, #tpu.memory_space<hbm>>)
        tpu.yield
      }) : () -> ()
      "tpu.region"() ({
        %run_scoped3A = tpu.sem_alloc : memref<!tpu.dma_semaphore, #tpu.memory_space<semaphore_mem>>
        %dma_start3A = arith.constant 0 : i32
        %dma_start3A_100 = tpu.memref_slice %arg14[%add3A_23, %dma_start3A] : memref<80x16xi32, #tpu.memory_space<hbm>> -> memref<1x16xi32, #tpu.memory_space<hbm>>
        %dma_start3A_101 = tpu.memref_squeeze %dma_start3A_100 : memref<1x16xi32, #tpu.memory_space<hbm>> -> memref<16xi32, #tpu.memory_space<hbm>>
        %dma_start3A_102 = arith.constant 0 : i32
        %dma_start3A_103 = tpu.memref_slice %arg14[%add3A_23, %dma_start3A_102] : memref<80x16xi32, #tpu.memory_space<hbm>> -> memref<1x16xi32, #tpu.memory_space<hbm>>
        %dma_start3A_104 = tpu.memref_squeeze %dma_start3A_103 : memref<1x16xi32, #tpu.memory_space<hbm>> -> memref<16xi32, #tpu.memory_space<hbm>>
        tpu.enqueue_dma source(%arg21 : memref<16xi32, #tpu.memory_space<vmem>>) target(%dma_start3A_104 : memref<16xi32, #tpu.memory_space<hbm>>) target_semaphore(%run_scoped3A : memref<!tpu.dma_semaphore, #tpu.memory_space<semaphore_mem>>)
        %dma_wait3A = arith.constant 0 : i32
        %dma_wait3A_105 = tpu.memref_slice %arg14[%add3A_23, %dma_wait3A] : memref<80x16xi32, #tpu.memory_space<hbm>> -> memref<1x16xi32, #tpu.memory_space<hbm>>
        %dma_wait3A_106 = tpu.memref_squeeze %dma_wait3A_105 : memref<1x16xi32, #tpu.memory_space<hbm>> -> memref<16xi32, #tpu.memory_space<hbm>>
        %dma_wait3A_107 = arith.constant 0 : i32
        %dma_wait3A_108 = tpu.memref_slice %arg14[%add3A_23, %dma_wait3A_107] : memref<80x16xi32, #tpu.memory_space<hbm>> -> memref<1x16xi32, #tpu.memory_space<hbm>>
        %dma_wait3A_109 = tpu.memref_squeeze %dma_wait3A_108 : memref<1x16xi32, #tpu.memory_space<hbm>> -> memref<16xi32, #tpu.memory_space<hbm>>
        tpu.wait_dma2 semaphore(%run_scoped3A : memref<!tpu.dma_semaphore, #tpu.memory_space<semaphore_mem>>) src(%arg21 : memref<16xi32, #tpu.memory_space<vmem>>) dst(%dma_wait3A_109 : memref<16xi32, #tpu.memory_space<hbm>>)
        tpu.yield
      }) : () -> ()
    } else {
    }
    return
  }
}

module attributes {stable_mosaic.version = 14 : i64} {
  func.func @_prep_kernel(%arg0: memref<8x5120xf32, #tpu.memory_space<vmem>>, %arg1: memref<80x5120xf32, #tpu.memory_space<vmem>>, %arg2: memref<80x5120xf32, #tpu.memory_space<vmem>>, %arg3: memref<8x5120xf32, #tpu.memory_space<vmem>>, %arg4: memref<80x128xf32, #tpu.memory_space<vmem>>, %arg5: memref<80x128xi32, #tpu.memory_space<vmem>>, %arg6: memref<80x128xi32, #tpu.memory_space<vmem>>) attributes {dimension_semantics = [], scalar_prefetch = 0 : i64, scratch_operands = 0 : i64, tpu.core_type = #tpu.core_type<tc>} {
    %get3A = arith.constant 0 : index
    %get3A_0 = arith.constant 0 : index
    %get3A_1 = vector.load %arg0[%get3A, %get3A_0] : memref<8x5120xf32, #tpu.memory_space<vmem>>, vector<8x5120xf32>
    %slice3A = vector.extract_strided_slice %get3A_1 {offsets = [0, 0], sizes = [1, 5120], strides = [1, 1]} : vector<8x5120xf32> to vector<1x5120xf32>
    %slice3A_2 = vector.extract_strided_slice %get3A_1 {offsets = [1, 0], sizes = [1, 5120], strides = [1, 1]} : vector<8x5120xf32> to vector<1x5120xf32>
    %slice3A_3 = vector.extract_strided_slice %get3A_1 {offsets = [2, 0], sizes = [1, 5120], strides = [1, 1]} : vector<8x5120xf32> to vector<1x5120xf32>
    %slice3A_4 = vector.extract_strided_slice %get3A_1 {offsets = [3, 0], sizes = [1, 5120], strides = [1, 1]} : vector<8x5120xf32> to vector<1x5120xf32>
    %slice3A_5 = vector.extract_strided_slice %get3A_1 {offsets = [4, 0], sizes = [1, 5120], strides = [1, 1]} : vector<8x5120xf32> to vector<1x5120xf32>
    %mul3A = arith.constant 5.000000e-01 : f32
    %mul3A_6 = vector.broadcast %mul3A : f32 to vector<1x5120xf32>
    %mul3A_7 = arith.mulf %slice3A_3, %mul3A_6 : vector<1x5120xf32>
    %sub3A = arith.subf %slice3A, %mul3A_7 : vector<1x5120xf32>
    %jit3A = arith.constant 0.000000e+00 : f32
    %jit3A_8 = arith.constant 1.000000e+00 : f32
    %max3A = vector.broadcast %jit3A : f32 to vector<1x5120xf32>
    %max3A_9 = arith.maximumf %max3A, %sub3A : vector<1x5120xf32>
    %min3A = vector.broadcast %jit3A_8 : f32 to vector<1x5120xf32>
    %min3A_10 = arith.minimumf %min3A, %max3A_9 : vector<1x5120xf32>
    %mul3A_11 = arith.constant 5.000000e-01 : f32
    %mul3A_12 = vector.broadcast %mul3A_11 : f32 to vector<1x5120xf32>
    %mul3A_13 = arith.mulf %slice3A_4, %mul3A_12 : vector<1x5120xf32>
    %sub3A_14 = arith.subf %slice3A_2, %mul3A_13 : vector<1x5120xf32>
    %jit3A_15 = arith.constant 0.000000e+00 : f32
    %jit3A_16 = arith.constant 1.000000e+00 : f32
    %max3A_17 = vector.broadcast %jit3A_15 : f32 to vector<1x5120xf32>
    %max3A_18 = arith.maximumf %max3A_17, %sub3A_14 : vector<1x5120xf32>
    %min3A_19 = vector.broadcast %jit3A_16 : f32 to vector<1x5120xf32>
    %min3A_20 = arith.minimumf %min3A_19, %max3A_18 : vector<1x5120xf32>
    %mul3A_21 = arith.constant 5.000000e-01 : f32
    %mul3A_22 = vector.broadcast %mul3A_21 : f32 to vector<1x5120xf32>
    %mul3A_23 = arith.mulf %slice3A_3, %mul3A_22 : vector<1x5120xf32>
    %add3A = arith.addf %slice3A, %mul3A_23 : vector<1x5120xf32>
    %jit3A_24 = arith.constant 0.000000e+00 : f32
    %jit3A_25 = arith.constant 1.000000e+00 : f32
    %max3A_26 = vector.broadcast %jit3A_24 : f32 to vector<1x5120xf32>
    %max3A_27 = arith.maximumf %max3A_26, %add3A : vector<1x5120xf32>
    %min3A_28 = vector.broadcast %jit3A_25 : f32 to vector<1x5120xf32>
    %min3A_29 = arith.minimumf %min3A_28, %max3A_27 : vector<1x5120xf32>
    %mul3A_30 = arith.constant 5.000000e-01 : f32
    %mul3A_31 = vector.broadcast %mul3A_30 : f32 to vector<1x5120xf32>
    %mul3A_32 = arith.mulf %slice3A_4, %mul3A_31 : vector<1x5120xf32>
    %add3A_33 = arith.addf %slice3A_2, %mul3A_32 : vector<1x5120xf32>
    %jit3A_34 = arith.constant 0.000000e+00 : f32
    %jit3A_35 = arith.constant 1.000000e+00 : f32
    %max3A_36 = vector.broadcast %jit3A_34 : f32 to vector<1x5120xf32>
    %max3A_37 = arith.maximumf %max3A_36, %add3A_33 : vector<1x5120xf32>
    %min3A_38 = vector.broadcast %jit3A_35 : f32 to vector<1x5120xf32>
    %min3A_39 = arith.minimumf %min3A_38, %max3A_37 : vector<1x5120xf32>
    %sub3A_40 = arith.subf %min3A_29, %min3A_10 : vector<1x5120xf32>
    %max3A_41 = arith.constant 0.000000e+00 : f32
    %max3A_42 = vector.broadcast %max3A_41 : f32 to vector<1x5120xf32>
    %max3A_43 = arith.maximumf %sub3A_40, %max3A_42 : vector<1x5120xf32>
    %sub3A_44 = arith.subf %min3A_39, %min3A_20 : vector<1x5120xf32>
    %max3A_45 = arith.constant 0.000000e+00 : f32
    %max3A_46 = vector.broadcast %max3A_45 : f32 to vector<1x5120xf32>
    %max3A_47 = arith.maximumf %sub3A_44, %max3A_46 : vector<1x5120xf32>
    %mul3A_48 = arith.mulf %max3A_43, %max3A_47 : vector<1x5120xf32>
    %swap3A = arith.constant 0 : index
    %swap3A_49 = arith.constant 0 : index
    %swap3A_50 = vector.load %arg3[%swap3A, %swap3A_49] : memref<8x5120xf32, #tpu.memory_space<vmem>>, vector<1x5120xf32>
    tpu.vector_store %arg3[%swap3A, %swap3A_49], %min3A_10 {strides = array<i32>} : memref<8x5120xf32, #tpu.memory_space<vmem>>, vector<1x5120xf32>,
    %swap3A_51 = arith.constant 1 : index
    %swap3A_52 = arith.constant 0 : index
    %swap3A_53 = vector.load %arg3[%swap3A_51, %swap3A_52] : memref<8x5120xf32, #tpu.memory_space<vmem>>, vector<1x5120xf32>
    tpu.vector_store %arg3[%swap3A_51, %swap3A_52], %min3A_20 {strides = array<i32>} : memref<8x5120xf32, #tpu.memory_space<vmem>>, vector<1x5120xf32>,
    %swap3A_54 = arith.constant 2 : index
    %swap3A_55 = arith.constant 0 : index
    %swap3A_56 = vector.load %arg3[%swap3A_54, %swap3A_55] : memref<8x5120xf32, #tpu.memory_space<vmem>>, vector<1x5120xf32>
    tpu.vector_store %arg3[%swap3A_54, %swap3A_55], %min3A_29 {strides = array<i32>} : memref<8x5120xf32, #tpu.memory_space<vmem>>, vector<1x5120xf32>,
    %swap3A_57 = arith.constant 3 : index
    %swap3A_58 = arith.constant 0 : index
    %swap3A_59 = vector.load %arg3[%swap3A_57, %swap3A_58] : memref<8x5120xf32, #tpu.memory_space<vmem>>, vector<1x5120xf32>
    tpu.vector_store %arg3[%swap3A_57, %swap3A_58], %min3A_39 {strides = array<i32>} : memref<8x5120xf32, #tpu.memory_space<vmem>>, vector<1x5120xf32>,
    %swap3A_60 = arith.constant 4 : index
    %swap3A_61 = arith.constant 0 : index
    %swap3A_62 = vector.load %arg3[%swap3A_60, %swap3A_61] : memref<8x5120xf32, #tpu.memory_space<vmem>>, vector<1x5120xf32>
    tpu.vector_store %arg3[%swap3A_60, %swap3A_61], %mul3A_48 {strides = array<i32>} : memref<8x5120xf32, #tpu.memory_space<vmem>>, vector<1x5120xf32>,
    %get3A_63 = arith.constant 0 : index
    %get3A_64 = arith.constant 0 : index
    %get3A_65 = vector.load %arg1[%get3A_63, %get3A_64] : memref<80x5120xf32, #tpu.memory_space<vmem>>, vector<80x5120xf32>
    %mul3A_66 = vector.broadcast %slice3A_5 : vector<1x5120xf32> to vector<80x5120xf32>
    %mul3A_67 = arith.mulf %get3A_65, %mul3A_66 : vector<80x5120xf32>
    %gt3A = arith.constant 1.000000e-01 : f32
    %gt3A_68 = vector.broadcast %gt3A : f32 to vector<80x5120xf32>
    %gt3A_69 = arith.cmpf ogt, %mul3A_67, %gt3A_68 : vector<80x5120xf32>
    %jit3A_70 = arith.constant 0xFF800000 : f32
    %broadcast_in_dim3A = vector.broadcast %jit3A_70 : f32 to vector<80x5120xf32>
    %select_n3A = arith.select %gt3A_69, %mul3A_67, %broadcast_in_dim3A : vector<80x5120xi1>, vector<80x5120xf32>
    %swap3A_71 = arith.constant 0 : index
    %swap3A_72 = arith.constant 0 : index
    %swap3A_73 = vector.load %arg2[%swap3A_71, %swap3A_72] : memref<80x5120xf32, #tpu.memory_space<vmem>>, vector<80x5120xf32>
    tpu.vector_store %arg2[%swap3A_71, %swap3A_72], %select_n3A {strides = array<i32>} : memref<80x5120xf32, #tpu.memory_space<vmem>>, vector<80x5120xf32>,
    %bitcast_convert_type3A = tpu.bitcast %select_n3A : vector<80x5120xf32> -> vector<80x5120xi32>
    %broadcast_in_dim3A_74 = arith.constant 1036831949 : i32
    %broadcast_in_dim3A_75 = vector.broadcast %broadcast_in_dim3A_74 : i32 to vector<80x1xi32>
    %broadcast_in_dim3A_76 = arith.constant 1065353216 : i32
    %broadcast_in_dim3A_77 = vector.broadcast %broadcast_in_dim3A_76 : i32 to vector<80x1xi32>
    %scan3A = arith.constant 0 : i32
    %scan3A_78 = arith.constant 25 : i32
    %scan3A_79 = arith.addi %scan3A, %scan3A_78 : i32
    %scan3A_80 = arith.constant 1 : i32
    %scan3A_81:2 = scf.for %scan3A_109 = %scan3A to %scan3A_79 step %scan3A_80 iter_args(%scan3A_110 = %broadcast_in_dim3A_75, %scan3A_111 = %broadcast_in_dim3A_77) -> (vector<80x1xi32>, vector<80x1xi32>)  : i32 {
      %add3A_112 = arith.addi %scan3A_110, %scan3A_111 : vector<80x1xi32>
      %shift_right_arithmetic3A = arith.constant 1 : i32
      %shift_right_arithmetic3A_113 = vector.broadcast %shift_right_arithmetic3A : i32 to vector<80x1xi32>
      %shift_right_arithmetic3A_114 = arith.shrsi %add3A_112, %shift_right_arithmetic3A_113 : vector<80x1xi32>
      %gt3A_115 = vector.broadcast %shift_right_arithmetic3A_114 : vector<80x1xi32> to vector<80x5120xi32>
      %gt3A_116 = arith.cmpi sgt, %bitcast_convert_type3A, %gt3A_115 : vector<80x5120xi32>
      %convert_element_type3A_117 = arith.extui %gt3A_116 : vector<80x5120xi1> to vector<80x5120xi32>
      %reduce_sum3A_118 = arith.constant dense<0> : vector<80xi32>
      %reduce_sum3A_119 = vector.multi_reduction <add>, %convert_element_type3A_117, %reduce_sum3A_118 [1] : vector<80x5120xi32> to vector<80xi32>
      %broadcast_in_dim3A_120 = vector.shape_cast %reduce_sum3A_119 : vector<80xi32> to vector<80x1xi32>
      %ge3A = arith.constant 256 : i32
      %ge3A_121 = vector.broadcast %ge3A : i32 to vector<80x1xi32>
      %ge3A_122 = arith.cmpi sge, %broadcast_in_dim3A_120, %ge3A_121 : vector<80x1xi32>
      %select_n3A_123 = arith.select %ge3A_122, %shift_right_arithmetic3A_114, %scan3A_110 : vector<80x1xi1>, vector<80x1xi32>
      %select_n3A_124 = arith.select %ge3A_122, %scan3A_111, %shift_right_arithmetic3A_114 : vector<80x1xi1>, vector<80x1xi32>
      scf.yield %select_n3A_123, %select_n3A_124 : vector<80x1xi32>, vector<80x1xi32>
    }
    %bitcast_convert_type3A_82 = tpu.bitcast %scan3A_81#0 : vector<80x1xi32> -> vector<80x1xf32>
    %broadcast_in_dim3A_83 = vector.shape_cast %bitcast_convert_type3A_82 : vector<80x1xf32> to vector<80x1xf32>
    %broadcast_in_dim3A_84 = vector.broadcast %broadcast_in_dim3A_83 : vector<80x1xf32> to vector<80x128xf32>
    %swap3A_85 = arith.constant 0 : index
    %swap3A_86 = arith.constant 0 : index
    %swap3A_87 = vector.load %arg4[%swap3A_85, %swap3A_86] : memref<80x128xf32, #tpu.memory_space<vmem>>, vector<80x128xf32>
    tpu.vector_store %arg4[%swap3A_85, %swap3A_86], %broadcast_in_dim3A_84 {strides = array<i32>} : memref<80x128xf32, #tpu.memory_space<vmem>>, vector<80x128xf32>,
    %gt3A_88 = vector.broadcast %scan3A_81#0 : vector<80x1xi32> to vector<80x5120xi32>
    %gt3A_89 = arith.cmpi sgt, %bitcast_convert_type3A, %gt3A_88 : vector<80x5120xi32>
    %convert_element_type3A = arith.extui %gt3A_89 : vector<80x5120xi1> to vector<80x5120xi32>
    %reduce_sum3A = arith.constant dense<0> : vector<80xi32>
    %reduce_sum3A_90 = vector.multi_reduction <add>, %convert_element_type3A, %reduce_sum3A [1] : vector<80x5120xi32> to vector<80xi32>
    %broadcast_in_dim3A_91 = vector.shape_cast %reduce_sum3A_90 : vector<80xi32> to vector<80x1xi32>
    %gt3A_92 = arith.constant 1036831949 : i32
    %gt3A_93 = vector.broadcast %gt3A_92 : i32 to vector<80x5120xi32>
    %gt3A_94 = arith.cmpi sgt, %bitcast_convert_type3A, %gt3A_93 : vector<80x5120xi32>
    %convert_element_type3A_95 = arith.extui %gt3A_94 : vector<80x5120xi1> to vector<80x5120xi32>
    %reduce_sum3A_96 = arith.constant dense<0> : vector<80xi32>
    %reduce_sum3A_97 = vector.multi_reduction <add>, %convert_element_type3A_95, %reduce_sum3A_96 [1] : vector<80x5120xi32> to vector<80xi32>
    %broadcast_in_dim3A_98 = vector.shape_cast %reduce_sum3A_97 : vector<80xi32> to vector<80x1xi32>
    %broadcast_in_dim3A_99 = vector.shape_cast %broadcast_in_dim3A_91 : vector<80x1xi32> to vector<80x1xi32>
    %broadcast_in_dim3A_100 = vector.broadcast %broadcast_in_dim3A_99 : vector<80x1xi32> to vector<80x128xi32>
    %swap3A_101 = arith.constant 0 : index
    %swap3A_102 = arith.constant 0 : index
    %swap3A_103 = vector.load %arg5[%swap3A_101, %swap3A_102] : memref<80x128xi32, #tpu.memory_space<vmem>>, vector<80x128xi32>
    tpu.vector_store %arg5[%swap3A_101, %swap3A_102], %broadcast_in_dim3A_100 {strides = array<i32>} : memref<80x128xi32, #tpu.memory_space<vmem>>, vector<80x128xi32>,
    %broadcast_in_dim3A_104 = vector.shape_cast %broadcast_in_dim3A_98 : vector<80x1xi32> to vector<80x1xi32>
    %broadcast_in_dim3A_105 = vector.broadcast %broadcast_in_dim3A_104 : vector<80x1xi32> to vector<80x128xi32>
    %swap3A_106 = arith.constant 0 : index
    %swap3A_107 = arith.constant 0 : index
    %swap3A_108 = vector.load %arg6[%swap3A_106, %swap3A_107] : memref<80x128xi32, #tpu.memory_space<vmem>>, vector<80x128xi32>
    tpu.vector_store %arg6[%swap3A_106, %swap3A_107], %broadcast_in_dim3A_105 {strides = array<i32>} : memref<80x128xi32, #tpu.memory_space<vmem>>, vector<80x128xi32>,
    return
  }
}

module attributes {stable_mosaic.version = 14 : i64} {
  func.func @_narrow_nms_kernel(%arg0: memref<80x256xf32, #tpu.memory_space<vmem>>, %arg1: memref<80x256xf32, #tpu.memory_space<vmem>>, %arg2: memref<80x256xf32, #tpu.memory_space<vmem>>, %arg3: memref<80x256xf32, #tpu.memory_space<vmem>>, %arg4: memref<80x256xf32, #tpu.memory_space<vmem>>, %arg5: memref<80x16xi32, #tpu.memory_space<vmem>>, %arg6: memref<80x128xi32, #tpu.memory_space<vmem>>, %arg7: memref<80x128xi32, #tpu.memory_space<vmem>>, %arg8: memref<80x128xf32, #tpu.memory_space<vmem>>, %arg9: memref<80x128xf32, #tpu.memory_space<vmem>>, %arg10: memref<80x128xf32, #tpu.memory_space<vmem>>, %arg11: memref<80x128xf32, #tpu.memory_space<vmem>>, %arg12: memref<80x128xf32, #tpu.memory_space<vmem>>, %arg13: memref<8x128xi32, #tpu.memory_space<vmem>>, %arg14: memref<80x256xf32, #tpu.memory_space<vmem>>) attributes {dimension_semantics = [], scalar_prefetch = 0 : i64, scratch_operands = 1 : i64, tpu.core_type = #tpu.core_type<tc>} {
    %get3A = arith.constant 0 : index
    %get3A_0 = arith.constant 0 : index
    %get3A_1 = vector.load %arg1[%get3A, %get3A_0] : memref<80x256xf32, #tpu.memory_space<vmem>>, vector<80x256xf32>
    %get3A_2 = arith.constant 0 : index
    %get3A_3 = arith.constant 0 : index
    %get3A_4 = vector.load %arg2[%get3A_2, %get3A_3] : memref<80x256xf32, #tpu.memory_space<vmem>>, vector<80x256xf32>
    %get3A_5 = arith.constant 0 : index
    %get3A_6 = arith.constant 0 : index
    %get3A_7 = vector.load %arg3[%get3A_5, %get3A_6] : memref<80x256xf32, #tpu.memory_space<vmem>>, vector<80x256xf32>
    %get3A_8 = arith.constant 0 : index
    %get3A_9 = arith.constant 0 : index
    %get3A_10 = vector.load %arg4[%get3A_8, %get3A_9] : memref<80x256xf32, #tpu.memory_space<vmem>>, vector<80x256xf32>
    %sub3A = arith.subf %get3A_7, %get3A_1 : vector<80x256xf32>
    %max3A = arith.constant 0.000000e+00 : f32
    %max3A_11 = vector.broadcast %max3A : f32 to vector<80x256xf32>
    %max3A_12 = arith.maximumf %sub3A, %max3A_11 : vector<80x256xf32>
    %sub3A_13 = arith.subf %get3A_10, %get3A_4 : vector<80x256xf32>
    %max3A_14 = arith.constant 0.000000e+00 : f32
    %max3A_15 = vector.broadcast %max3A_14 : f32 to vector<80x256xf32>
    %max3A_16 = arith.maximumf %sub3A_13, %max3A_15 : vector<80x256xf32>
    %mul3A = arith.mulf %max3A_12, %max3A_16 : vector<80x256xf32>
    %get3A_17 = arith.constant 0 : index
    %get3A_18 = arith.constant 0 : index
    %get3A_19 = vector.load %arg0[%get3A_17, %get3A_18] : memref<80x256xf32, #tpu.memory_space<vmem>>, vector<80x256xf32>
    %swap3A = arith.constant 0 : index
    %swap3A_20 = arith.constant 0 : index
    %swap3A_21 = vector.load %arg14[%swap3A, %swap3A_20] : memref<80x256xf32, #tpu.memory_space<vmem>>, vector<80x256xf32>
    tpu.vector_store %arg14[%swap3A, %swap3A_20], %get3A_19 {strides = array<i32>} : memref<80x256xf32, #tpu.memory_space<vmem>>, vector<80x256xf32>,
    %iota3A = tpu.iota {dimensions = array<i32: 1>} : vector<80x128xi32>
    %broadcast_in_dim3A = arith.constant 0 : i32
    %broadcast_in_dim3A_22 = vector.broadcast %broadcast_in_dim3A : i32 to vector<80x1xi32>
    %scan3A = arith.constant 0xFF800000 : f32
    %scan3A_23 = arith.constant 0 : i32
    %scan3A_24 = arith.constant 100 : i32
    %scan3A_25 = arith.addi %scan3A_23, %scan3A_24 : i32
    %scan3A_26 = arith.constant 1 : i32
    %scan3A_27 = scf.for %scan3A_74 = %scan3A_23 to %scan3A_25 step %scan3A_26 iter_args(%scan3A_75 = %broadcast_in_dim3A_22) -> (vector<80x1xi32>)  : i32 {
      %get3A_76 = arith.constant 0 : index
      %get3A_77 = arith.constant 0 : index
      %get3A_78 = vector.load %arg14[%get3A_76, %get3A_77] : memref<80x256xf32, #tpu.memory_space<vmem>>, vector<80x256xf32>
      %reduce_max3A_79 = arith.constant dense<0xFF800000> : vector<80xf32>
      %reduce_max3A_80 = vector.multi_reduction <maximumf>, %get3A_78, %reduce_max3A_79 [1] : vector<80x256xf32> to vector<80xf32>
      %broadcast_in_dim3A_81 = vector.shape_cast %reduce_max3A_80 : vector<80xf32> to vector<80x1xf32>
      %eq3A = vector.broadcast %broadcast_in_dim3A_81 : vector<80x1xf32> to vector<80x256xf32>
      %eq3A_82 = arith.cmpf oeq, %get3A_78, %eq3A : vector<80x256xf32>
      %convert_element_type3A_83 = arith.extui %eq3A_82 : vector<80x256xi1> to vector<80x256xi32>
      %reduce_sum3A_84 = arith.constant dense<0> : vector<80xi32>
      %reduce_sum3A_85 = vector.multi_reduction <add>, %convert_element_type3A_83, %reduce_sum3A_84 [1] : vector<80x256xi32> to vector<80xi32>
      %broadcast_in_dim3A_86 = vector.shape_cast %reduce_sum3A_85 : vector<80xi32> to vector<80x1xi32>
      %gt3A_87 = arith.constant 1 : i32
      %gt3A_88 = vector.broadcast %gt3A_87 : i32 to vector<80x1xi32>
      %gt3A_89 = arith.cmpi sgt, %broadcast_in_dim3A_86, %gt3A_88 : vector<80x1xi32>
      %gt3A_90 = vector.broadcast %scan3A : f32 to vector<80x1xf32>
      %gt3A_91 = arith.cmpf ogt, %broadcast_in_dim3A_81, %gt3A_90 : vector<80x1xf32>
      %and3A_92 = arith.andi %gt3A_89, %gt3A_91 : vector<80x1xi1>
      %jit3A = arith.constant 1 : i32
      %jit3A_93 = arith.constant 0 : i32
      %broadcast_in_dim3A_94 = vector.broadcast %jit3A : i32 to vector<80x1xi32>
      %broadcast_in_dim3A_95 = vector.broadcast %jit3A_93 : i32 to vector<80x1xi32>
      %select_n3A = arith.select %and3A_92, %broadcast_in_dim3A_94, %broadcast_in_dim3A_95 : vector<80x1xi1>, vector<80x1xi32>
      %max3A_96 = arith.maxsi %scan3A_75, %select_n3A : vector<80x1xi32>
      %jit3A_97 = arith.constant -1.000000e+00 : f32
      %broadcast_in_dim3A_98 = vector.broadcast %jit3A_97 : f32 to vector<80x256xf32>
      %select_n3A_99 = arith.select %eq3A_82, %get3A_1, %broadcast_in_dim3A_98 : vector<80x256xi1>, vector<80x256xf32>
      %reduce_max3A_100 = arith.constant dense<0xFF800000> : vector<80xf32>
      %reduce_max3A_101 = vector.multi_reduction <maximumf>, %select_n3A_99, %reduce_max3A_100 [1] : vector<80x256xf32> to vector<80xf32>
      %broadcast_in_dim3A_102 = vector.shape_cast %reduce_max3A_101 : vector<80xf32> to vector<80x1xf32>
      %jit3A_103 = arith.constant -1.000000e+00 : f32
      %broadcast_in_dim3A_104 = vector.broadcast %jit3A_103 : f32 to vector<80x256xf32>
      %select_n3A_105 = arith.select %eq3A_82, %get3A_4, %broadcast_in_dim3A_104 : vector<80x256xi1>, vector<80x256xf32>
      %reduce_max3A_106 = arith.constant dense<0xFF800000> : vector<80xf32>
      %reduce_max3A_107 = vector.multi_reduction <maximumf>, %select_n3A_105, %reduce_max3A_106 [1] : vector<80x256xf32> to vector<80xf32>
      %broadcast_in_dim3A_108 = vector.shape_cast %reduce_max3A_107 : vector<80xf32> to vector<80x1xf32>
      %jit3A_109 = arith.constant -1.000000e+00 : f32
      %broadcast_in_dim3A_110 = vector.broadcast %jit3A_109 : f32 to vector<80x256xf32>
      %select_n3A_111 = arith.select %eq3A_82, %get3A_7, %broadcast_in_dim3A_110 : vector<80x256xi1>, vector<80x256xf32>
      %reduce_max3A_112 = arith.constant dense<0xFF800000> : vector<80xf32>
      %reduce_max3A_113 = vector.multi_reduction <maximumf>, %select_n3A_111, %reduce_max3A_112 [1] : vector<80x256xf32> to vector<80xf32>
      %broadcast_in_dim3A_114 = vector.shape_cast %reduce_max3A_113 : vector<80xf32> to vector<80x1xf32>
      %jit3A_115 = arith.constant -1.000000e+00 : f32
      %broadcast_in_dim3A_116 = vector.broadcast %jit3A_115 : f32 to vector<80x256xf32>
      %select_n3A_117 = arith.select %eq3A_82, %get3A_10, %broadcast_in_dim3A_116 : vector<80x256xi1>, vector<80x256xf32>
      %reduce_max3A_118 = arith.constant dense<0xFF800000> : vector<80xf32>
      %reduce_max3A_119 = vector.multi_reduction <maximumf>, %select_n3A_117, %reduce_max3A_118 [1] : vector<80x256xf32> to vector<80xf32>
      %broadcast_in_dim3A_120 = vector.shape_cast %reduce_max3A_119 : vector<80xf32> to vector<80x1xf32>
      %sub3A_121 = arith.subf %broadcast_in_dim3A_114, %broadcast_in_dim3A_102 : vector<80x1xf32>
      %max3A_122 = arith.constant 0.000000e+00 : f32
      %max3A_123 = vector.broadcast %max3A_122 : f32 to vector<80x1xf32>
      %max3A_124 = arith.maximumf %sub3A_121, %max3A_123 : vector<80x1xf32>
      %sub3A_125 = arith.subf %broadcast_in_dim3A_120, %broadcast_in_dim3A_108 : vector<80x1xf32>
      %max3A_126 = arith.constant 0.000000e+00 : f32
      %max3A_127 = vector.broadcast %max3A_126 : f32 to vector<80x1xf32>
      %max3A_128 = arith.maximumf %sub3A_125, %max3A_127 : vector<80x1xf32>
      %mul3A_129 = arith.mulf %max3A_124, %max3A_128 : vector<80x1xf32>
      %max3A_130 = vector.broadcast %broadcast_in_dim3A_102 : vector<80x1xf32> to vector<80x256xf32>
      %max3A_131 = arith.maximumf %max3A_130, %get3A_1 : vector<80x256xf32>
      %max3A_132 = vector.broadcast %broadcast_in_dim3A_108 : vector<80x1xf32> to vector<80x256xf32>
      %max3A_133 = arith.maximumf %max3A_132, %get3A_4 : vector<80x256xf32>
      %min3A = vector.broadcast %broadcast_in_dim3A_114 : vector<80x1xf32> to vector<80x256xf32>
      %min3A_134 = arith.minimumf %min3A, %get3A_7 : vector<80x256xf32>
      %min3A_135 = vector.broadcast %broadcast_in_dim3A_120 : vector<80x1xf32> to vector<80x256xf32>
      %min3A_136 = arith.minimumf %min3A_135, %get3A_10 : vector<80x256xf32>
      %sub3A_137 = arith.subf %min3A_134, %max3A_131 : vector<80x256xf32>
      %max3A_138 = arith.constant 0.000000e+00 : f32
      %max3A_139 = vector.broadcast %max3A_138 : f32 to vector<80x256xf32>
      %max3A_140 = arith.maximumf %sub3A_137, %max3A_139 : vector<80x256xf32>
      %sub3A_141 = arith.subf %min3A_136, %max3A_133 : vector<80x256xf32>
      %max3A_142 = arith.constant 0.000000e+00 : f32
      %max3A_143 = vector.broadcast %max3A_142 : f32 to vector<80x256xf32>
      %max3A_144 = arith.maximumf %sub3A_141, %max3A_143 : vector<80x256xf32>
      %mul3A_145 = arith.mulf %max3A_140, %max3A_144 : vector<80x256xf32>
      %add3A = vector.broadcast %mul3A_129 : vector<80x1xf32> to vector<80x256xf32>
      %add3A_146 = arith.addf %add3A, %mul3A : vector<80x256xf32>
      %sub3A_147 = arith.subf %add3A_146, %mul3A_145 : vector<80x256xf32>
      %add3A_148 = arith.constant 9.99999971E-10 : f32
      %add3A_149 = vector.broadcast %add3A_148 : f32 to vector<80x256xf32>
      %add3A_150 = arith.addf %sub3A_147, %add3A_149 : vector<80x256xf32>
      %div3A = arith.divf %mul3A_145, %add3A_150 : vector<80x256xf32>
      %gt3A_151 = arith.constant 5.000000e-01 : f32
      %gt3A_152 = vector.broadcast %gt3A_151 : f32 to vector<80x256xf32>
      %gt3A_153 = arith.cmpf ogt, %div3A, %gt3A_152 : vector<80x256xf32>
      %broadcast_in_dim3A_154 = vector.broadcast %scan3A : f32 to vector<80x256xf32>
      %select_n3A_155 = arith.select %gt3A_153, %broadcast_in_dim3A_154, %get3A_78 : vector<80x256xi1>, vector<80x256xf32>
      %swap3A_156 = arith.constant 0 : index
      %swap3A_157 = arith.constant 0 : index
      %swap3A_158 = vector.load %arg14[%swap3A_156, %swap3A_157] : memref<80x256xf32, #tpu.memory_space<vmem>>, vector<80x256xf32>
      tpu.vector_store %arg14[%swap3A_156, %swap3A_157], %select_n3A_155 {strides = array<i32>} : memref<80x256xf32, #tpu.memory_space<vmem>>, vector<80x256xf32>,
      %eq3A_159 = vector.broadcast %scan3A_74 : i32 to vector<80x128xi32>
      %eq3A_160 = arith.cmpi eq, %iota3A, %eq3A_159 : vector<80x128xi32>
      %get3A_161 = arith.constant 0 : index
      %get3A_162 = arith.constant 0 : index
      %get3A_163 = vector.load %arg8[%get3A_161, %get3A_162] : memref<80x128xf32, #tpu.memory_space<vmem>>, vector<80x128xf32>
      %broadcast_in_dim3A_164 = vector.shape_cast %broadcast_in_dim3A_81 : vector<80x1xf32> to vector<80x1xf32>
      %broadcast_in_dim3A_165 = vector.broadcast %broadcast_in_dim3A_164 : vector<80x1xf32> to vector<80x128xf32>
      %select_n3A_166 = arith.select %eq3A_160, %broadcast_in_dim3A_165, %get3A_163 : vector<80x128xi1>, vector<80x128xf32>
      %swap3A_167 = arith.constant 0 : index
      %swap3A_168 = arith.constant 0 : index
      %swap3A_169 = vector.load %arg8[%swap3A_167, %swap3A_168] : memref<80x128xf32, #tpu.memory_space<vmem>>, vector<80x128xf32>
      tpu.vector_store %arg8[%swap3A_167, %swap3A_168], %select_n3A_166 {strides = array<i32>} : memref<80x128xf32, #tpu.memory_space<vmem>>, vector<80x128xf32>,
      %get3A_170 = arith.constant 0 : index
      %get3A_171 = arith.constant 0 : index
      %get3A_172 = vector.load %arg9[%get3A_170, %get3A_171] : memref<80x128xf32, #tpu.memory_space<vmem>>, vector<80x128xf32>
      %broadcast_in_dim3A_173 = vector.shape_cast %broadcast_in_dim3A_102 : vector<80x1xf32> to vector<80x1xf32>
      %broadcast_in_dim3A_174 = vector.broadcast %broadcast_in_dim3A_173 : vector<80x1xf32> to vector<80x128xf32>
      %select_n3A_175 = arith.select %eq3A_160, %broadcast_in_dim3A_174, %get3A_172 : vector<80x128xi1>, vector<80x128xf32>
      %swap3A_176 = arith.constant 0 : index
      %swap3A_177 = arith.constant 0 : index
      %swap3A_178 = vector.load %arg9[%swap3A_176, %swap3A_177] : memref<80x128xf32, #tpu.memory_space<vmem>>, vector<80x128xf32>
      tpu.vector_store %arg9[%swap3A_176, %swap3A_177], %select_n3A_175 {strides = array<i32>} : memref<80x128xf32, #tpu.memory_space<vmem>>, vector<80x128xf32>,
      %get3A_179 = arith.constant 0 : index
      %get3A_180 = arith.constant 0 : index
      %get3A_181 = vector.load %arg10[%get3A_179, %get3A_180] : memref<80x128xf32, #tpu.memory_space<vmem>>, vector<80x128xf32>
      %broadcast_in_dim3A_182 = vector.shape_cast %broadcast_in_dim3A_108 : vector<80x1xf32> to vector<80x1xf32>
      %broadcast_in_dim3A_183 = vector.broadcast %broadcast_in_dim3A_182 : vector<80x1xf32> to vector<80x128xf32>
      %select_n3A_184 = arith.select %eq3A_160, %broadcast_in_dim3A_183, %get3A_181 : vector<80x128xi1>, vector<80x128xf32>
      %swap3A_185 = arith.constant 0 : index
      %swap3A_186 = arith.constant 0 : index
      %swap3A_187 = vector.load %arg10[%swap3A_185, %swap3A_186] : memref<80x128xf32, #tpu.memory_space<vmem>>, vector<80x128xf32>
      tpu.vector_store %arg10[%swap3A_185, %swap3A_186], %select_n3A_184 {strides = array<i32>} : memref<80x128xf32, #tpu.memory_space<vmem>>, vector<80x128xf32>,
      %get3A_188 = arith.constant 0 : index
      %get3A_189 = arith.constant 0 : index
      %get3A_190 = vector.load %arg11[%get3A_188, %get3A_189] : memref<80x128xf32, #tpu.memory_space<vmem>>, vector<80x128xf32>
      %broadcast_in_dim3A_191 = vector.shape_cast %broadcast_in_dim3A_114 : vector<80x1xf32> to vector<80x1xf32>
      %broadcast_in_dim3A_192 = vector.broadcast %broadcast_in_dim3A_191 : vector<80x1xf32> to vector<80x128xf32>
      %select_n3A_193 = arith.select %eq3A_160, %broadcast_in_dim3A_192, %get3A_190 : vector<80x128xi1>, vector<80x128xf32>
      %swap3A_194 = arith.constant 0 : index
      %swap3A_195 = arith.constant 0 : index
      %swap3A_196 = vector.load %arg11[%swap3A_194, %swap3A_195] : memref<80x128xf32, #tpu.memory_space<vmem>>, vector<80x128xf32>
      tpu.vector_store %arg11[%swap3A_194, %swap3A_195], %select_n3A_193 {strides = array<i32>} : memref<80x128xf32, #tpu.memory_space<vmem>>, vector<80x128xf32>,
      %get3A_197 = arith.constant 0 : index
      %get3A_198 = arith.constant 0 : index
      %get3A_199 = vector.load %arg12[%get3A_197, %get3A_198] : memref<80x128xf32, #tpu.memory_space<vmem>>, vector<80x128xf32>
      %broadcast_in_dim3A_200 = vector.shape_cast %broadcast_in_dim3A_120 : vector<80x1xf32> to vector<80x1xf32>
      %broadcast_in_dim3A_201 = vector.broadcast %broadcast_in_dim3A_200 : vector<80x1xf32> to vector<80x128xf32>
      %select_n3A_202 = arith.select %eq3A_160, %broadcast_in_dim3A_201, %get3A_199 : vector<80x128xi1>, vector<80x128xf32>
      %swap3A_203 = arith.constant 0 : index
      %swap3A_204 = arith.constant 0 : index
      %swap3A_205 = vector.load %arg12[%swap3A_203, %swap3A_204] : memref<80x128xf32, #tpu.memory_space<vmem>>, vector<80x128xf32>
      tpu.vector_store %arg12[%swap3A_203, %swap3A_204], %select_n3A_202 {strides = array<i32>} : memref<80x128xf32, #tpu.memory_space<vmem>>, vector<80x128xf32>,
      scf.yield %max3A_96 : vector<80x1xi32>
    }
    %scan3A_28 = arith.constant 100 : i32
    %get3A_29 = arith.constant 0 : index
    %get3A_30 = arith.constant 0 : index
    %get3A_31 = vector.load %arg8[%get3A_29, %get3A_30] : memref<80x128xf32, #tpu.memory_space<vmem>>, vector<80x128xf32>
    %gt3A = arith.constant 0xFF800000 : f32
    %gt3A_32 = vector.broadcast %gt3A : f32 to vector<80x128xf32>
    %gt3A_33 = arith.cmpf ogt, %get3A_31, %gt3A_32 : vector<80x128xf32>
    %lt3A = arith.constant 100 : i32
    %lt3A_34 = vector.broadcast %lt3A : i32 to vector<80x128xi32>
    %lt3A_35 = arith.cmpi slt, %iota3A, %lt3A_34 : vector<80x128xi32>
    %and3A = arith.andi %gt3A_33, %lt3A_35 : vector<80x128xi1>
    %convert_element_type3A = arith.extui %and3A : vector<80x128xi1> to vector<80x128xi32>
    %reduce_sum3A = arith.constant dense<0> : vector<80xi32>
    %reduce_sum3A_36 = vector.multi_reduction <add>, %convert_element_type3A, %reduce_sum3A [1] : vector<80x128xi32> to vector<80xi32>
    %broadcast_in_dim3A_37 = vector.shape_cast %reduce_sum3A_36 : vector<80xi32> to vector<80x1xi32>
    %get3A_38 = arith.constant 0 : index
    %get3A_39 = arith.constant 0 : index
    %get3A_40 = vector.load %arg5[%get3A_38, %get3A_39] : memref<80x16xi32, #tpu.memory_space<vmem>>, vector<80x16xi32>
    %reduce_max3A = arith.constant dense<-2147483648> : vector<80xi32>
    %reduce_max3A_41 = vector.multi_reduction <maxsi>, %get3A_40, %reduce_max3A [1] : vector<80x16xi32> to vector<80xi32>
    %broadcast_in_dim3A_42 = vector.shape_cast %reduce_max3A_41 : vector<80xi32> to vector<80x1xi32>
    %gt3A_43 = arith.constant 48 : i32
    %gt3A_44 = vector.broadcast %gt3A_43 : i32 to vector<80x1xi32>
    %gt3A_45 = arith.cmpi sgt, %broadcast_in_dim3A_42, %gt3A_44 : vector<80x1xi32>
    %get3A_46 = arith.constant 0 : index
    %get3A_47 = arith.constant 0 : index
    %get3A_48 = vector.load %arg6[%get3A_46, %get3A_47] : memref<80x128xi32, #tpu.memory_space<vmem>>, vector<80x1xi32>
    %get3A_49 = arith.constant 0 : index
    %get3A_50 = arith.constant 0 : index
    %get3A_51 = vector.load %arg7[%get3A_49, %get3A_50] : memref<80x128xi32, #tpu.memory_space<vmem>>, vector<80x1xi32>
    %gt3A_52 = arith.constant 0 : i32
    %gt3A_53 = vector.broadcast %gt3A_52 : i32 to vector<80x1xi32>
    %gt3A_54 = arith.cmpi sgt, %scan3A_27, %gt3A_53 : vector<80x1xi32>
    %gt3A_55 = arith.constant 256 : i32
    %gt3A_56 = vector.broadcast %gt3A_55 : i32 to vector<80x1xi32>
    %gt3A_57 = arith.cmpi sgt, %get3A_48, %gt3A_56 : vector<80x1xi32>
    %or3A = arith.ori %gt3A_45, %gt3A_57 : vector<80x1xi1>
    %or3A_58 = arith.ori %gt3A_54, %or3A : vector<80x1xi1>
    %lt3A_59 = arith.constant 100 : i32
    %lt3A_60 = vector.broadcast %lt3A_59 : i32 to vector<80x1xi32>
    %lt3A_61 = arith.cmpi slt, %broadcast_in_dim3A_37, %lt3A_60 : vector<80x1xi32>
    %gt3A_62 = arith.cmpi sgt, %get3A_51, %get3A_48 : vector<80x1xi32>
    %and3A_63 = arith.andi %lt3A_61, %gt3A_62 : vector<80x1xi1>
    %or3A_64 = arith.ori %or3A_58, %and3A_63 : vector<80x1xi1>
    %convert_element_type3A_65 = arith.extui %or3A_64 : vector<80x1xi1> to vector<80x1xi32>
    %reduce_max3A_66 = arith.constant dense<-2147483648> : vector<1xi32>
    %reduce_max3A_67 = vector.multi_reduction <maxsi>, %convert_element_type3A_65, %reduce_max3A_66 [0] : vector<80x1xi32> to vector<1xi32>
    %broadcast_in_dim3A_68 = vector.shape_cast %reduce_max3A_67 : vector<1xi32> to vector<1x1xi32>
    %broadcast_in_dim3A_69 = vector.shape_cast %broadcast_in_dim3A_68 : vector<1x1xi32> to vector<1x1xi32>
    %broadcast_in_dim3A_70 = vector.broadcast %broadcast_in_dim3A_69 : vector<1x1xi32> to vector<8x128xi32>
    %swap3A_71 = arith.constant 0 : index
    %swap3A_72 = arith.constant 0 : index
    %swap3A_73 = vector.load %arg13[%swap3A_71, %swap3A_72] : memref<8x128xi32, #tpu.memory_space<vmem>>, vector<8x128xi32>
    tpu.vector_store %arg13[%swap3A_71, %swap3A_72], %broadcast_in_dim3A_70 {strides = array<i32>} : memref<8x128xi32, #tpu.memory_space<vmem>>, vector<8x128xi32>,
    return
  }
}

module attributes {stable_mosaic.version = 14 : i64} {
  func.func @_full_nms_kernel(%arg0: memref<8x5120xf32, #tpu.memory_space<vmem>>, %arg1: memref<80x5120xf32, #tpu.memory_space<vmem>>, %arg2: memref<80x128xf32, #tpu.memory_space<vmem>>, %arg3: memref<80x128xf32, #tpu.memory_space<vmem>>, %arg4: memref<80x128xf32, #tpu.memory_space<vmem>>, %arg5: memref<80x128xf32, #tpu.memory_space<vmem>>, %arg6: memref<80x128xf32, #tpu.memory_space<vmem>>, %arg7: memref<80x5120xf32, #tpu.memory_space<vmem>>) attributes {dimension_semantics = [], scalar_prefetch = 0 : i64, scratch_operands = 1 : i64, tpu.core_type = #tpu.core_type<tc>} {
    %get3A = arith.constant 0 : index
    %get3A_0 = arith.constant 0 : index
    %get3A_1 = vector.load %arg0[%get3A, %get3A_0] : memref<8x5120xf32, #tpu.memory_space<vmem>>, vector<8x5120xf32>
    %slice3A = vector.extract_strided_slice %get3A_1 {offsets = [0, 0], sizes = [1, 5120], strides = [1, 1]} : vector<8x5120xf32> to vector<1x5120xf32>
    %slice3A_2 = vector.extract_strided_slice %get3A_1 {offsets = [1, 0], sizes = [1, 5120], strides = [1, 1]} : vector<8x5120xf32> to vector<1x5120xf32>
    %slice3A_3 = vector.extract_strided_slice %get3A_1 {offsets = [2, 0], sizes = [1, 5120], strides = [1, 1]} : vector<8x5120xf32> to vector<1x5120xf32>
    %slice3A_4 = vector.extract_strided_slice %get3A_1 {offsets = [3, 0], sizes = [1, 5120], strides = [1, 1]} : vector<8x5120xf32> to vector<1x5120xf32>
    %slice3A_5 = vector.extract_strided_slice %get3A_1 {offsets = [4, 0], sizes = [1, 5120], strides = [1, 1]} : vector<8x5120xf32> to vector<1x5120xf32>
    %mul3A = arith.constant 5.000000e-01 : f32
    %mul3A_6 = vector.broadcast %mul3A : f32 to vector<1x5120xf32>
    %mul3A_7 = arith.mulf %slice3A_3, %mul3A_6 : vector<1x5120xf32>
    %sub3A = arith.subf %slice3A, %mul3A_7 : vector<1x5120xf32>
    %jit3A = arith.constant 0.000000e+00 : f32
    %jit3A_8 = arith.constant 1.000000e+00 : f32
    %max3A = vector.broadcast %jit3A : f32 to vector<1x5120xf32>
    %max3A_9 = arith.maximumf %max3A, %sub3A : vector<1x5120xf32>
    %min3A = vector.broadcast %jit3A_8 : f32 to vector<1x5120xf32>
    %min3A_10 = arith.minimumf %min3A, %max3A_9 : vector<1x5120xf32>
    %mul3A_11 = arith.constant 5.000000e-01 : f32
    %mul3A_12 = vector.broadcast %mul3A_11 : f32 to vector<1x5120xf32>
    %mul3A_13 = arith.mulf %slice3A_4, %mul3A_12 : vector<1x5120xf32>
    %sub3A_14 = arith.subf %slice3A_2, %mul3A_13 : vector<1x5120xf32>
    %jit3A_15 = arith.constant 0.000000e+00 : f32
    %jit3A_16 = arith.constant 1.000000e+00 : f32
    %max3A_17 = vector.broadcast %jit3A_15 : f32 to vector<1x5120xf32>
    %max3A_18 = arith.maximumf %max3A_17, %sub3A_14 : vector<1x5120xf32>
    %min3A_19 = vector.broadcast %jit3A_16 : f32 to vector<1x5120xf32>
    %min3A_20 = arith.minimumf %min3A_19, %max3A_18 : vector<1x5120xf32>
    %mul3A_21 = arith.constant 5.000000e-01 : f32
    %mul3A_22 = vector.broadcast %mul3A_21 : f32 to vector<1x5120xf32>
    %mul3A_23 = arith.mulf %slice3A_3, %mul3A_22 : vector<1x5120xf32>
    %add3A = arith.addf %slice3A, %mul3A_23 : vector<1x5120xf32>
    %jit3A_24 = arith.constant 0.000000e+00 : f32
    %jit3A_25 = arith.constant 1.000000e+00 : f32
    %max3A_26 = vector.broadcast %jit3A_24 : f32 to vector<1x5120xf32>
    %max3A_27 = arith.maximumf %max3A_26, %add3A : vector<1x5120xf32>
    %min3A_28 = vector.broadcast %jit3A_25 : f32 to vector<1x5120xf32>
    %min3A_29 = arith.minimumf %min3A_28, %max3A_27 : vector<1x5120xf32>
    %mul3A_30 = arith.constant 5.000000e-01 : f32
    %mul3A_31 = vector.broadcast %mul3A_30 : f32 to vector<1x5120xf32>
    %mul3A_32 = arith.mulf %slice3A_4, %mul3A_31 : vector<1x5120xf32>
    %add3A_33 = arith.addf %slice3A_2, %mul3A_32 : vector<1x5120xf32>
    %jit3A_34 = arith.constant 0.000000e+00 : f32
    %jit3A_35 = arith.constant 1.000000e+00 : f32
    %max3A_36 = vector.broadcast %jit3A_34 : f32 to vector<1x5120xf32>
    %max3A_37 = arith.maximumf %max3A_36, %add3A_33 : vector<1x5120xf32>
    %min3A_38 = vector.broadcast %jit3A_35 : f32 to vector<1x5120xf32>
    %min3A_39 = arith.minimumf %min3A_38, %max3A_37 : vector<1x5120xf32>
    %sub3A_40 = arith.subf %min3A_29, %min3A_10 : vector<1x5120xf32>
    %max3A_41 = arith.constant 0.000000e+00 : f32
    %max3A_42 = vector.broadcast %max3A_41 : f32 to vector<1x5120xf32>
    %max3A_43 = arith.maximumf %sub3A_40, %max3A_42 : vector<1x5120xf32>
    %sub3A_44 = arith.subf %min3A_39, %min3A_20 : vector<1x5120xf32>
    %max3A_45 = arith.constant 0.000000e+00 : f32
    %max3A_46 = vector.broadcast %max3A_45 : f32 to vector<1x5120xf32>
    %max3A_47 = arith.maximumf %sub3A_44, %max3A_46 : vector<1x5120xf32>
    %mul3A_48 = arith.mulf %max3A_43, %max3A_47 : vector<1x5120xf32>
    %get3A_49 = arith.constant 0 : index
    %get3A_50 = arith.constant 0 : index
    %get3A_51 = vector.load %arg1[%get3A_49, %get3A_50] : memref<80x5120xf32, #tpu.memory_space<vmem>>, vector<80x5120xf32>
    %mul3A_52 = vector.broadcast %slice3A_5 : vector<1x5120xf32> to vector<80x5120xf32>
    %mul3A_53 = arith.mulf %get3A_51, %mul3A_52 : vector<80x5120xf32>
    %gt3A = arith.constant 1.000000e-01 : f32
    %gt3A_54 = vector.broadcast %gt3A : f32 to vector<80x5120xf32>
    %gt3A_55 = arith.cmpf ogt, %mul3A_53, %gt3A_54 : vector<80x5120xf32>
    %jit3A_56 = arith.constant 0xFF800000 : f32
    %broadcast_in_dim3A = vector.broadcast %jit3A_56 : f32 to vector<80x5120xf32>
    %select_n3A = arith.select %gt3A_55, %mul3A_53, %broadcast_in_dim3A : vector<80x5120xi1>, vector<80x5120xf32>
    %swap3A = arith.constant 0 : index
    %swap3A_57 = arith.constant 0 : index
    %swap3A_58 = vector.load %arg7[%swap3A, %swap3A_57] : memref<80x5120xf32, #tpu.memory_space<vmem>>, vector<80x5120xf32>
    tpu.vector_store %arg7[%swap3A, %swap3A_57], %select_n3A {strides = array<i32>} : memref<80x5120xf32, #tpu.memory_space<vmem>>, vector<80x5120xf32>,
    %iota3A = tpu.iota {dimensions = array<i32: 1>} : vector<80x5120xi32>
    %iota3A_59 = tpu.iota {dimensions = array<i32: 1>} : vector<80x128xi32>
    %scan3A = arith.constant 0xFF800000 : f32
    %scan3A_60 = arith.constant 0 : i32
    %scan3A_61 = arith.constant 100 : i32
    %scan3A_62 = arith.addi %scan3A_60, %scan3A_61 : i32
    %scan3A_63 = arith.constant 1 : i32
    scf.for %scan3A_65 = %scan3A_60 to %scan3A_62 step %scan3A_63  : i32 {
      %get3A_66 = arith.constant 0 : index
      %get3A_67 = arith.constant 0 : index
      %get3A_68 = vector.load %arg7[%get3A_66, %get3A_67] : memref<80x5120xf32, #tpu.memory_space<vmem>>, vector<80x5120xf32>
      %reduce_max3A = arith.constant dense<0xFF800000> : vector<80xf32>
      %reduce_max3A_69 = vector.multi_reduction <maximumf>, %get3A_68, %reduce_max3A [1] : vector<80x5120xf32> to vector<80xf32>
      %broadcast_in_dim3A_70 = vector.shape_cast %reduce_max3A_69 : vector<80xf32> to vector<80x1xf32>
      %eq3A = vector.broadcast %broadcast_in_dim3A_70 : vector<80x1xf32> to vector<80x5120xf32>
      %eq3A_71 = arith.cmpf oeq, %get3A_68, %eq3A : vector<80x5120xf32>
      %jit3A_72 = arith.constant 1073741824 : i32
      %broadcast_in_dim3A_73 = vector.broadcast %jit3A_72 : i32 to vector<80x5120xi32>
      %select_n3A_74 = arith.select %eq3A_71, %iota3A, %broadcast_in_dim3A_73 : vector<80x5120xi1>, vector<80x5120xi32>
      %reduce_min3A = arith.constant dense<2147483647> : vector<80xi32>
      %reduce_min3A_75 = vector.multi_reduction <minsi>, %select_n3A_74, %reduce_min3A [1] : vector<80x5120xi32> to vector<80xi32>
      %broadcast_in_dim3A_76 = vector.shape_cast %reduce_min3A_75 : vector<80xi32> to vector<80x1xi32>
      %eq3A_77 = vector.broadcast %broadcast_in_dim3A_76 : vector<80x1xi32> to vector<80x5120xi32>
      %eq3A_78 = arith.cmpi eq, %iota3A, %eq3A_77 : vector<80x5120xi32>
      %jit3A_79 = arith.constant -1.000000e+00 : f32
      %broadcast_in_dim3A_80 = vector.shape_cast %min3A_10 : vector<1x5120xf32> to vector<1x5120xf32>
      %broadcast_in_dim3A_81 = vector.broadcast %broadcast_in_dim3A_80 : vector<1x5120xf32> to vector<80x5120xf32>
      %broadcast_in_dim3A_82 = vector.broadcast %jit3A_79 : f32 to vector<80x5120xf32>
      %select_n3A_83 = arith.select %eq3A_78, %broadcast_in_dim3A_81, %broadcast_in_dim3A_82 : vector<80x5120xi1>, vector<80x5120xf32>
      %reduce_max3A_84 = arith.constant dense<0xFF800000> : vector<80xf32>
      %reduce_max3A_85 = vector.multi_reduction <maximumf>, %select_n3A_83, %reduce_max3A_84 [1] : vector<80x5120xf32> to vector<80xf32>
      %broadcast_in_dim3A_86 = vector.shape_cast %reduce_max3A_85 : vector<80xf32> to vector<80x1xf32>
      %jit3A_87 = arith.constant -1.000000e+00 : f32
      %broadcast_in_dim3A_88 = vector.shape_cast %min3A_20 : vector<1x5120xf32> to vector<1x5120xf32>
      %broadcast_in_dim3A_89 = vector.broadcast %broadcast_in_dim3A_88 : vector<1x5120xf32> to vector<80x5120xf32>
      %broadcast_in_dim3A_90 = vector.broadcast %jit3A_87 : f32 to vector<80x5120xf32>
      %select_n3A_91 = arith.select %eq3A_78, %broadcast_in_dim3A_89, %broadcast_in_dim3A_90 : vector<80x5120xi1>, vector<80x5120xf32>
      %reduce_max3A_92 = arith.constant dense<0xFF800000> : vector<80xf32>
      %reduce_max3A_93 = vector.multi_reduction <maximumf>, %select_n3A_91, %reduce_max3A_92 [1] : vector<80x5120xf32> to vector<80xf32>
      %broadcast_in_dim3A_94 = vector.shape_cast %reduce_max3A_93 : vector<80xf32> to vector<80x1xf32>
      %jit3A_95 = arith.constant -1.000000e+00 : f32
      %broadcast_in_dim3A_96 = vector.shape_cast %min3A_29 : vector<1x5120xf32> to vector<1x5120xf32>
      %broadcast_in_dim3A_97 = vector.broadcast %broadcast_in_dim3A_96 : vector<1x5120xf32> to vector<80x5120xf32>
      %broadcast_in_dim3A_98 = vector.broadcast %jit3A_95 : f32 to vector<80x5120xf32>
      %select_n3A_99 = arith.select %eq3A_78, %broadcast_in_dim3A_97, %broadcast_in_dim3A_98 : vector<80x5120xi1>, vector<80x5120xf32>
      %reduce_max3A_100 = arith.constant dense<0xFF800000> : vector<80xf32>
      %reduce_max3A_101 = vector.multi_reduction <maximumf>, %select_n3A_99, %reduce_max3A_100 [1] : vector<80x5120xf32> to vector<80xf32>
      %broadcast_in_dim3A_102 = vector.shape_cast %reduce_max3A_101 : vector<80xf32> to vector<80x1xf32>
      %jit3A_103 = arith.constant -1.000000e+00 : f32
      %broadcast_in_dim3A_104 = vector.shape_cast %min3A_39 : vector<1x5120xf32> to vector<1x5120xf32>
      %broadcast_in_dim3A_105 = vector.broadcast %broadcast_in_dim3A_104 : vector<1x5120xf32> to vector<80x5120xf32>
      %broadcast_in_dim3A_106 = vector.broadcast %jit3A_103 : f32 to vector<80x5120xf32>
      %select_n3A_107 = arith.select %eq3A_78, %broadcast_in_dim3A_105, %broadcast_in_dim3A_106 : vector<80x5120xi1>, vector<80x5120xf32>
      %reduce_max3A_108 = arith.constant dense<0xFF800000> : vector<80xf32>
      %reduce_max3A_109 = vector.multi_reduction <maximumf>, %select_n3A_107, %reduce_max3A_108 [1] : vector<80x5120xf32> to vector<80xf32>
      %broadcast_in_dim3A_110 = vector.shape_cast %reduce_max3A_109 : vector<80xf32> to vector<80x1xf32>
      %sub3A_111 = arith.subf %broadcast_in_dim3A_102, %broadcast_in_dim3A_86 : vector<80x1xf32>
      %max3A_112 = arith.constant 0.000000e+00 : f32
      %max3A_113 = vector.broadcast %max3A_112 : f32 to vector<80x1xf32>
      %max3A_114 = arith.maximumf %sub3A_111, %max3A_113 : vector<80x1xf32>
      %sub3A_115 = arith.subf %broadcast_in_dim3A_110, %broadcast_in_dim3A_94 : vector<80x1xf32>
      %max3A_116 = arith.constant 0.000000e+00 : f32
      %max3A_117 = vector.broadcast %max3A_116 : f32 to vector<80x1xf32>
      %max3A_118 = arith.maximumf %sub3A_115, %max3A_117 : vector<80x1xf32>
      %mul3A_119 = arith.mulf %max3A_114, %max3A_118 : vector<80x1xf32>
      %max3A_120 = vector.broadcast %broadcast_in_dim3A_86 : vector<80x1xf32> to vector<80x5120xf32>
      %max3A_121 = vector.broadcast %min3A_10 : vector<1x5120xf32> to vector<80x5120xf32>
      %max3A_122 = arith.maximumf %max3A_120, %max3A_121 : vector<80x5120xf32>
      %max3A_123 = vector.broadcast %broadcast_in_dim3A_94 : vector<80x1xf32> to vector<80x5120xf32>
      %max3A_124 = vector.broadcast %min3A_20 : vector<1x5120xf32> to vector<80x5120xf32>
      %max3A_125 = arith.maximumf %max3A_123, %max3A_124 : vector<80x5120xf32>
      %min3A_126 = vector.broadcast %broadcast_in_dim3A_102 : vector<80x1xf32> to vector<80x5120xf32>
      %min3A_127 = vector.broadcast %min3A_29 : vector<1x5120xf32> to vector<80x5120xf32>
      %min3A_128 = arith.minimumf %min3A_126, %min3A_127 : vector<80x5120xf32>
      %min3A_129 = vector.broadcast %broadcast_in_dim3A_110 : vector<80x1xf32> to vector<80x5120xf32>
      %min3A_130 = vector.broadcast %min3A_39 : vector<1x5120xf32> to vector<80x5120xf32>
      %min3A_131 = arith.minimumf %min3A_129, %min3A_130 : vector<80x5120xf32>
      %sub3A_132 = arith.subf %min3A_128, %max3A_122 : vector<80x5120xf32>
      %max3A_133 = arith.constant 0.000000e+00 : f32
      %max3A_134 = vector.broadcast %max3A_133 : f32 to vector<80x5120xf32>
      %max3A_135 = arith.maximumf %sub3A_132, %max3A_134 : vector<80x5120xf32>
      %sub3A_136 = arith.subf %min3A_131, %max3A_125 : vector<80x5120xf32>
      %max3A_137 = arith.constant 0.000000e+00 : f32
      %max3A_138 = vector.broadcast %max3A_137 : f32 to vector<80x5120xf32>
      %max3A_139 = arith.maximumf %sub3A_136, %max3A_138 : vector<80x5120xf32>
      %mul3A_140 = arith.mulf %max3A_135, %max3A_139 : vector<80x5120xf32>
      %add3A_141 = vector.broadcast %mul3A_119 : vector<80x1xf32> to vector<80x5120xf32>
      %add3A_142 = vector.broadcast %mul3A_48 : vector<1x5120xf32> to vector<80x5120xf32>
      %add3A_143 = arith.addf %add3A_141, %add3A_142 : vector<80x5120xf32>
      %sub3A_144 = arith.subf %add3A_143, %mul3A_140 : vector<80x5120xf32>
      %add3A_145 = arith.constant 9.99999971E-10 : f32
      %add3A_146 = vector.broadcast %add3A_145 : f32 to vector<80x5120xf32>
      %add3A_147 = arith.addf %sub3A_144, %add3A_146 : vector<80x5120xf32>
      %div3A = arith.divf %mul3A_140, %add3A_147 : vector<80x5120xf32>
      %gt3A_148 = arith.constant 5.000000e-01 : f32
      %gt3A_149 = vector.broadcast %gt3A_148 : f32 to vector<80x5120xf32>
      %gt3A_150 = arith.cmpf ogt, %div3A, %gt3A_149 : vector<80x5120xf32>
      %broadcast_in_dim3A_151 = vector.broadcast %scan3A : f32 to vector<80x5120xf32>
      %select_n3A_152 = arith.select %gt3A_150, %broadcast_in_dim3A_151, %get3A_68 : vector<80x5120xi1>, vector<80x5120xf32>
      %swap3A_153 = arith.constant 0 : index
      %swap3A_154 = arith.constant 0 : index
      %swap3A_155 = vector.load %arg7[%swap3A_153, %swap3A_154] : memref<80x5120xf32, #tpu.memory_space<vmem>>, vector<80x5120xf32>
      tpu.vector_store %arg7[%swap3A_153, %swap3A_154], %select_n3A_152 {strides = array<i32>} : memref<80x5120xf32, #tpu.memory_space<vmem>>, vector<80x5120xf32>,
      %eq3A_156 = vector.broadcast %scan3A_65 : i32 to vector<80x128xi32>
      %eq3A_157 = arith.cmpi eq, %iota3A_59, %eq3A_156 : vector<80x128xi32>
      %get3A_158 = arith.constant 0 : index
      %get3A_159 = arith.constant 0 : index
      %get3A_160 = vector.load %arg2[%get3A_158, %get3A_159] : memref<80x128xf32, #tpu.memory_space<vmem>>, vector<80x128xf32>
      %broadcast_in_dim3A_161 = vector.shape_cast %broadcast_in_dim3A_70 : vector<80x1xf32> to vector<80x1xf32>
      %broadcast_in_dim3A_162 = vector.broadcast %broadcast_in_dim3A_161 : vector<80x1xf32> to vector<80x128xf32>
      %select_n3A_163 = arith.select %eq3A_157, %broadcast_in_dim3A_162, %get3A_160 : vector<80x128xi1>, vector<80x128xf32>
      %swap3A_164 = arith.constant 0 : index
      %swap3A_165 = arith.constant 0 : index
      %swap3A_166 = vector.load %arg2[%swap3A_164, %swap3A_165] : memref<80x128xf32, #tpu.memory_space<vmem>>, vector<80x128xf32>
      tpu.vector_store %arg2[%swap3A_164, %swap3A_165], %select_n3A_163 {strides = array<i32>} : memref<80x128xf32, #tpu.memory_space<vmem>>, vector<80x128xf32>,
      %get3A_167 = arith.constant 0 : index
      %get3A_168 = arith.constant 0 : index
      %get3A_169 = vector.load %arg3[%get3A_167, %get3A_168] : memref<80x128xf32, #tpu.memory_space<vmem>>, vector<80x128xf32>
      %broadcast_in_dim3A_170 = vector.shape_cast %broadcast_in_dim3A_86 : vector<80x1xf32> to vector<80x1xf32>
      %broadcast_in_dim3A_171 = vector.broadcast %broadcast_in_dim3A_170 : vector<80x1xf32> to vector<80x128xf32>
      %select_n3A_172 = arith.select %eq3A_157, %broadcast_in_dim3A_171, %get3A_169 : vector<80x128xi1>, vector<80x128xf32>
      %swap3A_173 = arith.constant 0 : index
      %swap3A_174 = arith.constant 0 : index
      %swap3A_175 = vector.load %arg3[%swap3A_173, %swap3A_174] : memref<80x128xf32, #tpu.memory_space<vmem>>, vector<80x128xf32>
      tpu.vector_store %arg3[%swap3A_173, %swap3A_174], %select_n3A_172 {strides = array<i32>} : memref<80x128xf32, #tpu.memory_space<vmem>>, vector<80x128xf32>,
      %get3A_176 = arith.constant 0 : index
      %get3A_177 = arith.constant 0 : index
      %get3A_178 = vector.load %arg4[%get3A_176, %get3A_177] : memref<80x128xf32, #tpu.memory_space<vmem>>, vector<80x128xf32>
      %broadcast_in_dim3A_179 = vector.shape_cast %broadcast_in_dim3A_94 : vector<80x1xf32> to vector<80x1xf32>
      %broadcast_in_dim3A_180 = vector.broadcast %broadcast_in_dim3A_179 : vector<80x1xf32> to vector<80x128xf32>
      %select_n3A_181 = arith.select %eq3A_157, %broadcast_in_dim3A_180, %get3A_178 : vector<80x128xi1>, vector<80x128xf32>
      %swap3A_182 = arith.constant 0 : index
      %swap3A_183 = arith.constant 0 : index
      %swap3A_184 = vector.load %arg4[%swap3A_182, %swap3A_183] : memref<80x128xf32, #tpu.memory_space<vmem>>, vector<80x128xf32>
      tpu.vector_store %arg4[%swap3A_182, %swap3A_183], %select_n3A_181 {strides = array<i32>} : memref<80x128xf32, #tpu.memory_space<vmem>>, vector<80x128xf32>,
      %get3A_185 = arith.constant 0 : index
      %get3A_186 = arith.constant 0 : index
      %get3A_187 = vector.load %arg5[%get3A_185, %get3A_186] : memref<80x128xf32, #tpu.memory_space<vmem>>, vector<80x128xf32>
      %broadcast_in_dim3A_188 = vector.shape_cast %broadcast_in_dim3A_102 : vector<80x1xf32> to vector<80x1xf32>
      %broadcast_in_dim3A_189 = vector.broadcast %broadcast_in_dim3A_188 : vector<80x1xf32> to vector<80x128xf32>
      %select_n3A_190 = arith.select %eq3A_157, %broadcast_in_dim3A_189, %get3A_187 : vector<80x128xi1>, vector<80x128xf32>
      %swap3A_191 = arith.constant 0 : index
      %swap3A_192 = arith.constant 0 : index
      %swap3A_193 = vector.load %arg5[%swap3A_191, %swap3A_192] : memref<80x128xf32, #tpu.memory_space<vmem>>, vector<80x128xf32>
      tpu.vector_store %arg5[%swap3A_191, %swap3A_192], %select_n3A_190 {strides = array<i32>} : memref<80x128xf32, #tpu.memory_space<vmem>>, vector<80x128xf32>,
      %get3A_194 = arith.constant 0 : index
      %get3A_195 = arith.constant 0 : index
      %get3A_196 = vector.load %arg6[%get3A_194, %get3A_195] : memref<80x128xf32, #tpu.memory_space<vmem>>, vector<80x128xf32>
      %broadcast_in_dim3A_197 = vector.shape_cast %broadcast_in_dim3A_110 : vector<80x1xf32> to vector<80x1xf32>
      %broadcast_in_dim3A_198 = vector.broadcast %broadcast_in_dim3A_197 : vector<80x1xf32> to vector<80x128xf32>
      %select_n3A_199 = arith.select %eq3A_157, %broadcast_in_dim3A_198, %get3A_196 : vector<80x128xi1>, vector<80x128xf32>
      %swap3A_200 = arith.constant 0 : index
      %swap3A_201 = arith.constant 0 : index
      %swap3A_202 = vector.load %arg6[%swap3A_200, %swap3A_201] : memref<80x128xf32, #tpu.memory_space<vmem>>, vector<80x128xf32>
      tpu.vector_store %arg6[%swap3A_200, %swap3A_201], %select_n3A_199 {strides = array<i32>} : memref<80x128xf32, #tpu.memory_space<vmem>>, vector<80x128xf32>,
    }
    %scan3A_64 = arith.constant 100 : i32
    return
  }
}

</mosaic_0001>

<sc_bundles>
// kernel: kernel.5.cloned.1.call-start
scs
__scs_entry_jumppad:
0x0: {  	(pc) =	sbr.rel $0x88, $3  }
0x1: {  	(tag) =	ssettag $0x0;
	lr =	simm.s32 $0x1  }
0x2: {  	[smem:$0x3FA0] =	sst lr;
	_ =	strace $0xD0000000  }
0x3: {  	_ = 	snop  }
0x4: {  	_ = 	snop  }
0x5: {  	_ = 	snop  }
0x6: {  	_ = 	snop  }
0x7: {  	_ = 	snop  }
__scs_overlays_trampoline_lowered:
0x8: {  	[smem:$0x3FAF] =	sst s0  }
0x9: {  	[smem:$0x3FB0] =	sst s1  }
0xa: {  	[smem:$0x3FB1] =	sst s2  }
0xb: {  	[smem:$0x3FB2] =	sst s3  }
0xc: {  	[smem:$0x3FB3] =	sst s4  }
0xd: {  	[smem:$0x3FB4] =	sst s5  }
0xe: {  	[smem:$0x3FB5] =	sst s6  }
0xf: {  	[smem:$0x3FB6] =	sst s7  }
0x10: {  	[smem:$0x3FB7] =	sst s8  }
0x11: {  	[smem:$0x3FB8] =	sst s9;
	s0 =	simm.s32 @!p0 $0x0  }
0x12: {  	s1 =	sld [smem:$0x3F9E];
	s0 =	simm.s32 @p0 $0x1  }
0x13: {  	[smem:$0x3FB9] =	sst s0;
	s0 =	simm.s32 @!p1 $0x0  }
0x14: {  	s2 =	sld [smem:$0x3F9D];
	s0 =	simm.s32 @p1 $0x1  }
0x15: {  	[smem:$0x3FBA] =	sst s0;
	s0 =	simm.s32 @!p2 $0x0  }
0x16: {  	s3 =	sld [smem:$0x3FDB];
	s0 =	simm.s32 @p2 $0x1  }
0x17: {  	s4 =	simm.s32 $0x1BF5;
	[smem:$0x3FBC] =	sst s0  }
0x18: {  	s0 =	sld [smem:$0x3F9F];
	_ =	swait.ge [sflag:s4], $0x0  }
0x19: {  	s7 =	sld [smem:$0x3FA0]  }
0x1a: {  	s8 =	sadd.s32 $0xFFFFE003, lr  }
0x1b: {  	s9 =	sadd.s32 $0xFFFFFEF7, lr;
	s5 =	simm.s32 $0xFFFFFFFF;
	p2 =	slt.u32 s8, $0xFFFFF086  }
0x1c: {  	p1 =	slt.u32 s9, $0xF7A;
	s5 =	simm.s32 @!p2 $0x0  }
0x1d: {  	s5 =	simm.s32 @p1 $0x1;
	p0 =	seq.s32 s7, s2  }
0x1e: {  	s7 =	smul.u32 @!p0 $0xF7A, s2;
	p2 =	seq.s32 @!p0 s5, $0x0  }
0x1f: {  	s9 =	smul.u32 $0xF7A, s1;
	s8 =	simm.s32 @!p0 $0x1BF5;
	p2 =	por !p2, p0  }
0x20: {  	[sflag:s8] =	ssyncset.s32 @!p0 $0xFFFFF086;
	s6 =	sadd.s32 @!p0 s3, s7;
	s7 =	simm.s32 @!p0 $0x108  }
0x21: {  	s3 =	sadd.s32 s3, s9;
	s6 =	sadd.s32 @!p0 $0x88, s6;
	s7 =	simm.s32 @p2 $0x1082  }
0x22: {  	[simem:s7], [sflag:s8] =	dma.local @!p0 [hbm:s6], $0xF7A  }
0x23: {  	s9 =	sor.u32 $0xD0000000, s2;
	s6 =	simm.s32 $0x108;
	_ =	swait.ge @!p0 [sflag:s8], $0x0  }
0x24: {  	s3 =	sadd.s32 $0x88, s3;
	s6 =	simm.s32 @!p1 $0x1082;
	[sflag:s4] =	ssyncset.s32 $0xFFFFF086  }
0x25: {  	[simem:s6], [sflag:s4] =	dma.local [hbm:s3], $0xF7A  }
0x26: {  	[smem:$0x3FA0] =	sst s1;
	(tag) =	ssettag s2;
	_ =	strace s9  }
0x27: {  	s1 =	sld [smem:$0x3FB0]  }
0x28: {  	s2 =	sld [smem:$0x3FB1]  }
0x29: {  	s4 =	sld [smem:$0x3FB3]  }
0x2a: {  	p0 =	seq.s32 s5, $0x0;
	s5 =	sld [smem:$0x3FB4]  }
0x2b: {  	s6 =	sld [smem:$0x3FB5]  }
0x2c: {  	s7 =	sld [smem:$0x3FB6]  }
0x2d: {  	s3 =	simm.s32 $0x108;
	s8 =	sld [smem:$0x3FB7]  }
0x2e: {  	s3 =	simm.s32 @!p0 $0x1082;
	s9 =	sld [smem:$0x3FB8]  }
0x2f: {  	lr =	sadd.s32 s0, s3;
	s0 =	sld [smem:$0x3FAF]  }
0x30: {  	s3 =	sld [smem:$0x3FB2]  }
0x31: {  	[smem:$0x3FBB] =	sst s10  }
0x32: {  	s10 =	sld [smem:$0x3FB9];
	_ =	sdelay $0x3  }
0x33: {  	p0 =	seq.s32 s10, $0x1;
	s10 =	sld [smem:$0x3FBB];
	_ =	sdelay $0x3  }
0x34: {  	[smem:$0x3FBB] =	sst s10  }
0x35: {  	s10 =	sld [smem:$0x3FBA];
	_ =	sdelay $0x3  }
0x36: {  	p1 =	seq.s32 s10, $0x1;
	s10 =	sld [smem:$0x3FBB];
	_ =	sdelay $0x3  }
0x37: {  	[smem:$0x3FBB] =	sst s10  }
0x38: {  	s10 =	sld [smem:$0x3FBC]  }
0x39: {  	_ = 	snop;
	(pc) =	sbr.ind lr, $3  }
0x3a: {  	_ = 	snop  }
0x3b: {  	_ = 	snop  }
0x3c: {  	p2 =	seq.s32 s10, $0x1;
	s10 =	sld [smem:$0x3FBB]  }
0x3d: {  	_ =	shalt  }
0x3e: {  	_ =	shalt  }
0x3f: {  	_ =	shalt  }
0x40: {  	_ =	shalt  }
0x41: {  	_ =	shalt  }
0x42: {  	_ =	shalt  }
0x43: {  	_ =	shalt  }
0x44: {  	_ =	shalt  }
0x45: {  	_ =	shalt  }
0x46: {  	_ =	shalt  }
0x47: {  	_ =	shalt  }
0x48: {  	_ =	shalt  }
0x49: {  	_ =	shalt  }
0x4a: {  	_ =	shalt  }
0x4b: {  	_ =	shalt  }
0x4c: {  	_ =	shalt  }
0x4d: {  	_ =	shalt  }
0x4e: {  	_ =	shalt  }
0x4f: {  	_ =	shalt  }
0x50: {  	_ =	shalt  }
0x51: {  	_ =	shalt  }
0x52: {  	_ =	shalt  }
0x53: {  	_ =	shalt  }
0x54: {  	_ =	shalt  }
0x55: {  	_ =	shalt  }
0x56: {  	_ =	shalt  }
0x57: {  	_ =	shalt  }
0x58: {  	_ =	shalt  }
0x59: {  	_ =	shalt  }
0x5a: {  	_ =	shalt  }
0x5b: {  	_ =	shalt  }
0x5c: {  	_ =	shalt  }
0x5d: {  	_ =	shalt  }
0x5e: {  	_ =	shalt  }
0x5f: {  	_ =	shalt  }
0x60: {  	_ =	shalt  }
0x61: {  	_ =	shalt  }
0x62: {  	_ =	shalt  }
0x63: {  	_ =	shalt  }
0x64: {  	_ =	shalt  }
0x65: {  	_ =	shalt  }
0x66: {  	_ =	shalt  }
0x67: {  	_ =	shalt  }
0x68: {  	_ =	shalt  }
0x69: {  	_ =	shalt  }
0x6a: {  	_ =	shalt  }
0x6b: {  	_ =	shalt  }
0x6c: {  	_ =	shalt  }
0x6d: {  	_ =	shalt  }
0x6e: {  	_ =	shalt  }
0x6f: {  	_ =	shalt  }
0x70: {  	_ =	shalt  }
0x71: {  	_ =	shalt  }
0x72: {  	_ =	shalt  }
0x73: {  	_ =	shalt  }
0x74: {  	_ =	shalt  }
0x75: {  	_ =	shalt  }
0x76: {  	_ =	shalt  }
0x77: {  	_ =	shalt  }
0x78: {  	_ =	shalt  }
0x79: {  	_ =	shalt  }
0x7a: {  	_ =	shalt  }
0x7b: {  	_ =	shalt  }
0x7c: {  	_ =	shalt  }
0x7d: {  	_ =	shalt  }
0x7e: {  	_ =	shalt  }
0x7f: {  	_ =	shalt  }
0x80: {  	_ =	shalt  }
0x81: {  	_ =	shalt  }
0x82: {  	_ =	shalt  }
0x83: {  	_ =	shalt  }
0x84: {  	_ =	shalt  }
0x85: {  	_ =	shalt  }
0x86: {  	_ =	shalt  }
0x87: {  	_ =	shalt  }
.Lfunc_end0:
.L_simem_size_0:
called_computation_lowered:
.L_overlay_start_0:
0x88: {  	s2 =	sld [smem:$0x3FD9]  }
0x89: {  	s3 =	sld [smem:$0x3FFE];
	_ =	sdelay $0x1  }
0x8a: {  	s1 =	srdreg.scid  }
0x8b: {  	s0 =	sand.u32 $0x1, s1  }
0x8c: {  	s14 =	sshll.u32 s0, $0xA;
	s2 =	sadd.s32 s3, s2  }
0x8d: {  	s2 =	sadd.s32 s2, s14  }
0x8e: {  	[smem:$0x3FC7] =	sst s2  }
0x8f: {  	_ = 	snop  }
0x90: {  	s2 =	sld [smem:$0x3FD0];
	_ =	sdelay $0x2  }
0x91: {  	s15 =	simm.s32 $0xA;
	s4 =	simm.s32 $0x10  }
0x92: {  	[smem:s4], [sflag:s15] =	dma.local [hbm:s2], $0x1  }
0x93: {  	_ =	swait.eq [sflag:s15], $0x1  }
0x94: {  	s16 =	sld [smem:$0x10];
	[sflag:s15] =	ssyncset.done $0x0  }
0x95: {  	s17 =	sld [smem:$0x11];
	[sflag:s15] =	ssyncadd.s32 $0xFFFFFFFF  }
0x96: {  	s18 =	sld [smem:$0x12];
	(tm) =	ssettm $0x1  }
0x97: {  	s5 =	sld [smem:$0x3FFB];
	_ =	sdelay $0x3  }
0x98: {  	_ =	strace s5  }
0x99: {  	s5 =	sld [smem:$0x3FFC];
	_ =	sdelay $0x3  }
0x9a: {  	_ =	strace s5  }
0x9b: {  	s5 =	sld [smem:$0x3FFD];
	_ =	sdelay $0x3  }
0x9c: {  	_ =	strace s5  }
0x9d: {  	_ =	strace $0x8FFFFFFF  }
0x9e: {  	s19 =	sld [smem:$0x3FDB];
	_ =	sdelay $0x1  }
0x9f: {  	s6 =	simm.s32 $_scs_section_size  }
0xa0: {  	s7 =	simm.s32 $_size__tile_overlayer_lowered;
	s8 =	simm.s32 $_tile_overlayer_lowered  }
0xa1: {  	s22 =	simm.s32 $0x1BFF;
	s21 =	sshll.u32 s8, $0x1;
	s5 =	sadd.s32 s6, s19  }
0xa2: {  	s9 =	simm.s32 $0x0;
	s20 =	sshll.u32 s7, $0x1;
	s7 =	sadd.s32 s21, s5  }
0xa3: {  	[timem:s9], [sflag:s22] =	dma.local [hbm:s7], s20  }
0xa4: {  	_ =	swait.ge [sflag:s22], s20  }
0xa5: {  	s6 =	ssub.s32 $0x0, s20;
	[sflag:s22] =	ssyncset.done $0x0  }
0xa6: {  	[sflag:s22] =	ssyncadd.s32 s6;
	_ =	sdelay $0x1  }
0xa7: {  	s23 =	simm.s32 $0x1B8B  }
0xa8: {  	_ =	swait.ge [sflag:s23], $0x1  }
0xa9: {  	[sflag:s23] =	ssyncset.done $0x0  }
0xaa: {  	s25 =	simm.s32 $0x1B8E;
	s24 =	sld [smem:$0x3FFE];
	[sflag:s23] =	ssyncadd.s32 $0xFFFFFFFF  }
0xab: {  	s26 =	simm.s32 $execute0_lowered;
	[smem:$0x3FD2] =	sst s25  }
0xac: {  	s7 =	sshll.u32 s26, $0x1;
	_ =	strace $0x80000046;
	[dreg:$0x1] =	wrdreg $0xFFFFFFFF  }
0xad: {  	s28 =	simm.s32 $_size_execute0_lowered;
	s5 =	sadd.s32 s5, s7;
	[dreg:$0x0] =	wrdreg $0x0  }
0xae: {  	s7 =	sshll.u32 s28, $0x1;
	[dreg:$0x2] =	wrdreg s5  }
0xaf: {  	[dreg:$0x3] =	wrdreg s7  }
0xb0: {  	[dreg:$0x4] =	wrdreg $0xC0  }
0xb1: {  	_ =	task [dreg:s9], $0x5FFFF  }
0xb2: {  	[dreg:$0x1] =	wrdreg $0xFFFFFFFF  }
0xb3: {  	[dreg:$0x0] =	wrdreg $0x60  }
0xb4: {  	[dreg:$0x2] =	wrdreg s24  }
0xb5: {  	[dreg:$0x3] =	wrdreg s17  }
0xb6: {  	[dreg:$0x4] =	wrdreg s16  }
0xb7: {  	[dreg:$0x5] =	wrdreg s18  }
0xb8: {  	[dreg:$0x6] =	wrdreg $0x9  }
0xb9: {  	_ =	task.clear_ibuf [dreg:s9], $0x7FFFF;
	_ =	strace $0x90000046  }
0xba: {  	s29 =	simm.s32 $0x9;
	_ =	strace $0x80000048  }
0xbb: {  	_ =	swait.ge [sflag:s29], $0x1  }
0xbc: {  	[sflag:s29] =	ssyncadd.s32 $0xFFFFFFFF  }
0xbd: {  	_ =	strace $0x90000048  }
0xbe: {  	_ =	sfence  }
0xbf: {  	s30 =	sld [smem:$0x0];
	_ =	sdelay $0x2  }
0xc0: {  	s31 =	sshll.u32 s1, $0xD;
	s1 =	sshrl.u32 s1, $0x2  }
0xc1: {  	s3 =	sand.u32 $0x4000, s31;
	s1 =	sadd.s32 s1, s30  }
0xc2: {  	s0 =	sor.u32 s3, s0;
	s1 =	sshll.u32 s1, $0x11  }
0xc3: {  	s0 =	sor.u32 s1, s0  }
0xc4: {  	s0 =	sadd.s32 $0x8F2B, s0  }
0xc5: {  	[sflag:s0] =	ssyncadd.remote.s32 $0x1  }
0xc6: {  	_ =	sfence.sel $0xFFFF  }
0xc7: {  	[dreg:$0x0] =	wrdreg $0xFFFFFFFF;
	(pc) =	sbr.abs _section_cstart, $3  }
0xc8: {  	[dreg:$0x1] =	wrdreg $0xFFFFFFFF  }
0xc9: {  	_ =	task.clear_ibuf [dreg:s9], $0x2FFFF;
	_ =	strace $0x9FFFFFFF  }
0xca: {  	(tm) =	ssettm $0x7FFFFFFF  }
0xcb: {  	_ =	shalt  }
tec
execute0_lowered:
.L_overlay_start_1:
0x0: {  	(tag) =	ssettag $0x1  }
0x1: {  	s2 =	rddreg [dreg:$0x0]  }
0x2: {  	s1 =	rddreg [dreg:$0x2]  }
0x3: {  	s0 =	simm.s32 $0x0;
	s3 =	srdreg.scid;
	s18 =	stileid.u32  }
0x4: {  	[smem:$0x7FF] =	sst s0;
	s4 =	sadd.s32 $0x2600, s2;
	s3 =	sand.u32 $0x1, s3  }
0x5: {  	s8 =	sshrl.u32 s18, $0x2;
	s9 =	sshll.u32 s18, $0x8;
	s10 =	sshll.u32 s3, $0x7  }
0x6: {  	s9 =	sand.u32 $0x300, s9;
	s11 =	smul.u32 $0xA000, s8;
	s3 =	ssub.s32 $0x2, s3  }
0x7: {  	s20 =	sshll.u32 s8, $0xB;
	s22 =	sor.u32 $0x4, s8;
	s14 =	sshll.u32 s8, $0xA  }
0x8: {  	s8 =	sor.u32 $0x8, s8;
	s9 =	sor.u32 s10, s9;
	s15 =	smul.u32 $0xA000, s22  }
0x9: {  	s10 =	sadd.s32 $0x12600, s2;
	s13 =	sshrl.u32 s3, $0x1;
	s26 =	smul.u32 $0xA000, s8  }
0xa: {  	s11 =	sor.u32 s11, s9;
	s3 =	ssub.s32 s3, s13;
	s21 =	sor.u32 s20, s9  }
0xb: {  	s13 =	sshll.u32 s22, $0xB;
	s11 =	sshrl.u32 s11, $0x3;
	s15 =	sor.u32 s9, s15  }
0xc: {  	s13 =	sor.u32 s9, s13;
	s11 =	sadd.s32 s4, s11;
	s15 =	sshrl.u32 s15, $0x3  }
0xd: {  	s13 =	sshrl.u32 s13, $0x3;
	[dreg:$0x5] =	wrdreg s11;
	s15 =	sadd.s32 s4, s15  }
0xe: {  	s11 =	sshrl.u32 s21, $0x3;
	s21 =	sadd.s32 s1, s13;
	[dreg:$0xc] =	wrdreg s15  }
0xf: {  	s19 =	sor.u32 s9, s26;
	s26 =	sadd.s32 s10, s13;
	[dreg:$0xe] =	wrdreg s21  }
0x10: {  	s5 =	sadd.s32 $0xFE00, s2;
	s16 =	sadd.s32 s1, s11;
	[dreg:$0x13] =	wrdreg s26  }
0x11: {  	s6 =	sadd.s32 $0x10800, s2;
	s23 =	sadd.s32 s5, s11;
	[dreg:$0x6] =	wrdreg s16  }
0x12: {  	s7 =	sadd.s32 $0x11200, s2;
	s24 =	sadd.s32 s6, s11;
	[dreg:$0x7] =	wrdreg s23  }
0x13: {  	s12 =	sadd.s32 $0x11C00, s2;
	s25 =	sadd.s32 s7, s11;
	[dreg:$0x8] =	wrdreg s24  }
0x14: {  	s17 =	sadd.s32 s12, s11;
	[dreg:$0x9] =	wrdreg s25  }
0x15: {  	s29 =	simm.s32 $0x80;
	s11 =	sadd.s32 s10, s11;
	[dreg:$0xa] =	wrdreg s17  }
0x16: {  	s30 =	simm.s32 $0x400;
	s15 =	sshrl.u32 s19, $0x3;
	[dreg:$0xb] =	wrdreg s11  }
0x17: {  	s17 =	sshll.u32 s22, $0xA;
	s22 =	sadd.s32 s5, s13;
	s23 =	sadd.s32 s6, s13  }
0x18: {  	s24 =	sadd.s32 s7, s13;
	s25 =	sadd.s32 s12, s13;
	s13 =	rddreg [dreg:$0x1]  }
0x19: {  	s31 =	sadd.s32 $0xFA00, s2;
	s4 =	sadd.s32 s4, s15;
	s16 =	rddreg [dreg:$0x3]  }
0x1a: {  	p0 =	sgt.u32 s18, $0x7;
	s18 =	simm.s32 $0x1400;
	[dreg:$0xd] =	wrdreg s4  }
0x1b: {  	s20 =	sshll.u32 s8, $0xB;
	s8 =	sshll.u32 s8, $0xA;
	[dreg:$0xf] =	wrdreg s22  }
0x1c: {  	s14 =	sor.u32 s14, s9;
	s8 =	sor.u32 s9, s8;
	[dreg:$0x10] =	wrdreg s23  }
0x1d: {  	s11 =	sor.u32 s9, s17;
	s4 =	sor.u32 s9, s20;
	[dreg:$0x11] =	wrdreg s24  }
0x1e: {  	[dreg:$0x12] =	wrdreg s25;
	s20 =	sshrl.u32 s14, $0x3;
	s23 =	sshrl.u32 s8, $0x3  }
0x1f: {  	s8 =	simm.s32 $0x6D80;
	s9 =	simm.s32 $0x6E80;
	s14 =	simm.s32 $0x0  }
0x20: {  	v0 =	vimm.s32 $0xEDCBA987;
	v2 =	vimm.s32 $0x65432100;
	s4 =	sshrl.u32 s4, $0x3;
	s21 =	sadd.s32 s13, s20;
	s25 =	sadd.s32 s16, s20  }
0x21: {  	v4 =	vimm.s32 $0xDCBA9876;
	v5 =	vimm.s32 $0x54321000;
	s22 =	sshrl.u32 s11, $0x3;
	s24 =	sadd.s32 s16, s23;
	s20 =	sadd.s32 $0xF600, s2  }
0x22: {  	v6 =	vimm.s32 $0xBA987654;
	v7 =	vimm.s32 $0xE40000;
	v8 =	vimm.s32 $0x32100000;
	s11 =	simm.s32 $0x6F80;
	s1 =	sadd.s32 s1, s4;
	s5 =	sadd.s32 s5, s4  }
0x23: {  	vm0 =	vmmov $0x3;
	vm2 =	vcmask $0x3F30;
	vm1 =	vmmov $0xf;
	s15 =	sadd.s32 s6, s4;
	s17 =	sadd.s32 s7, s4;
	[dreg:$0x14] =	wrdreg s1  }
0x24: {  	v1 =	vunpack.c.l.s4.s8 v0;
	v0 =	vimm.f32 $-Inf;
	v2 =	vunpack.c.l.s4.s8 v2;
	s19 =	sadd.s32 s12, s4;
	s4 =	sadd.s32 s10, s4;
	[dreg:$0x15] =	wrdreg s5  }
0x25: {  	v4 =	vunpack.c.l.s4.s8 v4;
	v5 =	vunpack.c.l.s4.s8 v5;
	v7 =	vunpack.c.l.s2.s4 v7;
	s26 =	sadd.s32 s13, s22;
	s28 =	sadd.s32 s16, s22;
	[dreg:$0x16] =	wrdreg s15  }
0x26: {  	v6 =	vunpack.c.l.s4.s8 v6;
	v8 =	vunpack.c.l.s4.s8 v8;
	v3 =	vunpack.c.0.s8.s32 v1;
	s10 =	sadd.s32 $0xEE00, s2;
	s22 =	simm.s32 $0x3C00;
	[dreg:$0x17] =	wrdreg s17  }
0x27: {  	v1 =	vlaneseq.u32;
	v4 =	vunpack.c.0.s8.s32 v4;
	v7 =	vunpack.c.l.s4.s8 v7;
	s6 =	simm.s32 $0x6B80;
	s7 =	simm.s32 $0x6C80;
	[dreg:$0x18] =	wrdreg s19  }
0x28: {  	v2 =	vunpack.c.0.s8.s32 v2;
	v5 =	vunpack.c.0.s8.s32 v5;
	v6 =	vunpack.c.0.s8.s32 v6;
	s12 =	simm.s32 $0x7080;
	[dreg:$0x19] =	wrdreg s4;
	s1 =	sadd.s32 s13, s23  }
.Ltmp0:
0x29: {  	v3 =	vand.u32 $0xF, v3;
	v4 =	vand.u32 $0xF, v4;
	v7 =	vunpack.c.0.s8.s32 v7;
	s17 =	smax.u32 s3, $0x1;
	s19 =	simm.s32 $0x1;
	(pc) =	sbr.rel .LBB2_1-.Ltmp0, $4  }
0x2a: {  	v4 =	vcombine.low v5, v4;
	v5 =	vunpack.c.0.s8.s32 v8;
	v8 =	vimm.s32 $0x7060504;
	s23 =	simm.s32 $0x5000;
	_ =	strace $0x80000047;
	[dreg:$0x1a] =	wrdreg s21  }
0x2b: {  	v6 =	vand.u32 $0xF, v6;
	v2 =	vcombine.low v2, v3;
	v8 =	vunpack.c.0.s8.s32 v8;
	s3 =	simm.s32 $0x6880;
	s4 =	simm.s32 $0x6580;
	[dreg:$0x1b] =	wrdreg s1  }
0x2c: {  	v3 =	vmul.u32 $0x30, v1;
	v7 =	vand.u32 $0x3, v7;
	v5 =	vcombine.low v5, v6;
	s5 =	simm.s32 $0x6500;
	s13 =	simm.s32 $0x6480;
	[dreg:$0x1c] =	wrdreg s24  }
0x2d: {  	v6 =	vimm.s32 $0x0;
	v7 =	vsel vm2, v8, v7;
	vm2 =	vmmov $0xff;
	s1 =	sadd.s32 $0xF200, s2;
	s21 =	simm.s32 $0x2800;
	s2 =	simm.s32 $0x6400  }
.LBB2_20:
0x2e: {  	_ =	sdelay $0x1  }
0x2f: {  	v10 =	vld [tilespmem:s24+$0x6C80]  }
0x30: {  	[tilespmem:s15+$0x6F80] =	vst v9  }
0x31: {  	v8 =	vld.idx.msk [tilespmem:v8+s23+$0x0], $0xffff;
	_ =	sdelay $0x4  }
0x32: {  	[tilespmem:s15+$0x7080] =	vst v8  }
0x33: {  	v8 =	vld.idx.msk [tilespmem:v10+s18+$0x0], $0xffff;
	_ =	sdelay $0x4  }
0x34: {  	[tilespmem:s24+$0x6D80] =	vst v8  }
0x35: {  	v8 =	vld.idx.msk [tilespmem:v10+s21+$0x0], $0xffff;
	_ =	sdelay $0x4  }
0x36: {  	[tilespmem:s24+$0x6E80] =	vst v8  }
0x37: {  	v8 =	vld.idx.msk [tilespmem:v10+s22+$0x0], $0xffff;
	_ =	sdelay $0x4  }
0x38: {  	[tilespmem:s24+$0x6F80] =	vst v8  }
0x39: {  	v8 =	vld.idx.msk [tilespmem:v10+s23+$0x0], $0xffff;
	_ =	sdelay $0x4  }
0x3a: {  	[tilespmem:s24+$0x7080] =	vst v8;
	s24 =	rddreg [dreg:$0x14]  }
0x3b: {  	[hbm4b:s24+s29] =	stream.strided.scatter [tilespmem:s6], [sflag:$0x1], $0x100, s30, s29, $0x38;
	[tilespmem:$0x7180] =	vst v63  }
0x3c: {  	_ =	swait.ge [sflag:s19], $0x100  }
0x3d: {  	[sflag:s19] =	ssyncset.done $0x0  }
0x3e: {  	s16 =	rddreg [dreg:$0x15];
	[sflag:s19] =	ssyncadd.s32 $0xFFFFFF00  }
0x3f: {  	[hbm4b:s16+s29] =	stream.strided.scatter [tilespmem:s7], [sflag:$0x1], $0x100, s30, s29, $0x38;
	[tilespmem:$0x7180] =	vst v63  }
0x40: {  	_ =	swait.ge [sflag:s19], $0x100  }
0x41: {  	[sflag:s19] =	ssyncset.done $0x0  }
0x42: {  	s24 =	rddreg [dreg:$0x16];
	[sflag:s19] =	ssyncadd.s32 $0xFFFFFF00  }
0x43: {  	[hbm4b:s24+s29] =	stream.strided.scatter [tilespmem:s8], [sflag:$0x1], $0x100, s30, s29, $0x38;
	[tilespmem:$0x7180] =	vst v63  }
0x44: {  	_ =	swait.ge [sflag:s19], $0x100  }
0x45: {  	[sflag:s19] =	ssyncset.done $0x0  }
0x46: {  	s16 =	rddreg [dreg:$0x17];
	[sflag:s19] =	ssyncadd.s32 $0xFFFFFF00  }
0x47: {  	[hbm4b:s16+s29] =	stream.strided.scatter [tilespmem:s9], [sflag:$0x1], $0x100, s30, s29, $0x38;
	[tilespmem:$0x7180] =	vst v63  }
0x48: {  	_ =	swait.ge [sflag:s19], $0x100  }
0x49: {  	[sflag:s19] =	ssyncset.done $0x0  }
0x4a: {  	s24 =	rddreg [dreg:$0x18];
	[sflag:s19] =	ssyncadd.s32 $0xFFFFFF00  }
0x4b: {  	[hbm4b:s24+s29] =	stream.strided.scatter [tilespmem:s11], [sflag:$0x1], $0x100, s30, s29, $0x38;
	[tilespmem:$0x7180] =	vst v63  }
0x4c: {  	_ =	swait.ge [sflag:s19], $0x100  }
0x4d: {  	[sflag:s19] =	ssyncset.done $0x0  }
0x4e: {  	s16 =	rddreg [dreg:$0x19];
	[sflag:s19] =	ssyncadd.s32 $0xFFFFFF00  }
0x4f: {  	[hbm4b:s16+s29] =	stream.strided.scatter [tilespmem:s12], [sflag:$0x1], $0x100, s30, s29, $0x38;
	[tilespmem:$0x7180] =	vst v63  }
0x50: {  	_ =	swait.ge [sflag:s19], $0x100  }
0x51: {  	[sflag:s19] =	ssyncset.done $0x0  }
0x52: {  	s24 =	rddreg [dreg:$0x1c];
	[sflag:s19] =	ssyncadd.s32 $0xFFFFFF00  }
0x53: {  	[hbm4b:s24+s0] =	stream.linear.scatter [tilespmem:s13], [sflag:$0x1], $0x80, $0x38;
	[tilespmem:$0x7180] =	vst v63  }
0x54: {  	_ =	swait.ge [sflag:s19], $0x80  }
0x55: {  	[sflag:s19] =	ssyncset.done $0x0  }
0x56: {  	[sflag:s19] =	ssyncadd.s32 $0xFFFFFF80  }
.LBB2_21:
0x57: {  	s14 =	sadd.s32 $0x1, s14  }
0x58: {  	p1 =	sne.s32 s14, s17  }
.Ltmp1:
0x59: {  	_ = 	snop;
	(pc) =	sbr.rel @!p1 .LBB2_22-.Ltmp1, $1  }
0x5a: {  	_ =	sdelay $0x3  }
.LBB2_1:
0x5b: {  	[tilespmem:s18], [sflag:$0x1] =	stream.linear.gather [hbm4b:s31+s0], $0x1400, $0x38;
	[tilespmem:$0x7180] =	vst v63  }
0x5c: {  	_ =	swait.ge [sflag:s19], $0x1400  }
0x5d: {  	[sflag:s19] =	ssyncset.done $0x0  }
0x5e: {  	[sflag:s19] =	ssyncadd.s32 $0xFFFFEC00  }
0x5f: {  	[tilespmem:s21], [sflag:$0x1] =	stream.linear.gather [hbm4b:s20+s0], $0x1400, $0x38;
	[tilespmem:$0x7180] =	vst v63  }
0x60: {  	_ =	swait.ge [sflag:s19], $0x1400  }
0x61: {  	[sflag:s19] =	ssyncset.done $0x0  }
0x62: {  	[sflag:s19] =	ssyncadd.s32 $0xFFFFEC00  }
0x63: {  	[tilespmem:s22], [sflag:$0x1] =	stream.linear.gather [hbm4b:s1+s0], $0x1400, $0x38;
	[tilespmem:$0x7180] =	vst v63  }
0x64: {  	_ =	swait.ge [sflag:s19], $0x1400  }
0x65: {  	[sflag:s19] =	ssyncset.done $0x0  }
0x66: {  	[sflag:s19] =	ssyncadd.s32 $0xFFFFEC00  }
0x67: {  	[tilespmem:s23], [sflag:$0x1] =	stream.linear.gather [hbm4b:s10+s0], $0x1400, $0x38;
	[tilespmem:$0x7180] =	vst v63  }
0x68: {  	_ =	swait.ge [sflag:s19], $0x1400  }
0x69: {  	[sflag:s19] =	ssyncset.done $0x0  }
0x6a: {  	s15 =	rddreg [dreg:$0x5];
	[sflag:s19] =	ssyncadd.s32 $0xFFFFEC00  }
0x6b: {  	[tilespmem:s0], [sflag:$0x1] =	stream.strided.gather [hbm4b:s15+s29], $0x1400, s30, s29, $0x38;
	[tilespmem:$0x7180] =	vst v63  }
0x6c: {  	_ =	swait.ge [sflag:s19], $0x1400  }
0x6d: {  	[sflag:s19] =	ssyncset.done $0x0  }
0x6e: {  	s24 =	rddreg [dreg:$0x1a];
	[sflag:s19] =	ssyncadd.s32 $0xFFFFEC00  }
0x6f: {  	[tilespmem:s2], [sflag:$0x1] =	stream.linear.gather [hbm4b:s24+s0], $0x80, $0x38;
	[tilespmem:$0x7180] =	vst v63  }
0x70: {  	_ =	swait.ge [sflag:s19], $0x80  }
0x71: {  	[sflag:s19] =	ssyncset.done $0x0  }
0x72: {  	[sflag:s19] =	ssyncadd.s32 $0xFFFFFF80  }
0x73: {  	[tilespmem:$0x6C80] =	vst v6  }
0x74: {  	[tilespmem:$0x6B80] =	vst v0  }
0x75: {  	[tilespmem:$0x6C90] =	vst v6  }
0x76: {  	[tilespmem:$0x6B90] =	vst v0  }
0x77: {  	[tilespmem:$0x6CA0] =	vst v6  }
0x78: {  	[tilespmem:$0x6BA0] =	vst v0  }
0x79: {  	[tilespmem:$0x6CB0] =	vst v6  }
0x7a: {  	[tilespmem:$0x6BB0] =	vst v0  }
0x7b: {  	[tilespmem:$0x6CC0] =	vst v6  }
0x7c: {  	[tilespmem:$0x6BC0] =	vst v0  }
0x7d: {  	[tilespmem:$0x6CD0] =	vst v6  }
0x7e: {  	[tilespmem:$0x6BD0] =	vst v0  }
0x7f: {  	[tilespmem:$0x6CE0] =	vst v6  }
0x80: {  	[tilespmem:$0x6BE0] =	vst v0  }
0x81: {  	[tilespmem:$0x6CF0] =	vst v6  }
0x82: {  	[tilespmem:$0x6BF0] =	vst v0  }
0x83: {  	[tilespmem:$0x6D00] =	vst v6  }
0x84: {  	[tilespmem:$0x6C00] =	vst v0  }
0x85: {  	[tilespmem:$0x6D10] =	vst v6  }
0x86: {  	[tilespmem:$0x6C10] =	vst v0  }
0x87: {  	[tilespmem:$0x6D20] =	vst v6  }
0x88: {  	[tilespmem:$0x6C20] =	vst v0  }
0x89: {  	[tilespmem:$0x6D30] =	vst v6  }
0x8a: {  	[tilespmem:$0x6C30] =	vst v0  }
0x8b: {  	[tilespmem:$0x6D40] =	vst v6  }
0x8c: {  	[tilespmem:$0x6C40] =	vst v0  }
0x8d: {  	[tilespmem:$0x6D50] =	vst v6  }
0x8e: {  	[tilespmem:$0x6C50] =	vst v0  }
0x8f: {  	[tilespmem:$0x6D60] =	vst v6  }
0x90: {  	[tilespmem:$0x6C60] =	vst v0  }
0x91: {  	[tilespmem:$0x6D70] =	vst v6  }
0x92: {  	s16 =	simm.s32 $0x20;
	v8 =	vimm.s32 $0x0;
	s15 =	simm.s32 $0x30;
	[tilespmem:$0x6C70] =	vst v0  }
.LBB2_2:
0x93: {  	v9 =	vld [tilespmem:$0x6400]  }
0x94: {  	v10 =	vld [tilespmem:s16+$0xFFFFFFE0];
	_ =	sdelay $0x4  }
0x95: {  	vm4 =	vlt.s32 v8, $0x30;
	vm3 =	vgt.f32 v10, v9  }
0x96: {  	vm4 =	vmand vm4, vm3  }
0x97: {  	v11 =	vadd.s32 v3, v8;
	_ =	sdelay $0x2  }
0x98: {  	s24 =	sadd.s32 $0xFFFFFFD0, s15  }
0x99: {  	v12 =	vor.u32 s24, v1  }
0x9a: {  	[tilespmem:v11+s3+$0x0] =	vst.idx.msk vm4, v12  }
0x9b: {  	[tilespmem:v11+s4+$0x0] =	vst.idx.msk vm4, v10  }
0x9c: {  	v10 =	vld [tilespmem:s16+$0xFFFFFFF0];
	_ =	sdelay $0x2  }
0x9d: {  	v11 =	vsel vm3, $0x1, v6  }
0x9e: {  	v8 =	vadd.s32 v11, v8  }
0x9f: {  	vm13 =	vlt.s32 v8, $0x30;
	vm3 =	vgt.f32 v10, v9  }
0xa0: {  	vm4 =	vmand vm3, vm13  }
0xa1: {  	v11 =	vadd.s32 v3, v8;
	_ =	sdelay $0x2  }
0xa2: {  	s24 =	sadd.s32 $0xFFFFFFE0, s15  }
0xa3: {  	v62 =	vor.u32 s24, v1  }
0xa4: {  	[tilespmem:v11+s3+$0x0] =	vst.idx.msk vm4, v62  }
0xa5: {  	[tilespmem:v11+s4+$0x0] =	vst.idx.msk vm4, v10  }
0xa6: {  	v10 =	vld [tilespmem:s16+$0x0];
	_ =	sdelay $0x2  }
0xa7: {  	v11 =	vsel vm3, $0x1, v6  }
0xa8: {  	v8 =	vadd.s32 v11, v8  }
0xa9: {  	vm14 =	vlt.s32 v8, $0x30;
	vm3 =	vgt.f32 v10, v9  }
0xaa: {  	vm4 =	vmand vm3, vm14  }
0xab: {  	v11 =	vadd.s32 v3, v8;
	_ =	sdelay $0x2  }
0xac: {  	s24 =	sadd.s32 $0xFFFFFFF0, s15  }
0xad: {  	v63 =	vor.u32 s24, v1  }
0xae: {  	[tilespmem:v11+s3+$0x0] =	vst.idx.msk vm4, v63  }
0xaf: {  	[tilespmem:v11+s4+$0x0] =	vst.idx.msk vm4, v10  }
0xb0: {  	v10 =	vld [tilespmem:s16+$0x10];
	_ =	sdelay $0x2  }
0xb1: {  	v11 =	vsel vm3, $0x1, v6  }
0xb2: {  	v8 =	vadd.s32 v11, v8  }
0xb3: {  	vm15 =	vlt.s32 v8, $0x30;
	vm3 =	vgt.f32 v10, v9  }
0xb4: {  	vm4 =	vmand vm3, vm15  }
0xb5: {  	v9 =	vadd.s32 v3, v8  }
0xb6: {  	p1 =	sne.s32 s15, $0x13F0  }
.Ltmp2:
0xb7: {  	_ = 	snop;
	(pc) =	sbr.rel @p1 .LBB2_2-.Ltmp2, $4  }
0xb8: {  	_ = 	snop  }
0xb9: {  	v11 =	vor.u32 s15, v1  }
0xba: {  	[tilespmem:v9+s3+$0x0] =	vst.idx.msk vm4, v11;
	v11 =	vsel vm3, $0x1, v6  }
0xbb: {  	s16 =	sadd.s32 $0x40, s16;
	s15 =	sadd.s32 $0x40, s15;
	[tilespmem:v9+s4+$0x0] =	vst.idx.msk vm4, v10;
	v8 =	vadd.s32 v11, v8  }
0xbc: {  	_ = 	snop  }
0xbd: {  	vm3 =	vlt.s32 v8, $0x30  }
0xbe: {  	[tilespmem:$0x6480] =	vst v8;
	v8 =	vnsel vm3, $0x30, v8  }
0xbf: {  	[tilespmem:$0x6500] =	vst v8  }
0xc0: {  	v9 =	vld.idx.msk [tilespmem:v2+s5+$0x0], $0xffff;
	_ =	sdelay $0x3  }
0xc1: {  	vm3 =	veq.s32 v1, $0x0  }
0xc2: {  	v9 =	vsel vm3, $0x0, v9  }
0xc3: {  	v9 =	vadd.s32 v8, v9  }
0xc4: {  	[tilespmem:$0x6500] =	vst v9  }
0xc5: {  	v10 =	vld.idx.msk [tilespmem:v4+s5+$0x0], $0xffff;
	_ =	sdelay $0x4  }
0xc6: {  	v10 =	vsel vm0, $0x0, v10  }
0xc7: {  	v9 =	vadd.s32 v9, v10  }
0xc8: {  	[tilespmem:$0x6500] =	vst v9  }
0xc9: {  	v10 =	vld.idx.msk [tilespmem:v5+s5+$0x0], $0xffff;
	_ =	sdelay $0x4  }
0xca: {  	v10 =	vsel vm1, $0x0, v10  }
0xcb: {  	v9 =	vadd.s32 v9, v10  }
0xcc: {  	[tilespmem:$0x6500] =	vst v9  }
0xcd: {  	v10 =	vld.idx.msk [tilespmem:v7+s5+$0x0], $0xffff;
	_ =	sdelay $0x3  }
0xce: {  	s15 =	simm.s32 $0x0  }
0xcf: {  	v11 =	vadd.s32 s15, v3;
	v9 =	vsub.s32 v9, v8;
	v10 =	vsel vm2, $0x0, v10  }
0xd0: {  	v10 =	vadd.s32 v10, v9  }
0xd1: {  	v12 =	vmov s15;
	v9 =	vadd.s32 s15, v10  }
0xd2: {  	vm3 =	vlt.s32 v12, v8;
	vm4 =	vlt.s32 v9, $0x100  }
0xd3: {  	vm3 =	vmand vm3, vm4  }
0xd4: {  	v13 =	vld.idx.msk [tilespmem:v11+s4+$0x0], $0xffff  }
0xd5: {  	v12 =	vld.idx.msk [tilespmem:v11+s3+$0x0], $0xffff;
	s15 =	simm.s32 $0x1  }
0xd6: {  	v11 =	vadd.s32 s15, v3  }
0xd7: {  	s16 =	simm.s32 $0x2  }
.LBB2_4:
0xd8: {  	p1 =	sne.s32 s16, $0x2F  }
0xd9: {  	v14 =	vmov s15;
	v15 =	vadd.s32 s15, v10;
	s15 =	smov.u32 s16;
	[tilespmem:v9+s6+$0x0] =	vst.idx.msk vm3, v13  }
0xda: {  	vm4 =	vlt.s32 v14, v8;
	vm5 =	vlt.s32 v15, $0x100;
	[tilespmem:v9+s7+$0x0] =	vst.idx.msk vm3, v12;
	v9 =	vmov v15  }
.Ltmp3:
0xdb: {  	vm3 =	vmand vm4, vm5;
	v13 =	vld.idx.msk [tilespmem:v11+s4+$0x0], $0xffff;
	(pc) =	sbr.rel @p1 .LBB2_4-.Ltmp3, $3  }
0xdc: {  	v12 =	vld.idx.msk [tilespmem:v11+s3+$0x0], $0xffff;
	_ =	sdelay $0x1  }
0xdd: {  	v11 =	vadd.s32 s16, v3  }
0xde: {  	s16 =	sadd.s32 $0x1, s16  }
0xdf: {  	_ =	sdelay $0x3  }
0xe0: {  	v14 =	vmov s15;
	v10 =	vadd.s32 s15, v10  }
0xe1: {  	[tilespmem:v9+s6+$0x0] =	vst.idx.msk vm3, v13;
	vm4 =	vlt.s32 v14, v8;
	vm5 =	vlt.s32 v10, $0x100  }
0xe2: {  	[tilespmem:v9+s7+$0x0] =	vst.idx.msk vm3, v12;
	vm3 =	vmand vm4, vm5  }
0xe3: {  	v8 =	vld.idx.msk [tilespmem:v11+s4+$0x0], $0xffff  }
0xe4: {  	v9 =	vld.idx.msk [tilespmem:v11+s3+$0x0], $0xffff;
	_ =	sdelay $0x3  }
0xe5: {  	[tilespmem:v10+s6+$0x0] =	vst.idx.msk vm3, v8  }
0xe6: {  	s15 =	simm.s32 $0x0;
	[tilespmem:v10+s7+$0x0] =	vst.idx.msk vm3, v9  }
0xe7: {  	v8 =	vld [tilespmem:s15+$0x6C80];
	_ =	sdelay $0x7  }
0xe8: {  	v9 =	vld.idx.msk [tilespmem:v8+s18+$0x0], $0xffff;
	_ =	sdelay $0x4  }
0xe9: {  	[tilespmem:s15+$0x6D80] =	vst v9  }
0xea: {  	v9 =	vld.idx.msk [tilespmem:v8+s21+$0x0], $0xffff;
	_ =	sdelay $0x4  }
0xeb: {  	[tilespmem:s15+$0x6E80] =	vst v9  }
0xec: {  	v9 =	vld.idx.msk [tilespmem:v8+s22+$0x0], $0xffff;
	_ =	sdelay $0x3  }
0xed: {  	s24 =	simm.s32 $0x10;
	s16 =	simm.s32 $0x80  }
.LBB2_6:
0xee: {  	p1 =	sne.s32 s16, $0x3C0;
	v10 =	vld [tilespmem:s24+$0x6C80];
	[tilespmem:s15+$0x6F80] =	vst v9  }
0xef: {  	v9 =	vld.idx.msk [tilespmem:v8+s23+$0x0], $0xffff;
	_ =	sdelay $0x3  }
0xf0: {  	v8 =	vmov v10;
	_ =	sdelay $0x1  }
0xf1: {  	[tilespmem:s15+$0x7080] =	vst v9;
	s15 =	smov.u32 s24  }
0xf2: {  	v9 =	vld.idx.msk [tilespmem:v10+s18+$0x0], $0xffff;
	_ =	sdelay $0x5  }
0xf3: {  	[tilespmem:s15+$0x6D80] =	vst v9  }
0xf4: {  	v9 =	vld.idx.msk [tilespmem:v10+s21+$0x0], $0xffff;
	_ =	sdelay $0x5  }
0xf5: {  	[tilespmem:s15+$0x6E80] =	vst v9  }
0xf6: {  	v9 =	vld.idx.msk [tilespmem:v10+s22+$0x0], $0xffff  }
.Ltmp4:
0xf7: {  	(pc) =	sbr.rel @p1 .LBB2_6-.Ltmp4, $2  }
0xf8: {  	_ =	sdelay $0x2  }
0xf9: {  	s24 =	sshra.s32 s16, $0x2;
	s16 =	sadd.s32 $0x40, s16  }
0xfa: {  	_ =	sdelay $0x1  }
0xfb: {  	v10 =	vld [tilespmem:s24+$0x6C80]  }
0xfc: {  	[tilespmem:s15+$0x6F80] =	vst v9  }
0xfd: {  	v8 =	vld.idx.msk [tilespmem:v8+s23+$0x0], $0xffff;
	_ =	sdelay $0x4  }
0xfe: {  	[tilespmem:s15+$0x7080] =	vst v8  }
0xff: {  	v8 =	vld.idx.msk [tilespmem:v10+s18+$0x0], $0xffff;
	_ =	sdelay $0x4  }
0x100: {  	[tilespmem:s24+$0x6D80] =	vst v8  }
0x101: {  	v8 =	vld.idx.msk [tilespmem:v10+s21+$0x0], $0xffff;
	_ =	sdelay $0x4  }
0x102: {  	[tilespmem:s24+$0x6E80] =	vst v8  }
0x103: {  	v8 =	vld.idx.msk [tilespmem:v10+s22+$0x0], $0xffff;
	_ =	sdelay $0x4  }
0x104: {  	[tilespmem:s24+$0x6F80] =	vst v8  }
0x105: {  	v8 =	vld.idx.msk [tilespmem:v10+s23+$0x0], $0xffff;
	_ =	sdelay $0x4  }
0x106: {  	[tilespmem:s24+$0x7080] =	vst v8;
	s24 =	rddreg [dreg:$0x6]  }
0x107: {  	[hbm4b:s24+s29] =	stream.strided.scatter [tilespmem:s6], [sflag:$0x1], $0x100, s30, s29, $0x38;
	[tilespmem:$0x7180] =	vst v63  }
0x108: {  	_ =	swait.ge [sflag:s19], $0x100  }
0x109: {  	[sflag:s19] =	ssyncset.done $0x0  }
0x10a: {  	s16 =	rddreg [dreg:$0x7];
	[sflag:s19] =	ssyncadd.s32 $0xFFFFFF00  }
0x10b: {  	[hbm4b:s16+s29] =	stream.strided.scatter [tilespmem:s7], [sflag:$0x1], $0x100, s30, s29, $0x38;
	[tilespmem:$0x7180] =	vst v63  }
0x10c: {  	_ =	swait.ge [sflag:s19], $0x100  }
0x10d: {  	[sflag:s19] =	ssyncset.done $0x0  }
0x10e: {  	s24 =	rddreg [dreg:$0x8];
	[sflag:s19] =	ssyncadd.s32 $0xFFFFFF00  }
0x10f: {  	[hbm4b:s24+s29] =	stream.strided.scatter [tilespmem:s8], [sflag:$0x1], $0x100, s30, s29, $0x38;
	[tilespmem:$0x7180] =	vst v63  }
0x110: {  	_ =	swait.ge [sflag:s19], $0x100  }
0x111: {  	[sflag:s19] =	ssyncset.done $0x0  }
0x112: {  	s16 =	rddreg [dreg:$0x9];
	[sflag:s19] =	ssyncadd.s32 $0xFFFFFF00  }
0x113: {  	[hbm4b:s16+s29] =	stream.strided.scatter [tilespmem:s9], [sflag:$0x1], $0x100, s30, s29, $0x38;
	[tilespmem:$0x7180] =	vst v63  }
0x114: {  	_ =	swait.ge [sflag:s19], $0x100  }
0x115: {  	[sflag:s19] =	ssyncset.done $0x0  }
0x116: {  	s24 =	rddreg [dreg:$0xa];
	[sflag:s19] =	ssyncadd.s32 $0xFFFFFF00  }
0x117: {  	[hbm4b:s24+s29] =	stream.strided.scatter [tilespmem:s11], [sflag:$0x1], $0x100, s30, s29, $0x38;
	[tilespmem:$0x7180] =	vst v63  }
0x118: {  	_ =	swait.ge [sflag:s19], $0x100  }
0x119: {  	[sflag:s19] =	ssyncset.done $0x0  }
0x11a: {  	s16 =	rddreg [dreg:$0xb];
	[sflag:s19] =	ssyncadd.s32 $0xFFFFFF00  }
0x11b: {  	[hbm4b:s16+s29] =	stream.strided.scatter [tilespmem:s12], [sflag:$0x1], $0x100, s30, s29, $0x38;
	[tilespmem:$0x7180] =	vst v63  }
0x11c: {  	_ =	swait.ge [sflag:s19], $0x100  }
0x11d: {  	[sflag:s19] =	ssyncset.done $0x0  }
0x11e: {  	[sflag:s19] =	ssyncadd.s32 $0xFFFFFF00  }
0x11f: {  	[hbm4b:s25+s0] =	stream.linear.scatter [tilespmem:s13], [sflag:$0x1], $0x80, $0x38;
	[tilespmem:$0x7180] =	vst v63  }
0x120: {  	_ =	swait.ge [sflag:s19], $0x80  }
0x121: {  	[sflag:s19] =	ssyncset.done $0x0  }
0x122: {  	s24 =	rddreg [dreg:$0xc];
	[sflag:s19] =	ssyncadd.s32 $0xFFFFFF80  }
0x123: {  	[tilespmem:s0], [sflag:$0x1] =	stream.strided.gather [hbm4b:s24+s29], $0x1400, s30, s29, $0x38;
	[tilespmem:$0x7180] =	vst v63  }
0x124: {  	_ =	swait.ge [sflag:s19], $0x1400  }
0x125: {  	[sflag:s19] =	ssyncset.done $0x0  }
0x126: {  	[sflag:s19] =	ssyncadd.s32 $0xFFFFEC00  }
0x127: {  	[tilespmem:s2], [sflag:$0x1] =	stream.linear.gather [hbm4b:s26+s0], $0x80, $0x38;
	[tilespmem:$0x7180] =	vst v63  }
0x128: {  	_ =	swait.ge [sflag:s19], $0x80  }
0x129: {  	[sflag:s19] =	ssyncset.done $0x0  }
0x12a: {  	v8 =	vimm.s32 $0x0;
	[sflag:s19] =	ssyncadd.s32 $0xFFFFFF80  }
0x12b: {  	[tilespmem:$0x6C80] =	vst v8  }
0x12c: {  	[tilespmem:$0x6B80] =	vst v0  }
0x12d: {  	[tilespmem:$0x6C90] =	vst v8  }
0x12e: {  	[tilespmem:$0x6B90] =	vst v0  }
0x12f: {  	[tilespmem:$0x6CA0] =	vst v8  }
0x130: {  	[tilespmem:$0x6BA0] =	vst v0  }
0x131: {  	[tilespmem:$0x6CB0] =	vst v8  }
0x132: {  	[tilespmem:$0x6BB0] =	vst v0  }
0x133: {  	[tilespmem:$0x6CC0] =	vst v8  }
0x134: {  	[tilespmem:$0x6BC0] =	vst v0  }
0x135: {  	[tilespmem:$0x6CD0] =	vst v8  }
0x136: {  	[tilespmem:$0x6BD0] =	vst v0  }
0x137: {  	[tilespmem:$0x6CE0] =	vst v8  }
0x138: {  	[tilespmem:$0x6BE0] =	vst v0  }
0x139: {  	[tilespmem:$0x6CF0] =	vst v8  }
0x13a: {  	[tilespmem:$0x6BF0] =	vst v0  }
0x13b: {  	[tilespmem:$0x6D00] =	vst v8  }
0x13c: {  	[tilespmem:$0x6C00] =	vst v0  }
0x13d: {  	[tilespmem:$0x6D10] =	vst v8  }
0x13e: {  	[tilespmem:$0x6C10] =	vst v0  }
0x13f: {  	[tilespmem:$0x6D20] =	vst v8  }
0x140: {  	[tilespmem:$0x6C20] =	vst v0  }
0x141: {  	[tilespmem:$0x6D30] =	vst v8  }
0x142: {  	[tilespmem:$0x6C30] =	vst v0  }
0x143: {  	[tilespmem:$0x6D40] =	vst v8  }
0x144: {  	[tilespmem:$0x6C40] =	vst v0  }
0x145: {  	[tilespmem:$0x6D50] =	vst v8  }
0x146: {  	[tilespmem:$0x6C50] =	vst v0  }
0x147: {  	[tilespmem:$0x6D60] =	vst v8  }
0x148: {  	[tilespmem:$0x6C60] =	vst v0  }
0x149: {  	[tilespmem:$0x6D70] =	vst v8  }
0x14a: {  	s15 =	simm.s32 $0x30;
	s16 =	simm.s32 $0x20;
	[tilespmem:$0x6C70] =	vst v0  }
.LBB2_8:
0x14b: {  	v9 =	vld [tilespmem:$0x6400]  }
0x14c: {  	v10 =	vld [tilespmem:s16+$0xFFFFFFE0];
	_ =	sdelay $0x4  }
0x14d: {  	vm4 =	vlt.s32 v8, $0x30;
	vm3 =	vgt.f32 v10, v9  }
0x14e: {  	vm4 =	vmand vm4, vm3  }
0x14f: {  	v11 =	vadd.s32 v3, v8;
	_ =	sdelay $0x2  }
0x150: {  	s24 =	sadd.s32 $0xFFFFFFD0, s15  }
0x151: {  	v12 =	vor.u32 s24, v1  }
0x152: {  	[tilespmem:v11+s3+$0x0] =	vst.idx.msk vm4, v12  }
0x153: {  	[tilespmem:v11+s4+$0x0] =	vst.idx.msk vm4, v10  }
0x154: {  	v10 =	vld [tilespmem:s16+$0xFFFFFFF0];
	_ =	sdelay $0x2  }
0x155: {  	v11 =	vsel vm3, $0x1, v6  }
0x156: {  	v8 =	vadd.s32 v11, v8  }
0x157: {  	vm13 =	vlt.s32 v8, $0x30;
	vm3 =	vgt.f32 v10, v9  }
0x158: {  	vm4 =	vmand vm3, vm13  }
0x159: {  	v11 =	vadd.s32 v3, v8;
	_ =	sdelay $0x2  }
0x15a: {  	s24 =	sadd.s32 $0xFFFFFFE0, s15  }
0x15b: {  	v62 =	vor.u32 s24, v1  }
0x15c: {  	[tilespmem:v11+s3+$0x0] =	vst.idx.msk vm4, v62  }
0x15d: {  	[tilespmem:v11+s4+$0x0] =	vst.idx.msk vm4, v10  }
0x15e: {  	v10 =	vld [tilespmem:s16+$0x0];
	_ =	sdelay $0x2  }
0x15f: {  	v11 =	vsel vm3, $0x1, v6  }
0x160: {  	v8 =	vadd.s32 v11, v8  }
0x161: {  	vm14 =	vlt.s32 v8, $0x30;
	vm3 =	vgt.f32 v10, v9  }
0x162: {  	vm4 =	vmand vm3, vm14  }
0x163: {  	v11 =	vadd.s32 v3, v8;
	_ =	sdelay $0x2  }
0x164: {  	s24 =	sadd.s32 $0xFFFFFFF0, s15  }
0x165: {  	v63 =	vor.u32 s24, v1  }
0x166: {  	[tilespmem:v11+s3+$0x0] =	vst.idx.msk vm4, v63  }
0x167: {  	[tilespmem:v11+s4+$0x0] =	vst.idx.msk vm4, v10  }
0x168: {  	v10 =	vld [tilespmem:s16+$0x10];
	_ =	sdelay $0x2  }
0x169: {  	v11 =	vsel vm3, $0x1, v6  }
0x16a: {  	v8 =	vadd.s32 v11, v8  }
0x16b: {  	vm15 =	vlt.s32 v8, $0x30;
	vm3 =	vgt.f32 v10, v9  }
0x16c: {  	vm4 =	vmand vm3, vm15  }
0x16d: {  	v9 =	vadd.s32 v3, v8  }
0x16e: {  	p1 =	sne.s32 s15, $0x13F0  }
.Ltmp5:
0x16f: {  	_ = 	snop;
	(pc) =	sbr.rel @p1 .LBB2_8-.Ltmp5, $4  }
0x170: {  	_ = 	snop  }
0x171: {  	v11 =	vor.u32 s15, v1  }
0x172: {  	[tilespmem:v9+s3+$0x0] =	vst.idx.msk vm4, v11;
	v11 =	vsel vm3, $0x1, v6  }
0x173: {  	s16 =	sadd.s32 $0x40, s16;
	s15 =	sadd.s32 $0x40, s15;
	[tilespmem:v9+s4+$0x0] =	vst.idx.msk vm4, v10;
	v8 =	vadd.s32 v11, v8  }
0x174: {  	_ = 	snop  }
0x175: {  	vm3 =	vlt.s32 v8, $0x30  }
0x176: {  	[tilespmem:$0x6480] =	vst v8;
	v8 =	vnsel vm3, $0x30, v8  }
0x177: {  	[tilespmem:$0x6500] =	vst v8  }
0x178: {  	v9 =	vld.idx.msk [tilespmem:v2+s5+$0x0], $0xffff;
	_ =	sdelay $0x3  }
0x179: {  	vm3 =	veq.s32 v1, $0x0  }
0x17a: {  	v9 =	vsel vm3, $0x0, v9  }
0x17b: {  	v9 =	vadd.s32 v8, v9  }
0x17c: {  	[tilespmem:$0x6500] =	vst v9  }
0x17d: {  	v10 =	vld.idx.msk [tilespmem:v4+s5+$0x0], $0xffff;
	_ =	sdelay $0x4  }
0x17e: {  	v10 =	vsel vm0, $0x0, v10  }
0x17f: {  	v9 =	vadd.s32 v9, v10  }
0x180: {  	[tilespmem:$0x6500] =	vst v9  }
0x181: {  	v10 =	vld.idx.msk [tilespmem:v5+s5+$0x0], $0xffff;
	_ =	sdelay $0x4  }
0x182: {  	v10 =	vsel vm1, $0x0, v10  }
0x183: {  	v9 =	vadd.s32 v9, v10  }
0x184: {  	[tilespmem:$0x6500] =	vst v9  }
0x185: {  	v10 =	vld.idx.msk [tilespmem:v7+s5+$0x0], $0xffff;
	_ =	sdelay $0x3  }
0x186: {  	s15 =	simm.s32 $0x0  }
0x187: {  	v11 =	vadd.s32 s15, v3;
	v9 =	vsub.s32 v9, v8;
	v10 =	vsel vm2, $0x0, v10  }
0x188: {  	v10 =	vadd.s32 v10, v9  }
0x189: {  	v12 =	vmov s15;
	v9 =	vadd.s32 s15, v10  }
0x18a: {  	vm3 =	vlt.s32 v12, v8;
	vm4 =	vlt.s32 v9, $0x100  }
0x18b: {  	vm3 =	vmand vm3, vm4  }
0x18c: {  	v13 =	vld.idx.msk [tilespmem:v11+s4+$0x0], $0xffff  }
0x18d: {  	v12 =	vld.idx.msk [tilespmem:v11+s3+$0x0], $0xffff;
	s15 =	simm.s32 $0x1  }
0x18e: {  	v11 =	vadd.s32 s15, v3  }
0x18f: {  	s16 =	simm.s32 $0x2  }
.LBB2_10:
0x190: {  	p1 =	sne.s32 s16, $0x2F  }
0x191: {  	v14 =	vmov s15;
	v15 =	vadd.s32 s15, v10;
	s15 =	smov.u32 s16;
	[tilespmem:v9+s6+$0x0] =	vst.idx.msk vm3, v13  }
0x192: {  	vm4 =	vlt.s32 v14, v8;
	vm5 =	vlt.s32 v15, $0x100;
	[tilespmem:v9+s7+$0x0] =	vst.idx.msk vm3, v12;
	v9 =	vmov v15  }
.Ltmp6:
0x193: {  	vm3 =	vmand vm4, vm5;
	v13 =	vld.idx.msk [tilespmem:v11+s4+$0x0], $0xffff;
	(pc) =	sbr.rel @p1 .LBB2_10-.Ltmp6, $3  }
0x194: {  	v12 =	vld.idx.msk [tilespmem:v11+s3+$0x0], $0xffff;
	_ =	sdelay $0x1  }
0x195: {  	v11 =	vadd.s32 s16, v3  }
0x196: {  	s16 =	sadd.s32 $0x1, s16  }
0x197: {  	_ =	sdelay $0x3  }
0x198: {  	v14 =	vmov s15;
	v10 =	vadd.s32 s15, v10  }
0x199: {  	[tilespmem:v9+s6+$0x0] =	vst.idx.msk vm3, v13;
	vm4 =	vlt.s32 v14, v8;
	vm5 =	vlt.s32 v10, $0x100  }
0x19a: {  	[tilespmem:v9+s7+$0x0] =	vst.idx.msk vm3, v12;
	vm3 =	vmand vm4, vm5  }
0x19b: {  	v8 =	vld.idx.msk [tilespmem:v11+s4+$0x0], $0xffff  }
0x19c: {  	v9 =	vld.idx.msk [tilespmem:v11+s3+$0x0], $0xffff;
	_ =	sdelay $0x3  }
0x19d: {  	[tilespmem:v10+s6+$0x0] =	vst.idx.msk vm3, v8  }
0x19e: {  	s15 =	simm.s32 $0x0;
	[tilespmem:v10+s7+$0x0] =	vst.idx.msk vm3, v9  }
0x19f: {  	v8 =	vld [tilespmem:s15+$0x6C80];
	_ =	sdelay $0x7  }
0x1a0: {  	v9 =	vld.idx.msk [tilespmem:v8+s18+$0x0], $0xffff;
	_ =	sdelay $0x4  }
0x1a1: {  	[tilespmem:s15+$0x6D80] =	vst v9  }
0x1a2: {  	v9 =	vld.idx.msk [tilespmem:v8+s21+$0x0], $0xffff;
	_ =	sdelay $0x4  }
0x1a3: {  	[tilespmem:s15+$0x6E80] =	vst v9  }
0x1a4: {  	v9 =	vld.idx.msk [tilespmem:v8+s22+$0x0], $0xffff;
	_ =	sdelay $0x3  }
0x1a5: {  	s24 =	simm.s32 $0x10;
	s16 =	simm.s32 $0x80  }
.LBB2_12:
0x1a6: {  	p1 =	sne.s32 s16, $0x3C0;
	v10 =	vld [tilespmem:s24+$0x6C80];
	[tilespmem:s15+$0x6F80] =	vst v9  }
0x1a7: {  	v9 =	vld.idx.msk [tilespmem:v8+s23+$0x0], $0xffff;
	_ =	sdelay $0x3  }
0x1a8: {  	v8 =	vmov v10;
	_ =	sdelay $0x1  }
0x1a9: {  	[tilespmem:s15+$0x7080] =	vst v9;
	s15 =	smov.u32 s24  }
0x1aa: {  	v9 =	vld.idx.msk [tilespmem:v10+s18+$0x0], $0xffff;
	_ =	sdelay $0x5  }
0x1ab: {  	[tilespmem:s15+$0x6D80] =	vst v9  }
0x1ac: {  	v9 =	vld.idx.msk [tilespmem:v10+s21+$0x0], $0xffff;
	_ =	sdelay $0x5  }
0x1ad: {  	[tilespmem:s15+$0x6E80] =	vst v9  }
0x1ae: {  	v9 =	vld.idx.msk [tilespmem:v10+s22+$0x0], $0xffff  }
.Ltmp7:
0x1af: {  	(pc) =	sbr.rel @p1 .LBB2_12-.Ltmp7, $2  }
0x1b0: {  	_ =	sdelay $0x2  }
0x1b1: {  	s24 =	sshra.s32 s16, $0x2;
	s16 =	sadd.s32 $0x40, s16  }
0x1b2: {  	_ =	sdelay $0x1  }
0x1b3: {  	v10 =	vld [tilespmem:s24+$0x6C80]  }
0x1b4: {  	[tilespmem:s15+$0x6F80] =	vst v9  }
0x1b5: {  	v8 =	vld.idx.msk [tilespmem:v8+s23+$0x0], $0xffff;
	_ =	sdelay $0x4  }
0x1b6: {  	[tilespmem:s15+$0x7080] =	vst v8  }
0x1b7: {  	v8 =	vld.idx.msk [tilespmem:v10+s18+$0x0], $0xffff;
	_ =	sdelay $0x4  }
0x1b8: {  	[tilespmem:s24+$0x6D80] =	vst v8  }
0x1b9: {  	v8 =	vld.idx.msk [tilespmem:v10+s21+$0x0], $0xffff;
	_ =	sdelay $0x4  }
0x1ba: {  	[tilespmem:s24+$0x6E80] =	vst v8  }
0x1bb: {  	v8 =	vld.idx.msk [tilespmem:v10+s22+$0x0], $0xffff;
	_ =	sdelay $0x4  }
0x1bc: {  	[tilespmem:s24+$0x6F80] =	vst v8  }
0x1bd: {  	v8 =	vld.idx.msk [tilespmem:v10+s23+$0x0], $0xffff;
	_ =	sdelay $0x4  }
0x1be: {  	s16 =	rddreg [dreg:$0xe];
	[tilespmem:s24+$0x7080] =	vst v8  }
0x1bf: {  	[hbm4b:s16+s29] =	stream.strided.scatter [tilespmem:s6], [sflag:$0x1], $0x100, s30, s29, $0x38;
	[tilespmem:$0x7180] =	vst v63  }
0x1c0: {  	_ =	swait.ge [sflag:s19], $0x100  }
0x1c1: {  	[sflag:s19] =	ssyncset.done $0x0  }
0x1c2: {  	s24 =	rddreg [dreg:$0xf];
	[sflag:s19] =	ssyncadd.s32 $0xFFFFFF00  }
0x1c3: {  	[hbm4b:s24+s29] =	stream.strided.scatter [tilespmem:s7], [sflag:$0x1], $0x100, s30, s29, $0x38;
	[tilespmem:$0x7180] =	vst v63  }
0x1c4: {  	_ =	swait.ge [sflag:s19], $0x100  }
0x1c5: {  	[sflag:s19] =	ssyncset.done $0x0  }
0x1c6: {  	s16 =	rddreg [dreg:$0x10];
	[sflag:s19] =	ssyncadd.s32 $0xFFFFFF00  }
0x1c7: {  	[hbm4b:s16+s29] =	stream.strided.scatter [tilespmem:s8], [sflag:$0x1], $0x100, s30, s29, $0x38;
	[tilespmem:$0x7180] =	vst v63  }
0x1c8: {  	_ =	swait.ge [sflag:s19], $0x100  }
0x1c9: {  	[sflag:s19] =	ssyncset.done $0x0  }
0x1ca: {  	s24 =	rddreg [dreg:$0x11];
	[sflag:s19] =	ssyncadd.s32 $0xFFFFFF00  }
0x1cb: {  	[hbm4b:s24+s29] =	stream.strided.scatter [tilespmem:s9], [sflag:$0x1], $0x100, s30, s29, $0x38;
	[tilespmem:$0x7180] =	vst v63  }
0x1cc: {  	_ =	swait.ge [sflag:s19], $0x100  }
0x1cd: {  	[sflag:s19] =	ssyncset.done $0x0  }
0x1ce: {  	s16 =	rddreg [dreg:$0x12];
	[sflag:s19] =	ssyncadd.s32 $0xFFFFFF00  }
0x1cf: {  	[hbm4b:s16+s29] =	stream.strided.scatter [tilespmem:s11], [sflag:$0x1], $0x100, s30, s29, $0x38;
	[tilespmem:$0x7180] =	vst v63  }
0x1d0: {  	_ =	swait.ge [sflag:s19], $0x100  }
0x1d1: {  	[sflag:s19] =	ssyncset.done $0x0  }
0x1d2: {  	s24 =	rddreg [dreg:$0x13];
	[sflag:s19] =	ssyncadd.s32 $0xFFFFFF00  }
0x1d3: {  	[hbm4b:s24+s29] =	stream.strided.scatter [tilespmem:s12], [sflag:$0x1], $0x100, s30, s29, $0x38;
	[tilespmem:$0x7180] =	vst v63  }
0x1d4: {  	_ =	swait.ge [sflag:s19], $0x100  }
0x1d5: {  	[sflag:s19] =	ssyncset.done $0x0  }
.Ltmp8:
0x1d6: {  	[sflag:s19] =	ssyncadd.s32 $0xFFFFFF00;
	(pc) =	sbr.rel @p0 .LBB2_21-.Ltmp8, $4  }
0x1d7: {  	[hbm4b:s28+s0] =	stream.linear.scatter [tilespmem:s13], [sflag:$0x1], $0x80, $0x38;
	[tilespmem:$0x7180] =	vst v63  }
0x1d8: {  	_ =	swait.ge [sflag:s19], $0x80  }
0x1d9: {  	[sflag:s19] =	ssyncset.done $0x0  }
0x1da: {  	[sflag:s19] =	ssyncadd.s32 $0xFFFFFF80  }
0x1db: {  	s15 =	rddreg [dreg:$0xd]  }
0x1dc: {  	[tilespmem:s0], [sflag:$0x1] =	stream.strided.gather [hbm4b:s15+s29], $0x1400, s30, s29, $0x38;
	[tilespmem:$0x7180] =	vst v63  }
0x1dd: {  	_ =	swait.ge [sflag:s19], $0x1400  }
0x1de: {  	[sflag:s19] =	ssyncset.done $0x0  }
0x1df: {  	s24 =	rddreg [dreg:$0x1b];
	[sflag:s19] =	ssyncadd.s32 $0xFFFFEC00  }
0x1e0: {  	[tilespmem:s2], [sflag:$0x1] =	stream.linear.gather [hbm4b:s24+s0], $0x80, $0x38;
	[tilespmem:$0x7180] =	vst v63  }
0x1e1: {  	_ =	swait.ge [sflag:s19], $0x80  }
0x1e2: {  	[sflag:s19] =	ssyncset.done $0x0  }
0x1e3: {  	v8 =	vimm.s32 $0x0;
	[sflag:s19] =	ssyncadd.s32 $0xFFFFFF80  }
0x1e4: {  	[tilespmem:$0x6C80] =	vst v8  }
0x1e5: {  	[tilespmem:$0x6B80] =	vst v0  }
0x1e6: {  	[tilespmem:$0x6C90] =	vst v8  }
0x1e7: {  	[tilespmem:$0x6B90] =	vst v0  }
0x1e8: {  	[tilespmem:$0x6CA0] =	vst v8  }
0x1e9: {  	[tilespmem:$0x6BA0] =	vst v0  }
0x1ea: {  	[tilespmem:$0x6CB0] =	vst v8  }
0x1eb: {  	[tilespmem:$0x6BB0] =	vst v0  }
0x1ec: {  	[tilespmem:$0x6CC0] =	vst v8  }
0x1ed: {  	[tilespmem:$0x6BC0] =	vst v0  }
0x1ee: {  	[tilespmem:$0x6CD0] =	vst v8  }
0x1ef: {  	[tilespmem:$0x6BD0] =	vst v0  }
0x1f0: {  	[tilespmem:$0x6CE0] =	vst v8  }
0x1f1: {  	[tilespmem:$0x6BE0] =	vst v0  }
0x1f2: {  	[tilespmem:$0x6CF0] =	vst v8  }
0x1f3: {  	[tilespmem:$0x6BF0] =	vst v0  }
0x1f4: {  	[tilespmem:$0x6D00] =	vst v8  }
0x1f5: {  	[tilespmem:$0x6C00] =	vst v0  }
0x1f6: {  	[tilespmem:$0x6D10] =	vst v8  }
0x1f7: {  	[tilespmem:$0x6C10] =	vst v0  }
0x1f8: {  	[tilespmem:$0x6D20] =	vst v8  }
0x1f9: {  	[tilespmem:$0x6C20] =	vst v0  }
0x1fa: {  	[tilespmem:$0x6D30] =	vst v8  }
0x1fb: {  	[tilespmem:$0x6C30] =	vst v0  }
0x1fc: {  	[tilespmem:$0x6D40] =	vst v8  }
0x1fd: {  	[tilespmem:$0x6C40] =	vst v0  }
0x1fe: {  	[tilespmem:$0x6D50] =	vst v8  }
0x1ff: {  	[tilespmem:$0x6C50] =	vst v0  }
0x200: {  	[tilespmem:$0x6D60] =	vst v8  }
0x201: {  	[tilespmem:$0x6C60] =	vst v0  }
0x202: {  	[tilespmem:$0x6D70] =	vst v8  }
0x203: {  	s16 =	simm.s32 $0x20;
	s15 =	simm.s32 $0x30;
	[tilespmem:$0x6C70] =	vst v0  }
.LBB2_15:
0x204: {  	v9 =	vld [tilespmem:$0x6400]  }
0x205: {  	v10 =	vld [tilespmem:s16+$0xFFFFFFE0];
	_ =	sdelay $0x4  }
0x206: {  	vm4 =	vlt.s32 v8, $0x30;
	vm3 =	vgt.f32 v10, v9  }
0x207: {  	vm4 =	vmand vm4, vm3  }
0x208: {  	v11 =	vadd.s32 v3, v8;
	_ =	sdelay $0x2  }
0x209: {  	s24 =	sadd.s32 $0xFFFFFFD0, s15  }
0x20a: {  	v12 =	vor.u32 s24, v1  }
0x20b: {  	[tilespmem:v11+s3+$0x0] =	vst.idx.msk vm4, v12  }
0x20c: {  	[tilespmem:v11+s4+$0x0] =	vst.idx.msk vm4, v10  }
0x20d: {  	v10 =	vld [tilespmem:s16+$0xFFFFFFF0];
	_ =	sdelay $0x2  }
0x20e: {  	v11 =	vsel vm3, $0x1, v6  }
0x20f: {  	v8 =	vadd.s32 v11, v8  }
0x210: {  	vm13 =	vlt.s32 v8, $0x30;
	vm3 =	vgt.f32 v10, v9  }
0x211: {  	vm4 =	vmand vm3, vm13  }
0x212: {  	v11 =	vadd.s32 v3, v8;
	_ =	sdelay $0x2  }
0x213: {  	s24 =	sadd.s32 $0xFFFFFFE0, s15  }
0x214: {  	v62 =	vor.u32 s24, v1  }
0x215: {  	[tilespmem:v11+s3+$0x0] =	vst.idx.msk vm4, v62  }
0x216: {  	[tilespmem:v11+s4+$0x0] =	vst.idx.msk vm4, v10  }
0x217: {  	v10 =	vld [tilespmem:s16+$0x0];
	_ =	sdelay $0x2  }
0x218: {  	v11 =	vsel vm3, $0x1, v6  }
0x219: {  	v8 =	vadd.s32 v11, v8  }
0x21a: {  	vm14 =	vlt.s32 v8, $0x30;
	vm3 =	vgt.f32 v10, v9  }
0x21b: {  	vm4 =	vmand vm3, vm14  }
0x21c: {  	v11 =	vadd.s32 v3, v8;
	_ =	sdelay $0x2  }
0x21d: {  	s24 =	sadd.s32 $0xFFFFFFF0, s15  }
0x21e: {  	v63 =	vor.u32 s24, v1  }
0x21f: {  	[tilespmem:v11+s3+$0x0] =	vst.idx.msk vm4, v63  }
0x220: {  	[tilespmem:v11+s4+$0x0] =	vst.idx.msk vm4, v10  }
0x221: {  	v10 =	vld [tilespmem:s16+$0x10];
	_ =	sdelay $0x2  }
0x222: {  	v11 =	vsel vm3, $0x1, v6  }
0x223: {  	v8 =	vadd.s32 v11, v8  }
0x224: {  	vm15 =	vlt.s32 v8, $0x30;
	vm3 =	vgt.f32 v10, v9  }
0x225: {  	vm4 =	vmand vm3, vm15  }
0x226: {  	v9 =	vadd.s32 v3, v8  }
0x227: {  	p1 =	sne.s32 s15, $0x13F0  }
.Ltmp9:
0x228: {  	_ = 	snop;
	(pc) =	sbr.rel @p1 .LBB2_15-.Ltmp9, $4  }
0x229: {  	_ = 	snop  }
0x22a: {  	v11 =	vor.u32 s15, v1  }
0x22b: {  	[tilespmem:v9+s3+$0x0] =	vst.idx.msk vm4, v11;
	v11 =	vsel vm3, $0x1, v6  }
0x22c: {  	s16 =	sadd.s32 $0x40, s16;
	s15 =	sadd.s32 $0x40, s15;
	[tilespmem:v9+s4+$0x0] =	vst.idx.msk vm4, v10;
	v8 =	vadd.s32 v11, v8  }
0x22d: {  	_ = 	snop  }
0x22e: {  	vm3 =	vlt.s32 v8, $0x30  }
0x22f: {  	[tilespmem:$0x6480] =	vst v8;
	v8 =	vnsel vm3, $0x30, v8  }
0x230: {  	[tilespmem:$0x6500] =	vst v8  }
0x231: {  	v9 =	vld.idx.msk [tilespmem:v2+s5+$0x0], $0xffff;
	_ =	sdelay $0x3  }
0x232: {  	vm3 =	veq.s32 v1, $0x0  }
0x233: {  	v9 =	vsel vm3, $0x0, v9  }
0x234: {  	v9 =	vadd.s32 v8, v9  }
0x235: {  	[tilespmem:$0x6500] =	vst v9  }
0x236: {  	v10 =	vld.idx.msk [tilespmem:v4+s5+$0x0], $0xffff;
	_ =	sdelay $0x4  }
0x237: {  	v10 =	vsel vm0, $0x0, v10  }
0x238: {  	v9 =	vadd.s32 v9, v10  }
0x239: {  	[tilespmem:$0x6500] =	vst v9  }
0x23a: {  	v10 =	vld.idx.msk [tilespmem:v5+s5+$0x0], $0xffff;
	_ =	sdelay $0x4  }
0x23b: {  	v10 =	vsel vm1, $0x0, v10  }
0x23c: {  	v9 =	vadd.s32 v9, v10  }
0x23d: {  	[tilespmem:$0x6500] =	vst v9  }
0x23e: {  	v10 =	vld.idx.msk [tilespmem:v7+s5+$0x0], $0xffff;
	_ =	sdelay $0x3  }
0x23f: {  	s15 =	simm.s32 $0x0  }
0x240: {  	v11 =	vadd.s32 s15, v3;
	v9 =	vsub.s32 v9, v8;
	v10 =	vsel vm2, $0x0, v10  }
0x241: {  	v10 =	vadd.s32 v10, v9  }
0x242: {  	v12 =	vmov s15;
	v9 =	vadd.s32 s15, v10  }
0x243: {  	vm3 =	vlt.s32 v12, v8;
	vm4 =	vlt.s32 v9, $0x100  }
0x244: {  	vm3 =	vmand vm3, vm4  }
0x245: {  	v13 =	vld.idx.msk [tilespmem:v11+s4+$0x0], $0xffff  }
0x246: {  	v12 =	vld.idx.msk [tilespmem:v11+s3+$0x0], $0xffff;
	s15 =	simm.s32 $0x1  }
0x247: {  	v11 =	vadd.s32 s15, v3  }
0x248: {  	s16 =	simm.s32 $0x2  }
.LBB2_17:
0x249: {  	p1 =	sne.s32 s16, $0x2F  }
0x24a: {  	v14 =	vmov s15;
	v15 =	vadd.s32 s15, v10;
	s15 =	smov.u32 s16;
	[tilespmem:v9+s6+$0x0] =	vst.idx.msk vm3, v13  }
0x24b: {  	vm4 =	vlt.s32 v14, v8;
	vm5 =	vlt.s32 v15, $0x100;
	[tilespmem:v9+s7+$0x0] =	vst.idx.msk vm3, v12;
	v9 =	vmov v15  }
.Ltmp10:
0x24c: {  	vm3 =	vmand vm4, vm5;
	v13 =	vld.idx.msk [tilespmem:v11+s4+$0x0], $0xffff;
	(pc) =	sbr.rel @p1 .LBB2_17-.Ltmp10, $3  }
0x24d: {  	v12 =	vld.idx.msk [tilespmem:v11+s3+$0x0], $0xffff;
	_ =	sdelay $0x1  }
0x24e: {  	v11 =	vadd.s32 s16, v3  }
0x24f: {  	s16 =	sadd.s32 $0x1, s16  }
0x250: {  	_ =	sdelay $0x3  }
0x251: {  	v14 =	vmov s15;
	v10 =	vadd.s32 s15, v10  }
0x252: {  	[tilespmem:v9+s6+$0x0] =	vst.idx.msk vm3, v13;
	vm4 =	vlt.s32 v14, v8;
	vm5 =	vlt.s32 v10, $0x100  }
0x253: {  	[tilespmem:v9+s7+$0x0] =	vst.idx.msk vm3, v12;
	vm3 =	vmand vm4, vm5  }
0x254: {  	v8 =	vld.idx.msk [tilespmem:v11+s4+$0x0], $0xffff  }
0x255: {  	v9 =	vld.idx.msk [tilespmem:v11+s3+$0x0], $0xffff;
	_ =	sdelay $0x3  }
0x256: {  	[tilespmem:v10+s6+$0x0] =	vst.idx.msk vm3, v8  }
0x257: {  	s15 =	simm.s32 $0x0;
	[tilespmem:v10+s7+$0x0] =	vst.idx.msk vm3, v9  }
0x258: {  	v8 =	vld [tilespmem:s15+$0x6C80];
	_ =	sdelay $0x7  }
0x259: {  	v9 =	vld.idx.msk [tilespmem:v8+s18+$0x0], $0xffff;
	_ =	sdelay $0x4  }
0x25a: {  	[tilespmem:s15+$0x6D80] =	vst v9  }
0x25b: {  	v9 =	vld.idx.msk [tilespmem:v8+s21+$0x0], $0xffff;
	_ =	sdelay $0x4  }
0x25c: {  	[tilespmem:s15+$0x6E80] =	vst v9  }
0x25d: {  	v9 =	vld.idx.msk [tilespmem:v8+s22+$0x0], $0xffff;
	_ =	sdelay $0x3  }
0x25e: {  	s24 =	simm.s32 $0x10;
	s16 =	simm.s32 $0x80  }
.LBB2_19:
0x25f: {  	p1 =	sne.s32 s16, $0x3C0;
	v10 =	vld [tilespmem:s24+$0x6C80];
	[tilespmem:s15+$0x6F80] =	vst v9  }
0x260: {  	v9 =	vld.idx.msk [tilespmem:v8+s23+$0x0], $0xffff;
	_ =	sdelay $0x3  }
0x261: {  	v8 =	vmov v10;
	_ =	sdelay $0x1  }
0x262: {  	[tilespmem:s15+$0x7080] =	vst v9;
	s15 =	smov.u32 s24  }
0x263: {  	v9 =	vld.idx.msk [tilespmem:v10+s18+$0x0], $0xffff;
	_ =	sdelay $0x5  }
0x264: {  	[tilespmem:s15+$0x6D80] =	vst v9  }
0x265: {  	v9 =	vld.idx.msk [tilespmem:v10+s21+$0x0], $0xffff;
	_ =	sdelay $0x5  }
0x266: {  	[tilespmem:s15+$0x6E80] =	vst v9  }
0x267: {  	v9 =	vld.idx.msk [tilespmem:v10+s22+$0x0], $0xffff  }
.Ltmp11:
0x268: {  	(pc) =	sbr.rel @p1 .LBB2_19-.Ltmp11, $2  }
0x269: {  	_ =	sdelay $0x2  }
0x26a: {  	s24 =	sshra.s32 s16, $0x2;
	s16 =	sadd.s32 $0x40, s16  }
.Ltmp12:
0x26b: {  	_ = 	snop;
	(pc) =	sbr.rel .LBB2_20-.Ltmp12, $1  }
0x26c: {  	_ =	sdelay $0x3  }
.LBB2_22:
0x26d: {  	_ =	sfence.sel $0x180000  }
0x26e: {  	[bflag:$0x0] =	sbarrier.arrive $0xFFFF  }
0x26f: {  	_ =	strace $0x90000047  }
0x270: {  	s0 =	stileid.u32;
	[bflag:$0x2] =	sbarrier.arrive $0xFFFF  }
0x271: {  	p0 =	sne.s32 s0, $0x0;
	s0 =	rddreg [dreg:$0x4]  }
0x272: {  	s0 =	sadd.s32 @!p0 $0x100000, s0  }
0x273: {  	[sflag:s0] =	ssyncadd.tile.s32 @!p0 $0x1;
	_ =	shalt  }
.Lfunc_end2:
_tile_overlayer_lowered:
.L_overlay_start_2:
0x274: {  	(tag) =	ssettag $0x2  }
0x275: {  	s0 =	rddreg [dreg:$0x0];
	s2 =	stileid.u32  }
0x276: {  	s1 =	rddreg [dreg:$0x1];
	p0 =	sne.s32 s2, $0x0  }
0x277: {  	s3 =	rddreg [dreg:$0x2];
	[bflag:$0x3] =	sbarrier.arrive $0xFFFF;
	s2 =	simm.s32 @!p0 $0x1C01  }
0x278: {  	[timem:s3], [sflag:s2] =	dma.local @!p0 [hbm:s0], s1  }
0x279: {  	s0 =	simm.s32 @!p0 $0x1  }
0x27a: {  	_ =	swait.ge @!p0 [sflag:s0], s1  }
0x27b: {  	s1 =	ssub.s32 @!p0 $0x0, s1;
	[sflag:s0] =	ssyncset.done @!p0 $0x0  }
0x27c: {  	[sflag:s0] =	ssyncadd.s32 @!p0 s1  }
0x27d: {  	[bflag:$0x3] =	sbarrier.arrive $0xFFFF  }
0x27e: {  	_ =	shalt  }

</sc_bundles>
